<compile_context>
chip_gen: v7x
topology: tpu7x:2x2x1
jax: 0.10.2.dev20260603
libtpu: 0.0.44.dev20260713+nightly
codegen_flags: <defaults>
</compile_context>

<pallas_src>
import functools

import jax
import jax.numpy as jnp
from jax import lax
from jax.experimental import pallas as pl
from jax.experimental.pallas import tpu as pltpu
from jax.experimental.pallas import tpu_sc as plsc

_SCALE = 10.0
_D = 128
_S = 26
_V = 4096
_B = _V * _S
_NBUF = 6


def _make_kernel():
    info = plsc.get_sparse_core_info()
    nc, ns = info.num_cores, info.num_subcores
    nw = nc * ns
    v_per_w = _V // nw

    mesh = plsc.VectorSubcoreMesh(core_axis_name="c", subcore_axis_name="s")

    @functools.partial(
        pl.kernel,
        mesh=mesh,
        out_type=jax.ShapeDtypeStruct((_B, _D), jnp.float32),
        scratch_types=(
            [pltpu.VMEM((_S, v_per_w), jnp.int32)]
            + [pltpu.VMEM((v_per_w, _D), jnp.float32)] * _NBUF
            + [pltpu.SemaphoreType.DMA] * (2 * _NBUF)
        ),
    )
    def k(xt_hbm, w_hbm, out_hbm, idx_v, *bufs_and_sems):
        bufs = bufs_and_sems[:_NBUF]
        gsems = bufs_and_sems[_NBUF:2 * _NBUF]
        ssems = bufs_and_sems[2 * _NBUF:]
        wid = lax.axis_index("s") * nc + lax.axis_index("c")
        vbase = wid * v_per_w
        pltpu.sync_copy(xt_hbm.at[:, pl.ds(vbase, v_per_w)], idx_v)

        def gather(c, b):
            pltpu.async_copy(w_hbm.at[idx_v.at[c]], bufs[b], gsems[b])

        def out_slice(c):
            return out_hbm.at[pl.ds(c * _V + vbase, v_per_w)]

        for b in range(_NBUF):
            gather(b, b)

        def step(g, carry):
            for b in range(_NBUF):
                c = _NBUF * g + b
                buf, gs, ss = bufs[b], gsems[b], ssems[b]

                @pl.when(c < _S)
                def _():
                    pltpu.make_async_copy(
                        w_hbm.at[idx_v.at[c]], buf, gs).wait()

                    @plsc.parallel_loop(0, v_per_w, step=2, unroll=2)
                    def _(i):
                        for r in range(2):
                            for j in range(_D // 16):
                                sl = pl.ds(j * 16, 16)
                                buf[i + r, sl] = buf[i + r, sl] * _SCALE

                    pltpu.async_copy(buf, out_slice(c), ss)

                    @pl.when(c + _NBUF < _S)
                    def _():
                        pltpu.make_async_copy(buf, out_slice(c), ss).wait()
                        gather(c + _NBUF, b)
            return carry

        nsteps = (_S + _NBUF - 1) // _NBUF
        lax.fori_loop(0, nsteps, step, 0, unroll=False)

        for b in range(_NBUF):
            c = _S - _NBUF + b
            pltpu.make_async_copy(bufs[b], out_slice(c), ssems[b]).wait()

    return k


_kernel_call = _make_kernel()


def kernel(x, weight):
    x_t = x.astype(jnp.int32).T
    out = _kernel_call(x_t, weight)
    return out.reshape(_S, _V, _D).transpose(1, 0, 2)

# --- scband reference (transcript-rebuilt; emitter-appended) ---
"""Pipeline reference for scband-scaled-embedding-10471130268284 (READ-ONLY COPY).

The authoritative reference and input builder live on the scoring server;
editing this copy changes nothing except your own understanding.
"""

import jax, jax.numpy as jnp
import numpy as np

NUM_EMBEDDINGS = 100000
EMBEDDING_DIM = 128
SCALE = 10.0


def setup_inputs(seed: int = 0) -> dict:
    key = jax.random.key(seed)
    k_idx, k_w = jax.random.split(key)
    x = jax.random.randint(k_idx, (4096, 26), 0, NUM_EMBEDDINGS, dtype=jnp.int64 if jax.config.jax_enable_x64 else jnp.int32)
    # nn.Embedding init: weight ~ N(0, 1); module then divides stored weight by scale
    weight = jax.random.normal(k_w, (NUM_EMBEDDINGS, EMBEDDING_DIM), dtype=jnp.float32) / SCALE
    return {"x": x, "weight": weight}


def reference(x, weight):
    # forward: out = embedding(x) * scale
    out = jnp.take(weight, x, axis=0) * SCALE
    return out

if __name__ == "__main__":
    import jax
    _d = setup_inputs()
    print(jax.jit(kernel)(*tuple(_d.values())))

</pallas_src>

<mosaic_0001>
#map = affine_map<(d0, d1) -> (0, 0)>
module attributes {stable_mosaic.version = 14 : i64} {
  func.func @k(%arg0: i32, %arg1: i32, %arg2: memref<26x4096xi32, #tpu.memory_space<hbm>>, %arg3: memref<100000x128xf32, #tpu.memory_space<hbm>>, %arg4: memref<106496x128xf32, #tpu.memory_space<hbm>>, %arg5: memref<26x128xi32, #tpu.memory_space<vmem>>, %arg6: memref<128x128xf32, #tpu.memory_space<vmem>>, %arg7: memref<128x128xf32, #tpu.memory_space<vmem>>, %arg8: memref<128x128xf32, #tpu.memory_space<vmem>>, %arg9: memref<128x128xf32, #tpu.memory_space<vmem>>, %arg10: memref<128x128xf32, #tpu.memory_space<vmem>>, %arg11: memref<128x128xf32, #tpu.memory_space<vmem>>, %arg12: memref<!tpu.dma_semaphore, #tpu.memory_space<semaphore_mem>>, %arg13: memref<!tpu.dma_semaphore, #tpu.memory_space<semaphore_mem>>, %arg14: memref<!tpu.dma_semaphore, #tpu.memory_space<semaphore_mem>>, %arg15: memref<!tpu.dma_semaphore, #tpu.memory_space<semaphore_mem>>, %arg16: memref<!tpu.dma_semaphore, #tpu.memory_space<semaphore_mem>>, %arg17: memref<!tpu.dma_semaphore, #tpu.memory_space<semaphore_mem>>, %arg18: memref<!tpu.dma_semaphore, #tpu.memory_space<semaphore_mem>>, %arg19: memref<!tpu.dma_semaphore, #tpu.memory_space<semaphore_mem>>, %arg20: memref<!tpu.dma_semaphore, #tpu.memory_space<semaphore_mem>>, %arg21: memref<!tpu.dma_semaphore, #tpu.memory_space<semaphore_mem>>, %arg22: memref<!tpu.dma_semaphore, #tpu.memory_space<semaphore_mem>>, %arg23: memref<!tpu.dma_semaphore, #tpu.memory_space<semaphore_mem>>) attributes {dimension_semantics = [#tpu.dimension_semantics<core_parallel>, #tpu.dimension_semantics<subcore_parallel>], iteration_bounds = array<i64: 2, 16>, scalar_prefetch = 0 : i64, scratch_operands = 19 : i64, tpu.core_type = #tpu.core_type<sc_vector_subcore>, window_params = [{transform_indices = #map}, {transform_indices = #map}, {transform_indices = #map}]} {
    %mul3A = arith.constant 2 : i32
    %mul3A_0 = arith.muli %arg1, %mul3A : i32
    %add3A = arith.addi %mul3A_0, %arg0 : i32
    %mul3A_1 = arith.constant 128 : i32
    %mul3A_2 = arith.muli %add3A, %mul3A_1 : i32
    "tpu.region"() ({
      %run_scoped3A = tpu.sem_alloc : memref<!tpu.dma_semaphore, #tpu.memory_space<semaphore_mem>>
      %dma_start3A_84 = arith.constant 0 : i32
      %dma_start3A_85 = tpu.memref_slice %arg2[%dma_start3A_84, %mul3A_2] : memref<26x4096xi32, #tpu.memory_space<hbm>> -> memref<26x128xi32, #tpu.memory_space<hbm>>
      %dma_start3A_86 = arith.constant 0 : i32
      %dma_start3A_87 = tpu.memref_slice %arg2[%dma_start3A_86, %mul3A_2] : memref<26x4096xi32, #tpu.memory_space<hbm>> -> memref<26x128xi32, #tpu.memory_space<hbm>>
      tpu.enqueue_dma source(%dma_start3A_87 : memref<26x128xi32, #tpu.memory_space<hbm>>) target(%arg5 : memref<26x128xi32, #tpu.memory_space<vmem>>) target_semaphore(%run_scoped3A : memref<!tpu.dma_semaphore, #tpu.memory_space<semaphore_mem>>)
      %dma_wait3A_88 = arith.constant 0 : i32
      %dma_wait3A_89 = tpu.memref_slice %arg2[%dma_wait3A_88, %mul3A_2] : memref<26x4096xi32, #tpu.memory_space<hbm>> -> memref<26x128xi32, #tpu.memory_space<hbm>>
      %dma_wait3A_90 = arith.constant 0 : i32
      %dma_wait3A_91 = tpu.memref_slice %arg2[%dma_wait3A_90, %mul3A_2] : memref<26x4096xi32, #tpu.memory_space<hbm>> -> memref<26x128xi32, #tpu.memory_space<hbm>>
      tpu.wait_dma2 semaphore(%run_scoped3A : memref<!tpu.dma_semaphore, #tpu.memory_space<semaphore_mem>>) src(%dma_wait3A_91 : memref<26x128xi32, #tpu.memory_space<hbm>>) dst(%arg5 : memref<26x128xi32, #tpu.memory_space<vmem>>)
      tpu.yield
    }) : () -> ()
    %dma_start3A = arith.constant 0 : i32
    %dma_start3A_3 = arith.constant 0 : i32
    %dma_start3A_4 = tpu.memref_slice %arg5[%dma_start3A, %dma_start3A_3] : memref<26x128xi32, #tpu.memory_space<vmem>> -> memref<1x128xi32, #tpu.memory_space<vmem>>
    %dma_start3A_5 = tpu.memref_squeeze %dma_start3A_4 : memref<1x128xi32, #tpu.memory_space<vmem>> -> memref<128xi32, #tpu.memory_space<vmem>>
    %dma_start3A_6 = arith.constant 0 : i32
    %dma_start3A_7 = arith.constant 0 : i32
    %dma_start3A_8 = tpu.memref_slice %arg3[%dma_start3A_6, %dma_start3A_7] : memref<100000x128xf32, #tpu.memory_space<hbm>> -> memref<100000x128xf32, #tpu.memory_space<hbm>>
    tpu.enqueue_indirect_dma source(%dma_start3A_8 : memref<100000x128xf32, #tpu.memory_space<hbm>>) target(%arg6 : memref<128x128xf32, #tpu.memory_space<vmem>>) offsets(%dma_start3A_5 : memref<128xi32, #tpu.memory_space<vmem>>) semaphore(%arg12 : memref<!tpu.dma_semaphore, #tpu.memory_space<semaphore_mem>>)
    %dma_start3A_9 = arith.constant 1 : i32
    %dma_start3A_10 = arith.constant 0 : i32
    %dma_start3A_11 = tpu.memref_slice %arg5[%dma_start3A_9, %dma_start3A_10] : memref<26x128xi32, #tpu.memory_space<vmem>> -> memref<1x128xi32, #tpu.memory_space<vmem>>
    %dma_start3A_12 = tpu.memref_squeeze %dma_start3A_11 : memref<1x128xi32, #tpu.memory_space<vmem>> -> memref<128xi32, #tpu.memory_space<vmem>>
    %dma_start3A_13 = arith.constant 0 : i32
    %dma_start3A_14 = arith.constant 0 : i32
    %dma_start3A_15 = tpu.memref_slice %arg3[%dma_start3A_13, %dma_start3A_14] : memref<100000x128xf32, #tpu.memory_space<hbm>> -> memref<100000x128xf32, #tpu.memory_space<hbm>>
    tpu.enqueue_indirect_dma source(%dma_start3A_15 : memref<100000x128xf32, #tpu.memory_space<hbm>>) target(%arg7 : memref<128x128xf32, #tpu.memory_space<vmem>>) offsets(%dma_start3A_12 : memref<128xi32, #tpu.memory_space<vmem>>) semaphore(%arg13 : memref<!tpu.dma_semaphore, #tpu.memory_space<semaphore_mem>>)
    %dma_start3A_16 = arith.constant 2 : i32
    %dma_start3A_17 = arith.constant 0 : i32
    %dma_start3A_18 = tpu.memref_slice %arg5[%dma_start3A_16, %dma_start3A_17] : memref<26x128xi32, #tpu.memory_space<vmem>> -> memref<1x128xi32, #tpu.memory_space<vmem>>
    %dma_start3A_19 = tpu.memref_squeeze %dma_start3A_18 : memref<1x128xi32, #tpu.memory_space<vmem>> -> memref<128xi32, #tpu.memory_space<vmem>>
    %dma_start3A_20 = arith.constant 0 : i32
    %dma_start3A_21 = arith.constant 0 : i32
    %dma_start3A_22 = tpu.memref_slice %arg3[%dma_start3A_20, %dma_start3A_21] : memref<100000x128xf32, #tpu.memory_space<hbm>> -> memref<100000x128xf32, #tpu.memory_space<hbm>>
    tpu.enqueue_indirect_dma source(%dma_start3A_22 : memref<100000x128xf32, #tpu.memory_space<hbm>>) target(%arg8 : memref<128x128xf32, #tpu.memory_space<vmem>>) offsets(%dma_start3A_19 : memref<128xi32, #tpu.memory_space<vmem>>) semaphore(%arg14 : memref<!tpu.dma_semaphore, #tpu.memory_space<semaphore_mem>>)
    %dma_start3A_23 = arith.constant 3 : i32
    %dma_start3A_24 = arith.constant 0 : i32
    %dma_start3A_25 = tpu.memref_slice %arg5[%dma_start3A_23, %dma_start3A_24] : memref<26x128xi32, #tpu.memory_space<vmem>> -> memref<1x128xi32, #tpu.memory_space<vmem>>
    %dma_start3A_26 = tpu.memref_squeeze %dma_start3A_25 : memref<1x128xi32, #tpu.memory_space<vmem>> -> memref<128xi32, #tpu.memory_space<vmem>>
    %dma_start3A_27 = arith.constant 0 : i32
    %dma_start3A_28 = arith.constant 0 : i32
    %dma_start3A_29 = tpu.memref_slice %arg3[%dma_start3A_27, %dma_start3A_28] : memref<100000x128xf32, #tpu.memory_space<hbm>> -> memref<100000x128xf32, #tpu.memory_space<hbm>>
    tpu.enqueue_indirect_dma source(%dma_start3A_29 : memref<100000x128xf32, #tpu.memory_space<hbm>>) target(%arg9 : memref<128x128xf32, #tpu.memory_space<vmem>>) offsets(%dma_start3A_26 : memref<128xi32, #tpu.memory_space<vmem>>) semaphore(%arg15 : memref<!tpu.dma_semaphore, #tpu.memory_space<semaphore_mem>>)
    %dma_start3A_30 = arith.constant 4 : i32
    %dma_start3A_31 = arith.constant 0 : i32
    %dma_start3A_32 = tpu.memref_slice %arg5[%dma_start3A_30, %dma_start3A_31] : memref<26x128xi32, #tpu.memory_space<vmem>> -> memref<1x128xi32, #tpu.memory_space<vmem>>
    %dma_start3A_33 = tpu.memref_squeeze %dma_start3A_32 : memref<1x128xi32, #tpu.memory_space<vmem>> -> memref<128xi32, #tpu.memory_space<vmem>>
    %dma_start3A_34 = arith.constant 0 : i32
    %dma_start3A_35 = arith.constant 0 : i32
    %dma_start3A_36 = tpu.memref_slice %arg3[%dma_start3A_34, %dma_start3A_35] : memref<100000x128xf32, #tpu.memory_space<hbm>> -> memref<100000x128xf32, #tpu.memory_space<hbm>>
    tpu.enqueue_indirect_dma source(%dma_start3A_36 : memref<100000x128xf32, #tpu.memory_space<hbm>>) target(%arg10 : memref<128x128xf32, #tpu.memory_space<vmem>>) offsets(%dma_start3A_33 : memref<128xi32, #tpu.memory_space<vmem>>) semaphore(%arg16 : memref<!tpu.dma_semaphore, #tpu.memory_space<semaphore_mem>>)
    %dma_start3A_37 = arith.constant 5 : i32
    %dma_start3A_38 = arith.constant 0 : i32
    %dma_start3A_39 = tpu.memref_slice %arg5[%dma_start3A_37, %dma_start3A_38] : memref<26x128xi32, #tpu.memory_space<vmem>> -> memref<1x128xi32, #tpu.memory_space<vmem>>
    %dma_start3A_40 = tpu.memref_squeeze %dma_start3A_39 : memref<1x128xi32, #tpu.memory_space<vmem>> -> memref<128xi32, #tpu.memory_space<vmem>>
    %dma_start3A_41 = arith.constant 0 : i32
    %dma_start3A_42 = arith.constant 0 : i32
    %dma_start3A_43 = tpu.memref_slice %arg3[%dma_start3A_41, %dma_start3A_42] : memref<100000x128xf32, #tpu.memory_space<hbm>> -> memref<100000x128xf32, #tpu.memory_space<hbm>>
    tpu.enqueue_indirect_dma source(%dma_start3A_43 : memref<100000x128xf32, #tpu.memory_space<hbm>>) target(%arg11 : memref<128x128xf32, #tpu.memory_space<vmem>>) offsets(%dma_start3A_40 : memref<128xi32, #tpu.memory_space<vmem>>) semaphore(%arg17 : memref<!tpu.dma_semaphore, #tpu.memory_space<semaphore_mem>>)
    %scan3A = arith.constant 0 : i32
    %scan3A_44 = arith.constant 0 : i32
    %scan3A_45 = arith.constant 5 : i32
    %scan3A_46 = arith.addi %scan3A_44, %scan3A_45 : i32
    %scan3A_47 = arith.constant 1 : i32
    scf.for %scan3A_84 = %scan3A_44 to %scan3A_46 step %scan3A_47  : i32 {
      %mul3A_85 = arith.constant 6 : i32
      %mul3A_86 = arith.muli %mul3A_85, %scan3A_84 : i32
      %add3A_87 = arith.constant 0 : i32
      %add3A_88 = arith.addi %mul3A_86, %add3A_87 : i32
      %lt3A = arith.constant 26 : i32
      %lt3A_89 = arith.cmpi slt, %add3A_88, %lt3A : i32
      %convert_element_type3A = arith.extui %lt3A_89 : i1 to i32
      %cond3A = arith.constant 0 : i32
      %cond3A_90 = arith.cmpi ne, %convert_element_type3A, %cond3A : i32
      scf.if %cond3A_90 {
        %dma_wait3A_136 = arith.constant 0 : i32
        %dma_wait3A_137 = tpu.memref_slice %arg5[%add3A_88, %dma_wait3A_136] : memref<26x128xi32, #tpu.memory_space<vmem>> -> memref<1x128xi32, #tpu.memory_space<vmem>>
        %dma_wait3A_138 = tpu.memref_squeeze %dma_wait3A_137 : memref<1x128xi32, #tpu.memory_space<vmem>> -> memref<128xi32, #tpu.memory_space<vmem>>
        %dma_wait3A_139 = arith.constant 0 : i32
        %dma_wait3A_140 = arith.constant 0 : i32
        %dma_wait3A_141 = tpu.memref_slice %arg3[%dma_wait3A_139, %dma_wait3A_140] : memref<100000x128xf32, #tpu.memory_space<hbm>> -> memref<100000x128xf32, #tpu.memory_space<hbm>>
        tpu.wait_indirect_dma semaphore(%arg12 : memref<!tpu.dma_semaphore, #tpu.memory_space<semaphore_mem>>) src(%dma_wait3A_141 : memref<100000x128xf32, #tpu.memory_space<hbm>>) dst(%arg6 : memref<128x128xf32, #tpu.memory_space<vmem>>)
        %parallel_loop3A = arith.constant 0 : i32
        %parallel_loop3A_142 = arith.constant 128 : i32
        %parallel_loop3A_143 = arith.constant 2 : i32
        scf.for %parallel_loop3A_158 = %parallel_loop3A to %parallel_loop3A_142 step %parallel_loop3A_143  : i32 {
          %parallel_loop3A_159 = arith.constant 0 : i32
          %parallel_loop3A_160 = arith.addi %parallel_loop3A_158, %parallel_loop3A_159 : i32
          %parallel_loop3A_161 = arith.index_cast %parallel_loop3A_160 : i32 to index
          %parallel_loop3A_162 = arith.constant 0 : index
          %parallel_loop3A_163 = tpu.vector_load %arg6[%parallel_loop3A_161, %parallel_loop3A_162] {strides = array<i32>} : memref<128x128xf32, #tpu.memory_space<vmem>>, vector<1x16xf32>,
          %parallel_loop3A_164 = vector.shape_cast %parallel_loop3A_163 : vector<1x16xf32> to vector<16xf32>
          %parallel_loop3A_165 = arith.constant 1.000000e+01 : f32
          %parallel_loop3A_166 = vector.broadcast %parallel_loop3A_165 : f32 to vector<16xf32>
          %parallel_loop3A_167 = arith.mulf %parallel_loop3A_164, %parallel_loop3A_166 : vector<16xf32>
          %parallel_loop3A_168 = arith.constant 0 : i32
          %parallel_loop3A_169 = arith.addi %parallel_loop3A_158, %parallel_loop3A_168 : i32
          %parallel_loop3A_170 = arith.index_cast %parallel_loop3A_169 : i32 to index
          %parallel_loop3A_171 = arith.constant 0 : index
          %parallel_loop3A_172 = tpu.vector_load %arg6[%parallel_loop3A_170, %parallel_loop3A_171] {strides = array<i32>} : memref<128x128xf32, #tpu.memory_space<vmem>>, vector<1x16xf32>,
          %parallel_loop3A_173 = vector.shape_cast %parallel_loop3A_172 : vector<1x16xf32> to vector<16xf32>
          %parallel_loop3A_174 = vector.shape_cast %parallel_loop3A_167 : vector<16xf32> to vector<1x16xf32>
          tpu.vector_store %arg6[%parallel_loop3A_170, %parallel_loop3A_171], %parallel_loop3A_174 {strides = array<i32>} : memref<128x128xf32, #tpu.memory_space<vmem>>, vector<1x16xf32>,
          %parallel_loop3A_175 = arith.constant 0 : i32
          %parallel_loop3A_176 = arith.addi %parallel_loop3A_158, %parallel_loop3A_175 : i32
          %parallel_loop3A_177 = arith.index_cast %parallel_loop3A_176 : i32 to index
          %parallel_loop3A_178 = arith.constant 16 : index
          %parallel_loop3A_179 = tpu.vector_load %arg6[%parallel_loop3A_177, %parallel_loop3A_178] {strides = array<i32>} : memref<128x128xf32, #tpu.memory_space<vmem>>, vector<1x16xf32>,
          %parallel_loop3A_180 = vector.shape_cast %parallel_loop3A_179 : vector<1x16xf32> to vector<16xf32>
          %parallel_loop3A_181 = arith.constant 1.000000e+01 : f32
          %parallel_loop3A_182 = vector.broadcast %parallel_loop3A_181 : f32 to vector<16xf32>
          %parallel_loop3A_183 = arith.mulf %parallel_loop3A_180, %parallel_loop3A_182 : vector<16xf32>
          %parallel_loop3A_184 = arith.constant 0 : i32
          %parallel_loop3A_185 = arith.addi %parallel_loop3A_158, %parallel_loop3A_184 : i32
          %parallel_loop3A_186 = arith.index_cast %parallel_loop3A_185 : i32 to index
          %parallel_loop3A_187 = arith.constant 16 : index
          %parallel_loop3A_188 = tpu.vector_load %arg6[%parallel_loop3A_186, %parallel_loop3A_187] {strides = array<i32>} : memref<128x128xf32, #tpu.memory_space<vmem>>, vector<1x16xf32>,
          %parallel_loop3A_189 = vector.shape_cast %parallel_loop3A_188 : vector<1x16xf32> to vector<16xf32>
          %parallel_loop3A_190 = vector.shape_cast %parallel_loop3A_183 : vector<16xf32> to vector<1x16xf32>
          tpu.vector_store %arg6[%parallel_loop3A_186, %parallel_loop3A_187], %parallel_loop3A_190 {strides = array<i32>} : memref<128x128xf32, #tpu.memory_space<vmem>>, vector<1x16xf32>,
          %parallel_loop3A_191 = arith.constant 0 : i32
          %parallel_loop3A_192 = arith.addi %parallel_loop3A_158, %parallel_loop3A_191 : i32
          %parallel_loop3A_193 = arith.index_cast %parallel_loop3A_192 : i32 to index
          %parallel_loop3A_194 = arith.constant 32 : index
          %parallel_loop3A_195 = tpu.vector_load %arg6[%parallel_loop3A_193, %parallel_loop3A_194] {strides = array<i32>} : memref<128x128xf32, #tpu.memory_space<vmem>>, vector<1x16xf32>,
          %parallel_loop3A_196 = vector.shape_cast %parallel_loop3A_195 : vector<1x16xf32> to vector<16xf32>
          %parallel_loop3A_197 = arith.constant 1.000000e+01 : f32
          %parallel_loop3A_198 = vector.broadcast %parallel_loop3A_197 : f32 to vector<16xf32>
          %parallel_loop3A_199 = arith.mulf %parallel_loop3A_196, %parallel_loop3A_198 : vector<16xf32>
          %parallel_loop3A_200 = arith.constant 0 : i32
          %parallel_loop3A_201 = arith.addi %parallel_loop3A_158, %parallel_loop3A_200 : i32
          %parallel_loop3A_202 = arith.index_cast %parallel_loop3A_201 : i32 to index
          %parallel_loop3A_203 = arith.constant 32 : index
          %parallel_loop3A_204 = tpu.vector_load %arg6[%parallel_loop3A_202, %parallel_loop3A_203] {strides = array<i32>} : memref<128x128xf32, #tpu.memory_space<vmem>>, vector<1x16xf32>,
          %parallel_loop3A_205 = vector.shape_cast %parallel_loop3A_204 : vector<1x16xf32> to vector<16xf32>
          %parallel_loop3A_206 = vector.shape_cast %parallel_loop3A_199 : vector<16xf32> to vector<1x16xf32>
          tpu.vector_store %arg6[%parallel_loop3A_202, %parallel_loop3A_203], %parallel_loop3A_206 {strides = array<i32>} : memref<128x128xf32, #tpu.memory_space<vmem>>, vector<1x16xf32>,
          %parallel_loop3A_207 = arith.constant 0 : i32
          %parallel_loop3A_208 = arith.addi %parallel_loop3A_158, %parallel_loop3A_207 : i32
          %parallel_loop3A_209 = arith.index_cast %parallel_loop3A_208 : i32 to index
          %parallel_loop3A_210 = arith.constant 48 : index
          %parallel_loop3A_211 = tpu.vector_load %arg6[%parallel_loop3A_209, %parallel_loop3A_210] {strides = array<i32>} : memref<128x128xf32, #tpu.memory_space<vmem>>, vector<1x16xf32>,
          %parallel_loop3A_212 = vector.shape_cast %parallel_loop3A_211 : vector<1x16xf32> to vector<16xf32>
          %parallel_loop3A_213 = arith.constant 1.000000e+01 : f32
          %parallel_loop3A_214 = vector.broadcast %parallel_loop3A_213 : f32 to vector<16xf32>
          %parallel_loop3A_215 = arith.mulf %parallel_loop3A_212, %parallel_loop3A_214 : vector<16xf32>
          %parallel_loop3A_216 = arith.constant 0 : i32
          %parallel_loop3A_217 = arith.addi %parallel_loop3A_158, %parallel_loop3A_216 : i32
          %parallel_loop3A_218 = arith.index_cast %parallel_loop3A_217 : i32 to index
          %parallel_loop3A_219 = arith.constant 48 : index
          %parallel_loop3A_220 = tpu.vector_load %arg6[%parallel_loop3A_218, %parallel_loop3A_219] {strides = array<i32>} : memref<128x128xf32, #tpu.memory_space<vmem>>, vector<1x16xf32>,
          %parallel_loop3A_221 = vector.shape_cast %parallel_loop3A_220 : vector<1x16xf32> to vector<16xf32>
          %parallel_loop3A_222 = vector.shape_cast %parallel_loop3A_215 : vector<16xf32> to vector<1x16xf32>
          tpu.vector_store %arg6[%parallel_loop3A_218, %parallel_loop3A_219], %parallel_loop3A_222 {strides = array<i32>} : memref<128x128xf32, #tpu.memory_space<vmem>>, vector<1x16xf32>,
          %parallel_loop3A_223 = arith.constant 0 : i32
          %parallel_loop3A_224 = arith.addi %parallel_loop3A_158, %parallel_loop3A_223 : i32
          %parallel_loop3A_225 = arith.index_cast %parallel_loop3A_224 : i32 to index
          %parallel_loop3A_226 = arith.constant 64 : index
          %parallel_loop3A_227 = tpu.vector_load %arg6[%parallel_loop3A_225, %parallel_loop3A_226] {strides = array<i32>} : memref<128x128xf32, #tpu.memory_space<vmem>>, vector<1x16xf32>,
          %parallel_loop3A_228 = vector.shape_cast %parallel_loop3A_227 : vector<1x16xf32> to vector<16xf32>
          %parallel_loop3A_229 = arith.constant 1.000000e+01 : f32
          %parallel_loop3A_230 = vector.broadcast %parallel_loop3A_229 : f32 to vector<16xf32>
          %parallel_loop3A_231 = arith.mulf %parallel_loop3A_228, %parallel_loop3A_230 : vector<16xf32>
          %parallel_loop3A_232 = arith.constant 0 : i32
          %parallel_loop3A_233 = arith.addi %parallel_loop3A_158, %parallel_loop3A_232 : i32
          %parallel_loop3A_234 = arith.index_cast %parallel_loop3A_233 : i32 to index
          %parallel_loop3A_235 = arith.constant 64 : index
          %parallel_loop3A_236 = tpu.vector_load %arg6[%parallel_loop3A_234, %parallel_loop3A_235] {strides = array<i32>} : memref<128x128xf32, #tpu.memory_space<vmem>>, vector<1x16xf32>,
          %parallel_loop3A_237 = vector.shape_cast %parallel_loop3A_236 : vector<1x16xf32> to vector<16xf32>
          %parallel_loop3A_238 = vector.shape_cast %parallel_loop3A_231 : vector<16xf32> to vector<1x16xf32>
          tpu.vector_store %arg6[%parallel_loop3A_234, %parallel_loop3A_235], %parallel_loop3A_238 {strides = array<i32>} : memref<128x128xf32, #tpu.memory_space<vmem>>, vector<1x16xf32>,
          %parallel_loop3A_239 = arith.constant 0 : i32
          %parallel_loop3A_240 = arith.addi %parallel_loop3A_158, %parallel_loop3A_239 : i32
          %parallel_loop3A_241 = arith.index_cast %parallel_loop3A_240 : i32 to index
          %parallel_loop3A_242 = arith.constant 80 : index
          %parallel_loop3A_243 = tpu.vector_load %arg6[%parallel_loop3A_241, %parallel_loop3A_242] {strides = array<i32>} : memref<128x128xf32, #tpu.memory_space<vmem>>, vector<1x16xf32>,
          %parallel_loop3A_244 = vector.shape_cast %parallel_loop3A_243 : vector<1x16xf32> to vector<16xf32>
          %parallel_loop3A_245 = arith.constant 1.000000e+01 : f32
          %parallel_loop3A_246 = vector.broadcast %parallel_loop3A_245 : f32 to vector<16xf32>
          %parallel_loop3A_247 = arith.mulf %parallel_loop3A_244, %parallel_loop3A_246 : vector<16xf32>
          %parallel_loop3A_248 = arith.constant 0 : i32
          %parallel_loop3A_249 = arith.addi %parallel_loop3A_158, %parallel_loop3A_248 : i32
          %parallel_loop3A_250 = arith.index_cast %parallel_loop3A_249 : i32 to index
          %parallel_loop3A_251 = arith.constant 80 : index
          %parallel_loop3A_252 = tpu.vector_load %arg6[%parallel_loop3A_250, %parallel_loop3A_251] {strides = array<i32>} : memref<128x128xf32, #tpu.memory_space<vmem>>, vector<1x16xf32>,
          %parallel_loop3A_253 = vector.shape_cast %parallel_loop3A_252 : vector<1x16xf32> to vector<16xf32>
          %parallel_loop3A_254 = vector.shape_cast %parallel_loop3A_247 : vector<16xf32> to vector<1x16xf32>
          tpu.vector_store %arg6[%parallel_loop3A_250, %parallel_loop3A_251], %parallel_loop3A_254 {strides = array<i32>} : memref<128x128xf32, #tpu.memory_space<vmem>>, vector<1x16xf32>,
          %parallel_loop3A_255 = arith.constant 0 : i32
          %parallel_loop3A_256 = arith.addi %parallel_loop3A_158, %parallel_loop3A_255 : i32
          %parallel_loop3A_257 = arith.index_cast %parallel_loop3A_256 : i32 to index
          %parallel_loop3A_258 = arith.constant 96 : index
          %parallel_loop3A_259 = tpu.vector_load %arg6[%parallel_loop3A_257, %parallel_loop3A_258] {strides = array<i32>} : memref<128x128xf32, #tpu.memory_space<vmem>>, vector<1x16xf32>,
          %parallel_loop3A_260 = vector.shape_cast %parallel_loop3A_259 : vector<1x16xf32> to vector<16xf32>
          %parallel_loop3A_261 = arith.constant 1.000000e+01 : f32
          %parallel_loop3A_262 = vector.broadcast %parallel_loop3A_261 : f32 to vector<16xf32>
          %parallel_loop3A_263 = arith.mulf %parallel_loop3A_260, %parallel_loop3A_262 : vector<16xf32>
          %parallel_loop3A_264 = arith.constant 0 : i32
          %parallel_loop3A_265 = arith.addi %parallel_loop3A_158, %parallel_loop3A_264 : i32
          %parallel_loop3A_266 = arith.index_cast %parallel_loop3A_265 : i32 to index
          %parallel_loop3A_267 = arith.constant 96 : index
          %parallel_loop3A_268 = tpu.vector_load %arg6[%parallel_loop3A_266, %parallel_loop3A_267] {strides = array<i32>} : memref<128x128xf32, #tpu.memory_space<vmem>>, vector<1x16xf32>,
          %parallel_loop3A_269 = vector.shape_cast %parallel_loop3A_268 : vector<1x16xf32> to vector<16xf32>
          %parallel_loop3A_270 = vector.shape_cast %parallel_loop3A_263 : vector<16xf32> to vector<1x16xf32>
          tpu.vector_store %arg6[%parallel_loop3A_266, %parallel_loop3A_267], %parallel_loop3A_270 {strides = array<i32>} : memref<128x128xf32, #tpu.memory_space<vmem>>, vector<1x16xf32>,
          %parallel_loop3A_271 = arith.constant 0 : i32
          %parallel_loop3A_272 = arith.addi %parallel_loop3A_158, %parallel_loop3A_271 : i32
          %parallel_loop3A_273 = arith.index_cast %parallel_loop3A_272 : i32 to index
          %parallel_loop3A_274 = arith.constant 112 : index
          %parallel_loop3A_275 = tpu.vector_load %arg6[%parallel_loop3A_273, %parallel_loop3A_274] {strides = array<i32>} : memref<128x128xf32, #tpu.memory_space<vmem>>, vector<1x16xf32>,
          %parallel_loop3A_276 = vector.shape_cast %parallel_loop3A_275 : vector<1x16xf32> to vector<16xf32>
          %parallel_loop3A_277 = arith.constant 1.000000e+01 : f32
          %parallel_loop3A_278 = vector.broadcast %parallel_loop3A_277 : f32 to vector<16xf32>
          %parallel_loop3A_279 = arith.mulf %parallel_loop3A_276, %parallel_loop3A_278 : vector<16xf32>
          %parallel_loop3A_280 = arith.constant 0 : i32
          %parallel_loop3A_281 = arith.addi %parallel_loop3A_158, %parallel_loop3A_280 : i32
          %parallel_loop3A_282 = arith.index_cast %parallel_loop3A_281 : i32 to index
          %parallel_loop3A_283 = arith.constant 112 : index
          %parallel_loop3A_284 = tpu.vector_load %arg6[%parallel_loop3A_282, %parallel_loop3A_283] {strides = array<i32>} : memref<128x128xf32, #tpu.memory_space<vmem>>, vector<1x16xf32>,
          %parallel_loop3A_285 = vector.shape_cast %parallel_loop3A_284 : vector<1x16xf32> to vector<16xf32>
          %parallel_loop3A_286 = vector.shape_cast %parallel_loop3A_279 : vector<16xf32> to vector<1x16xf32>
          tpu.vector_store %arg6[%parallel_loop3A_282, %parallel_loop3A_283], %parallel_loop3A_286 {strides = array<i32>} : memref<128x128xf32, #tpu.memory_space<vmem>>, vector<1x16xf32>,
          %parallel_loop3A_287 = arith.constant 1 : i32
          %parallel_loop3A_288 = arith.addi %parallel_loop3A_158, %parallel_loop3A_287 : i32
          %parallel_loop3A_289 = arith.index_cast %parallel_loop3A_288 : i32 to index
          %parallel_loop3A_290 = arith.constant 0 : index
          %parallel_loop3A_291 = tpu.vector_load %arg6[%parallel_loop3A_289, %parallel_loop3A_290] {strides = array<i32>} : memref<128x128xf32, #tpu.memory_space<vmem>>, vector<1x16xf32>,
          %parallel_loop3A_292 = vector.shape_cast %parallel_loop3A_291 : vector<1x16xf32> to vector<16xf32>
          %parallel_loop3A_293 = arith.constant 1.000000e+01 : f32
          %parallel_loop3A_294 = vector.broadcast %parallel_loop3A_293 : f32 to vector<16xf32>
          %parallel_loop3A_295 = arith.mulf %parallel_loop3A_292, %parallel_loop3A_294 : vector<16xf32>
          %parallel_loop3A_296 = arith.constant 1 : i32
          %parallel_loop3A_297 = arith.addi %parallel_loop3A_158, %parallel_loop3A_296 : i32
          %parallel_loop3A_298 = arith.index_cast %parallel_loop3A_297 : i32 to index
          %parallel_loop3A_299 = arith.constant 0 : index
          %parallel_loop3A_300 = tpu.vector_load %arg6[%parallel_loop3A_298, %parallel_loop3A_299] {strides = array<i32>} : memref<128x128xf32, #tpu.memory_space<vmem>>, vector<1x16xf32>,
          %parallel_loop3A_301 = vector.shape_cast %parallel_loop3A_300 : vector<1x16xf32> to vector<16xf32>
          %parallel_loop3A_302 = vector.shape_cast %parallel_loop3A_295 : vector<16xf32> to vector<1x16xf32>
          tpu.vector_store %arg6[%parallel_loop3A_298, %parallel_loop3A_299], %parallel_loop3A_302 {strides = array<i32>} : memref<128x128xf32, #tpu.memory_space<vmem>>, vector<1x16xf32>,
          %parallel_loop3A_303 = arith.constant 1 : i32
          %parallel_loop3A_304 = arith.addi %parallel_loop3A_158, %parallel_loop3A_303 : i32
          %parallel_loop3A_305 = arith.index_cast %parallel_loop3A_304 : i32 to index
          %parallel_loop3A_306 = arith.constant 16 : index
          %parallel_loop3A_307 = tpu.vector_load %arg6[%parallel_loop3A_305, %parallel_loop3A_306] {strides = array<i32>} : memref<128x128xf32, #tpu.memory_space<vmem>>, vector<1x16xf32>,
          %parallel_loop3A_308 = vector.shape_cast %parallel_loop3A_307 : vector<1x16xf32> to vector<16xf32>
          %parallel_loop3A_309 = arith.constant 1.000000e+01 : f32
          %parallel_loop3A_310 = vector.broadcast %parallel_loop3A_309 : f32 to vector<16xf32>
          %parallel_loop3A_311 = arith.mulf %parallel_loop3A_308, %parallel_loop3A_310 : vector<16xf32>
          %parallel_loop3A_312 = arith.constant 1 : i32
          %parallel_loop3A_313 = arith.addi %parallel_loop3A_158, %parallel_loop3A_312 : i32
          %parallel_loop3A_314 = arith.index_cast %parallel_loop3A_313 : i32 to index
          %parallel_loop3A_315 = arith.constant 16 : index
          %parallel_loop3A_316 = tpu.vector_load %arg6[%parallel_loop3A_314, %parallel_loop3A_315] {strides = array<i32>} : memref<128x128xf32, #tpu.memory_space<vmem>>, vector<1x16xf32>,
          %parallel_loop3A_317 = vector.shape_cast %parallel_loop3A_316 : vector<1x16xf32> to vector<16xf32>
          %parallel_loop3A_318 = vector.shape_cast %parallel_loop3A_311 : vector<16xf32> to vector<1x16xf32>
          tpu.vector_store %arg6[%parallel_loop3A_314, %parallel_loop3A_315], %parallel_loop3A_318 {strides = array<i32>} : memref<128x128xf32, #tpu.memory_space<vmem>>, vector<1x16xf32>,
          %parallel_loop3A_319 = arith.constant 1 : i32
          %parallel_loop3A_320 = arith.addi %parallel_loop3A_158, %parallel_loop3A_319 : i32
          %parallel_loop3A_321 = arith.index_cast %parallel_loop3A_320 : i32 to index
          %parallel_loop3A_322 = arith.constant 32 : index
          %parallel_loop3A_323 = tpu.vector_load %arg6[%parallel_loop3A_321, %parallel_loop3A_322] {strides = array<i32>} : memref<128x128xf32, #tpu.memory_space<vmem>>, vector<1x16xf32>,
          %parallel_loop3A_324 = vector.shape_cast %parallel_loop3A_323 : vector<1x16xf32> to vector<16xf32>
          %parallel_loop3A_325 = arith.constant 1.000000e+01 : f32
          %parallel_loop3A_326 = vector.broadcast %parallel_loop3A_325 : f32 to vector<16xf32>
          %parallel_loop3A_327 = arith.mulf %parallel_loop3A_324, %parallel_loop3A_326 : vector<16xf32>
          %parallel_loop3A_328 = arith.constant 1 : i32
          %parallel_loop3A_329 = arith.addi %parallel_loop3A_158, %parallel_loop3A_328 : i32
          %parallel_loop3A_330 = arith.index_cast %parallel_loop3A_329 : i32 to index
          %parallel_loop3A_331 = arith.constant 32 : index
          %parallel_loop3A_332 = tpu.vector_load %arg6[%parallel_loop3A_330, %parallel_loop3A_331] {strides = array<i32>} : memref<128x128xf32, #tpu.memory_space<vmem>>, vector<1x16xf32>,
          %parallel_loop3A_333 = vector.shape_cast %parallel_loop3A_332 : vector<1x16xf32> to vector<16xf32>
          %parallel_loop3A_334 = vector.shape_cast %parallel_loop3A_327 : vector<16xf32> to vector<1x16xf32>
          tpu.vector_store %arg6[%parallel_loop3A_330, %parallel_loop3A_331], %parallel_loop3A_334 {strides = array<i32>} : memref<128x128xf32, #tpu.memory_space<vmem>>, vector<1x16xf32>,
          %parallel_loop3A_335 = arith.constant 1 : i32
          %parallel_loop3A_336 = arith.addi %parallel_loop3A_158, %parallel_loop3A_335 : i32
          %parallel_loop3A_337 = arith.index_cast %parallel_loop3A_336 : i32 to index
          %parallel_loop3A_338 = arith.constant 48 : index
          %parallel_loop3A_339 = tpu.vector_load %arg6[%parallel_loop3A_337, %parallel_loop3A_338] {strides = array<i32>} : memref<128x128xf32, #tpu.memory_space<vmem>>, vector<1x16xf32>,
          %parallel_loop3A_340 = vector.shape_cast %parallel_loop3A_339 : vector<1x16xf32> to vector<16xf32>
          %parallel_loop3A_341 = arith.constant 1.000000e+01 : f32
          %parallel_loop3A_342 = vector.broadcast %parallel_loop3A_341 : f32 to vector<16xf32>
          %parallel_loop3A_343 = arith.mulf %parallel_loop3A_340, %parallel_loop3A_342 : vector<16xf32>
          %parallel_loop3A_344 = arith.constant 1 : i32
          %parallel_loop3A_345 = arith.addi %parallel_loop3A_158, %parallel_loop3A_344 : i32
          %parallel_loop3A_346 = arith.index_cast %parallel_loop3A_345 : i32 to index
          %parallel_loop3A_347 = arith.constant 48 : index
          %parallel_loop3A_348 = tpu.vector_load %arg6[%parallel_loop3A_346, %parallel_loop3A_347] {strides = array<i32>} : memref<128x128xf32, #tpu.memory_space<vmem>>, vector<1x16xf32>,
          %parallel_loop3A_349 = vector.shape_cast %parallel_loop3A_348 : vector<1x16xf32> to vector<16xf32>
          %parallel_loop3A_350 = vector.shape_cast %parallel_loop3A_343 : vector<16xf32> to vector<1x16xf32>
          tpu.vector_store %arg6[%parallel_loop3A_346, %parallel_loop3A_347], %parallel_loop3A_350 {strides = array<i32>} : memref<128x128xf32, #tpu.memory_space<vmem>>, vector<1x16xf32>,
          %parallel_loop3A_351 = arith.constant 1 : i32
          %parallel_loop3A_352 = arith.addi %parallel_loop3A_158, %parallel_loop3A_351 : i32
          %parallel_loop3A_353 = arith.index_cast %parallel_loop3A_352 : i32 to index
          %parallel_loop3A_354 = arith.constant 64 : index
          %parallel_loop3A_355 = tpu.vector_load %arg6[%parallel_loop3A_353, %parallel_loop3A_354] {strides = array<i32>} : memref<128x128xf32, #tpu.memory_space<vmem>>, vector<1x16xf32>,
          %parallel_loop3A_356 = vector.shape_cast %parallel_loop3A_355 : vector<1x16xf32> to vector<16xf32>
          %parallel_loop3A_357 = arith.constant 1.000000e+01 : f32
          %parallel_loop3A_358 = vector.broadcast %parallel_loop3A_357 : f32 to vector<16xf32>
          %parallel_loop3A_359 = arith.mulf %parallel_loop3A_356, %parallel_loop3A_358 : vector<16xf32>
          %parallel_loop3A_360 = arith.constant 1 : i32
          %parallel_loop3A_361 = arith.addi %parallel_loop3A_158, %parallel_loop3A_360 : i32
          %parallel_loop3A_362 = arith.index_cast %parallel_loop3A_361 : i32 to index
          %parallel_loop3A_363 = arith.constant 64 : index
          %parallel_loop3A_364 = tpu.vector_load %arg6[%parallel_loop3A_362, %parallel_loop3A_363] {strides = array<i32>} : memref<128x128xf32, #tpu.memory_space<vmem>>, vector<1x16xf32>,
          %parallel_loop3A_365 = vector.shape_cast %parallel_loop3A_364 : vector<1x16xf32> to vector<16xf32>
          %parallel_loop3A_366 = vector.shape_cast %parallel_loop3A_359 : vector<16xf32> to vector<1x16xf32>
          tpu.vector_store %arg6[%parallel_loop3A_362, %parallel_loop3A_363], %parallel_loop3A_366 {strides = array<i32>} : memref<128x128xf32, #tpu.memory_space<vmem>>, vector<1x16xf32>,
          %parallel_loop3A_367 = arith.constant 1 : i32
          %parallel_loop3A_368 = arith.addi %parallel_loop3A_158, %parallel_loop3A_367 : i32
          %parallel_loop3A_369 = arith.index_cast %parallel_loop3A_368 : i32 to index
          %parallel_loop3A_370 = arith.constant 80 : index
          %parallel_loop3A_371 = tpu.vector_load %arg6[%parallel_loop3A_369, %parallel_loop3A_370] {strides = array<i32>} : memref<128x128xf32, #tpu.memory_space<vmem>>, vector<1x16xf32>,
          %parallel_loop3A_372 = vector.shape_cast %parallel_loop3A_371 : vector<1x16xf32> to vector<16xf32>
          %parallel_loop3A_373 = arith.constant 1.000000e+01 : f32
          %parallel_loop3A_374 = vector.broadcast %parallel_loop3A_373 : f32 to vector<16xf32>
          %parallel_loop3A_375 = arith.mulf %parallel_loop3A_372, %parallel_loop3A_374 : vector<16xf32>
          %parallel_loop3A_376 = arith.constant 1 : i32
          %parallel_loop3A_377 = arith.addi %parallel_loop3A_158, %parallel_loop3A_376 : i32
          %parallel_loop3A_378 = arith.index_cast %parallel_loop3A_377 : i32 to index
          %parallel_loop3A_379 = arith.constant 80 : index
          %parallel_loop3A_380 = tpu.vector_load %arg6[%parallel_loop3A_378, %parallel_loop3A_379] {strides = array<i32>} : memref<128x128xf32, #tpu.memory_space<vmem>>, vector<1x16xf32>,
          %parallel_loop3A_381 = vector.shape_cast %parallel_loop3A_380 : vector<1x16xf32> to vector<16xf32>
          %parallel_loop3A_382 = vector.shape_cast %parallel_loop3A_375 : vector<16xf32> to vector<1x16xf32>
          tpu.vector_store %arg6[%parallel_loop3A_378, %parallel_loop3A_379], %parallel_loop3A_382 {strides = array<i32>} : memref<128x128xf32, #tpu.memory_space<vmem>>, vector<1x16xf32>,
          %parallel_loop3A_383 = arith.constant 1 : i32
          %parallel_loop3A_384 = arith.addi %parallel_loop3A_158, %parallel_loop3A_383 : i32
          %parallel_loop3A_385 = arith.index_cast %parallel_loop3A_384 : i32 to index
          %parallel_loop3A_386 = arith.constant 96 : index
          %parallel_loop3A_387 = tpu.vector_load %arg6[%parallel_loop3A_385, %parallel_loop3A_386] {strides = array<i32>} : memref<128x128xf32, #tpu.memory_space<vmem>>, vector<1x16xf32>,
          %parallel_loop3A_388 = vector.shape_cast %parallel_loop3A_387 : vector<1x16xf32> to vector<16xf32>
          %parallel_loop3A_389 = arith.constant 1.000000e+01 : f32
          %parallel_loop3A_390 = vector.broadcast %parallel_loop3A_389 : f32 to vector<16xf32>
          %parallel_loop3A_391 = arith.mulf %parallel_loop3A_388, %parallel_loop3A_390 : vector<16xf32>
          %parallel_loop3A_392 = arith.constant 1 : i32
          %parallel_loop3A_393 = arith.addi %parallel_loop3A_158, %parallel_loop3A_392 : i32
          %parallel_loop3A_394 = arith.index_cast %parallel_loop3A_393 : i32 to index
          %parallel_loop3A_395 = arith.constant 96 : index
          %parallel_loop3A_396 = tpu.vector_load %arg6[%parallel_loop3A_394, %parallel_loop3A_395] {strides = array<i32>} : memref<128x128xf32, #tpu.memory_space<vmem>>, vector<1x16xf32>,
          %parallel_loop3A_397 = vector.shape_cast %parallel_loop3A_396 : vector<1x16xf32> to vector<16xf32>
          %parallel_loop3A_398 = vector.shape_cast %parallel_loop3A_391 : vector<16xf32> to vector<1x16xf32>
          tpu.vector_store %arg6[%parallel_loop3A_394, %parallel_loop3A_395], %parallel_loop3A_398 {strides = array<i32>} : memref<128x128xf32, #tpu.memory_space<vmem>>, vector<1x16xf32>,
          %parallel_loop3A_399 = arith.constant 1 : i32
          %parallel_loop3A_400 = arith.addi %parallel_loop3A_158, %parallel_loop3A_399 : i32
          %parallel_loop3A_401 = arith.index_cast %parallel_loop3A_400 : i32 to index
          %parallel_loop3A_402 = arith.constant 112 : index
          %parallel_loop3A_403 = tpu.vector_load %arg6[%parallel_loop3A_401, %parallel_loop3A_402] {strides = array<i32>} : memref<128x128xf32, #tpu.memory_space<vmem>>, vector<1x16xf32>,
          %parallel_loop3A_404 = vector.shape_cast %parallel_loop3A_403 : vector<1x16xf32> to vector<16xf32>
          %parallel_loop3A_405 = arith.constant 1.000000e+01 : f32
          %parallel_loop3A_406 = vector.broadcast %parallel_loop3A_405 : f32 to vector<16xf32>
          %parallel_loop3A_407 = arith.mulf %parallel_loop3A_404, %parallel_loop3A_406 : vector<16xf32>
          %parallel_loop3A_408 = arith.constant 1 : i32
          %parallel_loop3A_409 = arith.addi %parallel_loop3A_158, %parallel_loop3A_408 : i32
          %parallel_loop3A_410 = arith.index_cast %parallel_loop3A_409 : i32 to index
          %parallel_loop3A_411 = arith.constant 112 : index
          %parallel_loop3A_412 = tpu.vector_load %arg6[%parallel_loop3A_410, %parallel_loop3A_411] {strides = array<i32>} : memref<128x128xf32, #tpu.memory_space<vmem>>, vector<1x16xf32>,
          %parallel_loop3A_413 = vector.shape_cast %parallel_loop3A_412 : vector<1x16xf32> to vector<16xf32>
          %parallel_loop3A_414 = vector.shape_cast %parallel_loop3A_407 : vector<16xf32> to vector<1x16xf32>
          tpu.vector_store %arg6[%parallel_loop3A_410, %parallel_loop3A_411], %parallel_loop3A_414 {strides = array<i32>} : memref<128x128xf32, #tpu.memory_space<vmem>>, vector<1x16xf32>,
        } {sc.loop_unroll_factor = 2 : i64, sc.parallel_access}
        %mul3A_144 = arith.constant 4096 : i32
        %mul3A_145 = arith.muli %add3A_88, %mul3A_144 : i32
        %add3A_146 = arith.addi %mul3A_145, %mul3A_2 : i32
        %dma_start3A_147 = arith.constant 0 : i32
        %dma_start3A_148 = tpu.memref_slice %arg4[%add3A_146, %dma_start3A_147] : memref<106496x128xf32, #tpu.memory_space<hbm>> -> memref<128x128xf32, #tpu.memory_space<hbm>>
        %dma_start3A_149 = arith.constant 0 : i32
        %dma_start3A_150 = tpu.memref_slice %arg4[%add3A_146, %dma_start3A_149] : memref<106496x128xf32, #tpu.memory_space<hbm>> -> memref<128x128xf32, #tpu.memory_space<hbm>>
        tpu.enqueue_dma source(%arg6 : memref<128x128xf32, #tpu.memory_space<vmem>>) target(%dma_start3A_150 : memref<128x128xf32, #tpu.memory_space<hbm>>) target_semaphore(%arg18 : memref<!tpu.dma_semaphore, #tpu.memory_space<semaphore_mem>>)
        %add3A_151 = arith.constant 6 : i32
        %add3A_152 = arith.addi %add3A_88, %add3A_151 : i32
        %lt3A_153 = arith.constant 26 : i32
        %lt3A_154 = arith.cmpi slt, %add3A_152, %lt3A_153 : i32
        %convert_element_type3A_155 = arith.extui %lt3A_154 : i1 to i32
        %cond3A_156 = arith.constant 0 : i32
        %cond3A_157 = arith.cmpi ne, %convert_element_type3A_155, %cond3A_156 : i32
        scf.if %cond3A_157 {
          %mul3A_158 = arith.constant 4096 : i32
          %mul3A_159 = arith.muli %add3A_88, %mul3A_158 : i32
          %add3A_160 = arith.addi %mul3A_159, %mul3A_2 : i32
          %dma_wait3A_161 = arith.constant 0 : i32
          %dma_wait3A_162 = tpu.memref_slice %arg4[%add3A_160, %dma_wait3A_161] : memref<106496x128xf32, #tpu.memory_space<hbm>> -> memref<128x128xf32, #tpu.memory_space<hbm>>
          %dma_wait3A_163 = arith.constant 0 : i32
          %dma_wait3A_164 = tpu.memref_slice %arg4[%add3A_160, %dma_wait3A_163] : memref<106496x128xf32, #tpu.memory_space<hbm>> -> memref<128x128xf32, #tpu.memory_space<hbm>>
          tpu.wait_dma2 semaphore(%arg18 : memref<!tpu.dma_semaphore, #tpu.memory_space<semaphore_mem>>) src(%arg6 : memref<128x128xf32, #tpu.memory_space<vmem>>) dst(%dma_wait3A_164 : memref<128x128xf32, #tpu.memory_space<hbm>>)
          %add3A_165 = arith.constant 6 : i32
          %add3A_166 = arith.addi %add3A_88, %add3A_165 : i32
          %dma_start3A_167 = arith.constant 0 : i32
          %dma_start3A_168 = tpu.memref_slice %arg5[%add3A_166, %dma_start3A_167] : memref<26x128xi32, #tpu.memory_space<vmem>> -> memref<1x128xi32, #tpu.memory_space<vmem>>
          %dma_start3A_169 = tpu.memref_squeeze %dma_start3A_168 : memref<1x128xi32, #tpu.memory_space<vmem>> -> memref<128xi32, #tpu.memory_space<vmem>>
          %dma_start3A_170 = arith.constant 0 : i32
          %dma_start3A_171 = arith.constant 0 : i32
          %dma_start3A_172 = tpu.memref_slice %arg3[%dma_start3A_170, %dma_start3A_171] : memref<100000x128xf32, #tpu.memory_space<hbm>> -> memref<100000x128xf32, #tpu.memory_space<hbm>>
          tpu.enqueue_indirect_dma source(%dma_start3A_172 : memref<100000x128xf32, #tpu.memory_space<hbm>>) target(%arg6 : memref<128x128xf32, #tpu.memory_space<vmem>>) offsets(%dma_start3A_169 : memref<128xi32, #tpu.memory_space<vmem>>) semaphore(%arg12 : memref<!tpu.dma_semaphore, #tpu.memory_space<semaphore_mem>>)
        } else {
        }
      } else {
      }
      %mul3A_91 = arith.constant 6 : i32
      %mul3A_92 = arith.muli %mul3A_91, %scan3A_84 : i32
      %add3A_93 = arith.constant 1 : i32
      %add3A_94 = arith.addi %mul3A_92, %add3A_93 : i32
      %lt3A_95 = arith.constant 26 : i32
      %lt3A_96 = arith.cmpi slt, %add3A_94, %lt3A_95 : i32
      %convert_element_type3A_97 = arith.extui %lt3A_96 : i1 to i32
      %cond3A_98 = arith.constant 0 : i32
      %cond3A_99 = arith.cmpi ne, %convert_element_type3A_97, %cond3A_98 : i32
      scf.if %cond3A_99 {
        %dma_wait3A_136 = arith.constant 0 : i32
        %dma_wait3A_137 = tpu.memref_slice %arg5[%add3A_94, %dma_wait3A_136] : memref<26x128xi32, #tpu.memory_space<vmem>> -> memref<1x128xi32, #tpu.memory_space<vmem>>
        %dma_wait3A_138 = tpu.memref_squeeze %dma_wait3A_137 : memref<1x128xi32, #tpu.memory_space<vmem>> -> memref<128xi32, #tpu.memory_space<vmem>>
        %dma_wait3A_139 = arith.constant 0 : i32
        %dma_wait3A_140 = arith.constant 0 : i32
        %dma_wait3A_141 = tpu.memref_slice %arg3[%dma_wait3A_139, %dma_wait3A_140] : memref<100000x128xf32, #tpu.memory_space<hbm>> -> memref<100000x128xf32, #tpu.memory_space<hbm>>
        tpu.wait_indirect_dma semaphore(%arg13 : memref<!tpu.dma_semaphore, #tpu.memory_space<semaphore_mem>>) src(%dma_wait3A_141 : memref<100000x128xf32, #tpu.memory_space<hbm>>) dst(%arg7 : memref<128x128xf32, #tpu.memory_space<vmem>>)
        %parallel_loop3A = arith.constant 0 : i32
        %parallel_loop3A_142 = arith.constant 128 : i32
        %parallel_loop3A_143 = arith.constant 2 : i32
        scf.for %parallel_loop3A_158 = %parallel_loop3A to %parallel_loop3A_142 step %parallel_loop3A_143  : i32 {
          %parallel_loop3A_159 = arith.constant 0 : i32
          %parallel_loop3A_160 = arith.addi %parallel_loop3A_158, %parallel_loop3A_159 : i32
          %parallel_loop3A_161 = arith.index_cast %parallel_loop3A_160 : i32 to index
          %parallel_loop3A_162 = arith.constant 0 : index
          %parallel_loop3A_163 = tpu.vector_load %arg7[%parallel_loop3A_161, %parallel_loop3A_162] {strides = array<i32>} : memref<128x128xf32, #tpu.memory_space<vmem>>, vector<1x16xf32>,
          %parallel_loop3A_164 = vector.shape_cast %parallel_loop3A_163 : vector<1x16xf32> to vector<16xf32>
          %parallel_loop3A_165 = arith.constant 1.000000e+01 : f32
          %parallel_loop3A_166 = vector.broadcast %parallel_loop3A_165 : f32 to vector<16xf32>
          %parallel_loop3A_167 = arith.mulf %parallel_loop3A_164, %parallel_loop3A_166 : vector<16xf32>
          %parallel_loop3A_168 = arith.constant 0 : i32
          %parallel_loop3A_169 = arith.addi %parallel_loop3A_158, %parallel_loop3A_168 : i32
          %parallel_loop3A_170 = arith.index_cast %parallel_loop3A_169 : i32 to index
          %parallel_loop3A_171 = arith.constant 0 : index
          %parallel_loop3A_172 = tpu.vector_load %arg7[%parallel_loop3A_170, %parallel_loop3A_171] {strides = array<i32>} : memref<128x128xf32, #tpu.memory_space<vmem>>, vector<1x16xf32>,
          %parallel_loop3A_173 = vector.shape_cast %parallel_loop3A_172 : vector<1x16xf32> to vector<16xf32>
          %parallel_loop3A_174 = vector.shape_cast %parallel_loop3A_167 : vector<16xf32> to vector<1x16xf32>
          tpu.vector_store %arg7[%parallel_loop3A_170, %parallel_loop3A_171], %parallel_loop3A_174 {strides = array<i32>} : memref<128x128xf32, #tpu.memory_space<vmem>>, vector<1x16xf32>,
          %parallel_loop3A_175 = arith.constant 0 : i32
          %parallel_loop3A_176 = arith.addi %parallel_loop3A_158, %parallel_loop3A_175 : i32
          %parallel_loop3A_177 = arith.index_cast %parallel_loop3A_176 : i32 to index
          %parallel_loop3A_178 = arith.constant 16 : index
          %parallel_loop3A_179 = tpu.vector_load %arg7[%parallel_loop3A_177, %parallel_loop3A_178] {strides = array<i32>} : memref<128x128xf32, #tpu.memory_space<vmem>>, vector<1x16xf32>,
          %parallel_loop3A_180 = vector.shape_cast %parallel_loop3A_179 : vector<1x16xf32> to vector<16xf32>
          %parallel_loop3A_181 = arith.constant 1.000000e+01 : f32
          %parallel_loop3A_182 = vector.broadcast %parallel_loop3A_181 : f32 to vector<16xf32>
          %parallel_loop3A_183 = arith.mulf %parallel_loop3A_180, %parallel_loop3A_182 : vector<16xf32>
          %parallel_loop3A_184 = arith.constant 0 : i32
          %parallel_loop3A_185 = arith.addi %parallel_loop3A_158, %parallel_loop3A_184 : i32
          %parallel_loop3A_186 = arith.index_cast %parallel_loop3A_185 : i32 to index
          %parallel_loop3A_187 = arith.constant 16 : index
          %parallel_loop3A_188 = tpu.vector_load %arg7[%parallel_loop3A_186, %parallel_loop3A_187] {strides = array<i32>} : memref<128x128xf32, #tpu.memory_space<vmem>>, vector<1x16xf32>,
          %parallel_loop3A_189 = vector.shape_cast %parallel_loop3A_188 : vector<1x16xf32> to vector<16xf32>
          %parallel_loop3A_190 = vector.shape_cast %parallel_loop3A_183 : vector<16xf32> to vector<1x16xf32>
          tpu.vector_store %arg7[%parallel_loop3A_186, %parallel_loop3A_187], %parallel_loop3A_190 {strides = array<i32>} : memref<128x128xf32, #tpu.memory_space<vmem>>, vector<1x16xf32>,
          %parallel_loop3A_191 = arith.constant 0 : i32
          %parallel_loop3A_192 = arith.addi %parallel_loop3A_158, %parallel_loop3A_191 : i32
          %parallel_loop3A_193 = arith.index_cast %parallel_loop3A_192 : i32 to index
          %parallel_loop3A_194 = arith.constant 32 : index
          %parallel_loop3A_195 = tpu.vector_load %arg7[%parallel_loop3A_193, %parallel_loop3A_194] {strides = array<i32>} : memref<128x128xf32, #tpu.memory_space<vmem>>, vector<1x16xf32>,
          %parallel_loop3A_196 = vector.shape_cast %parallel_loop3A_195 : vector<1x16xf32> to vector<16xf32>
          %parallel_loop3A_197 = arith.constant 1.000000e+01 : f32
          %parallel_loop3A_198 = vector.broadcast %parallel_loop3A_197 : f32 to vector<16xf32>
          %parallel_loop3A_199 = arith.mulf %parallel_loop3A_196, %parallel_loop3A_198 : vector<16xf32>
          %parallel_loop3A_200 = arith.constant 0 : i32
          %parallel_loop3A_201 = arith.addi %parallel_loop3A_158, %parallel_loop3A_200 : i32
          %parallel_loop3A_202 = arith.index_cast %parallel_loop3A_201 : i32 to index
          %parallel_loop3A_203 = arith.constant 32 : index
          %parallel_loop3A_204 = tpu.vector_load %arg7[%parallel_loop3A_202, %parallel_loop3A_203] {strides = array<i32>} : memref<128x128xf32, #tpu.memory_space<vmem>>, vector<1x16xf32>,
          %parallel_loop3A_205 = vector.shape_cast %parallel_loop3A_204 : vector<1x16xf32> to vector<16xf32>
          %parallel_loop3A_206 = vector.shape_cast %parallel_loop3A_199 : vector<16xf32> to vector<1x16xf32>
          tpu.vector_store %arg7[%parallel_loop3A_202, %parallel_loop3A_203], %parallel_loop3A_206 {strides = array<i32>} : memref<128x128xf32, #tpu.memory_space<vmem>>, vector<1x16xf32>,
          %parallel_loop3A_207 = arith.constant 0 : i32
          %parallel_loop3A_208 = arith.addi %parallel_loop3A_158, %parallel_loop3A_207 : i32
          %parallel_loop3A_209 = arith.index_cast %parallel_loop3A_208 : i32 to index
          %parallel_loop3A_210 = arith.constant 48 : index
          %parallel_loop3A_211 = tpu.vector_load %arg7[%parallel_loop3A_209, %parallel_loop3A_210] {strides = array<i32>} : memref<128x128xf32, #tpu.memory_space<vmem>>, vector<1x16xf32>,
          %parallel_loop3A_212 = vector.shape_cast %parallel_loop3A_211 : vector<1x16xf32> to vector<16xf32>
          %parallel_loop3A_213 = arith.constant 1.000000e+01 : f32
          %parallel_loop3A_214 = vector.broadcast %parallel_loop3A_213 : f32 to vector<16xf32>
          %parallel_loop3A_215 = arith.mulf %parallel_loop3A_212, %parallel_loop3A_214 : vector<16xf32>
          %parallel_loop3A_216 = arith.constant 0 : i32
          %parallel_loop3A_217 = arith.addi %parallel_loop3A_158, %parallel_loop3A_216 : i32
          %parallel_loop3A_218 = arith.index_cast %parallel_loop3A_217 : i32 to index
          %parallel_loop3A_219 = arith.constant 48 : index
          %parallel_loop3A_220 = tpu.vector_load %arg7[%parallel_loop3A_218, %parallel_loop3A_219] {strides = array<i32>} : memref<128x128xf32, #tpu.memory_space<vmem>>, vector<1x16xf32>,
          %parallel_loop3A_221 = vector.shape_cast %parallel_loop3A_220 : vector<1x16xf32> to vector<16xf32>
          %parallel_loop3A_222 = vector.shape_cast %parallel_loop3A_215 : vector<16xf32> to vector<1x16xf32>
          tpu.vector_store %arg7[%parallel_loop3A_218, %parallel_loop3A_219], %parallel_loop3A_222 {strides = array<i32>} : memref<128x128xf32, #tpu.memory_space<vmem>>, vector<1x16xf32>,
          %parallel_loop3A_223 = arith.constant 0 : i32
          %parallel_loop3A_224 = arith.addi %parallel_loop3A_158, %parallel_loop3A_223 : i32
          %parallel_loop3A_225 = arith.index_cast %parallel_loop3A_224 : i32 to index
          %parallel_loop3A_226 = arith.constant 64 : index
          %parallel_loop3A_227 = tpu.vector_load %arg7[%parallel_loop3A_225, %parallel_loop3A_226] {strides = array<i32>} : memref<128x128xf32, #tpu.memory_space<vmem>>, vector<1x16xf32>,
          %parallel_loop3A_228 = vector.shape_cast %parallel_loop3A_227 : vector<1x16xf32> to vector<16xf32>
          %parallel_loop3A_229 = arith.constant 1.000000e+01 : f32
          %parallel_loop3A_230 = vector.broadcast %parallel_loop3A_229 : f32 to vector<16xf32>
          %parallel_loop3A_231 = arith.mulf %parallel_loop3A_228, %parallel_loop3A_230 : vector<16xf32>
          %parallel_loop3A_232 = arith.constant 0 : i32
          %parallel_loop3A_233 = arith.addi %parallel_loop3A_158, %parallel_loop3A_232 : i32
          %parallel_loop3A_234 = arith.index_cast %parallel_loop3A_233 : i32 to index
          %parallel_loop3A_235 = arith.constant 64 : index
          %parallel_loop3A_236 = tpu.vector_load %arg7[%parallel_loop3A_234, %parallel_loop3A_235] {strides = array<i32>} : memref<128x128xf32, #tpu.memory_space<vmem>>, vector<1x16xf32>,
          %parallel_loop3A_237 = vector.shape_cast %parallel_loop3A_236 : vector<1x16xf32> to vector<16xf32>
          %parallel_loop3A_238 = vector.shape_cast %parallel_loop3A_231 : vector<16xf32> to vector<1x16xf32>
          tpu.vector_store %arg7[%parallel_loop3A_234, %parallel_loop3A_235], %parallel_loop3A_238 {strides = array<i32>} : memref<128x128xf32, #tpu.memory_space<vmem>>, vector<1x16xf32>,
          %parallel_loop3A_239 = arith.constant 0 : i32
          %parallel_loop3A_240 = arith.addi %parallel_loop3A_158, %parallel_loop3A_239 : i32
          %parallel_loop3A_241 = arith.index_cast %parallel_loop3A_240 : i32 to index
          %parallel_loop3A_242 = arith.constant 80 : index
          %parallel_loop3A_243 = tpu.vector_load %arg7[%parallel_loop3A_241, %parallel_loop3A_242] {strides = array<i32>} : memref<128x128xf32, #tpu.memory_space<vmem>>, vector<1x16xf32>,
          %parallel_loop3A_244 = vector.shape_cast %parallel_loop3A_243 : vector<1x16xf32> to vector<16xf32>
          %parallel_loop3A_245 = arith.constant 1.000000e+01 : f32
          %parallel_loop3A_246 = vector.broadcast %parallel_loop3A_245 : f32 to vector<16xf32>
          %parallel_loop3A_247 = arith.mulf %parallel_loop3A_244, %parallel_loop3A_246 : vector<16xf32>
          %parallel_loop3A_248 = arith.constant 0 : i32
          %parallel_loop3A_249 = arith.addi %parallel_loop3A_158, %parallel_loop3A_248 : i32
          %parallel_loop3A_250 = arith.index_cast %parallel_loop3A_249 : i32 to index
          %parallel_loop3A_251 = arith.constant 80 : index
          %parallel_loop3A_252 = tpu.vector_load %arg7[%parallel_loop3A_250, %parallel_loop3A_251] {strides = array<i32>} : memref<128x128xf32, #tpu.memory_space<vmem>>, vector<1x16xf32>,
          %parallel_loop3A_253 = vector.shape_cast %parallel_loop3A_252 : vector<1x16xf32> to vector<16xf32>
          %parallel_loop3A_254 = vector.shape_cast %parallel_loop3A_247 : vector<16xf32> to vector<1x16xf32>
          tpu.vector_store %arg7[%parallel_loop3A_250, %parallel_loop3A_251], %parallel_loop3A_254 {strides = array<i32>} : memref<128x128xf32, #tpu.memory_space<vmem>>, vector<1x16xf32>,
          %parallel_loop3A_255 = arith.constant 0 : i32
          %parallel_loop3A_256 = arith.addi %parallel_loop3A_158, %parallel_loop3A_255 : i32
          %parallel_loop3A_257 = arith.index_cast %parallel_loop3A_256 : i32 to index
          %parallel_loop3A_258 = arith.constant 96 : index
          %parallel_loop3A_259 = tpu.vector_load %arg7[%parallel_loop3A_257, %parallel_loop3A_258] {strides = array<i32>} : memref<128x128xf32, #tpu.memory_space<vmem>>, vector<1x16xf32>,
          %parallel_loop3A_260 = vector.shape_cast %parallel_loop3A_259 : vector<1x16xf32> to vector<16xf32>
          %parallel_loop3A_261 = arith.constant 1.000000e+01 : f32
          %parallel_loop3A_262 = vector.broadcast %parallel_loop3A_261 : f32 to vector<16xf32>
          %parallel_loop3A_263 = arith.mulf %parallel_loop3A_260, %parallel_loop3A_262 : vector<16xf32>
          %parallel_loop3A_264 = arith.constant 0 : i32
          %parallel_loop3A_265 = arith.addi %parallel_loop3A_158, %parallel_loop3A_264 : i32
          %parallel_loop3A_266 = arith.index_cast %parallel_loop3A_265 : i32 to index
          %parallel_loop3A_267 = arith.constant 96 : index
          %parallel_loop3A_268 = tpu.vector_load %arg7[%parallel_loop3A_266, %parallel_loop3A_267] {strides = array<i32>} : memref<128x128xf32, #tpu.memory_space<vmem>>, vector<1x16xf32>,
          %parallel_loop3A_269 = vector.shape_cast %parallel_loop3A_268 : vector<1x16xf32> to vector<16xf32>
          %parallel_loop3A_270 = vector.shape_cast %parallel_loop3A_263 : vector<16xf32> to vector<1x16xf32>
          tpu.vector_store %arg7[%parallel_loop3A_266, %parallel_loop3A_267], %parallel_loop3A_270 {strides = array<i32>} : memref<128x128xf32, #tpu.memory_space<vmem>>, vector<1x16xf32>,
          %parallel_loop3A_271 = arith.constant 0 : i32
          %parallel_loop3A_272 = arith.addi %parallel_loop3A_158, %parallel_loop3A_271 : i32
          %parallel_loop3A_273 = arith.index_cast %parallel_loop3A_272 : i32 to index
          %parallel_loop3A_274 = arith.constant 112 : index
          %parallel_loop3A_275 = tpu.vector_load %arg7[%parallel_loop3A_273, %parallel_loop3A_274] {strides = array<i32>} : memref<128x128xf32, #tpu.memory_space<vmem>>, vector<1x16xf32>,
          %parallel_loop3A_276 = vector.shape_cast %parallel_loop3A_275 : vector<1x16xf32> to vector<16xf32>
          %parallel_loop3A_277 = arith.constant 1.000000e+01 : f32
          %parallel_loop3A_278 = vector.broadcast %parallel_loop3A_277 : f32 to vector<16xf32>
          %parallel_loop3A_279 = arith.mulf %parallel_loop3A_276, %parallel_loop3A_278 : vector<16xf32>
          %parallel_loop3A_280 = arith.constant 0 : i32
          %parallel_loop3A_281 = arith.addi %parallel_loop3A_158, %parallel_loop3A_280 : i32
          %parallel_loop3A_282 = arith.index_cast %parallel_loop3A_281 : i32 to index
          %parallel_loop3A_283 = arith.constant 112 : index
          %parallel_loop3A_284 = tpu.vector_load %arg7[%parallel_loop3A_282, %parallel_loop3A_283] {strides = array<i32>} : memref<128x128xf32, #tpu.memory_space<vmem>>, vector<1x16xf32>,
          %parallel_loop3A_285 = vector.shape_cast %parallel_loop3A_284 : vector<1x16xf32> to vector<16xf32>
          %parallel_loop3A_286 = vector.shape_cast %parallel_loop3A_279 : vector<16xf32> to vector<1x16xf32>
          tpu.vector_store %arg7[%parallel_loop3A_282, %parallel_loop3A_283], %parallel_loop3A_286 {strides = array<i32>} : memref<128x128xf32, #tpu.memory_space<vmem>>, vector<1x16xf32>,
          %parallel_loop3A_287 = arith.constant 1 : i32
          %parallel_loop3A_288 = arith.addi %parallel_loop3A_158, %parallel_loop3A_287 : i32
          %parallel_loop3A_289 = arith.index_cast %parallel_loop3A_288 : i32 to index
          %parallel_loop3A_290 = arith.constant 0 : index
          %parallel_loop3A_291 = tpu.vector_load %arg7[%parallel_loop3A_289, %parallel_loop3A_290] {strides = array<i32>} : memref<128x128xf32, #tpu.memory_space<vmem>>, vector<1x16xf32>,
          %parallel_loop3A_292 = vector.shape_cast %parallel_loop3A_291 : vector<1x16xf32> to vector<16xf32>
          %parallel_loop3A_293 = arith.constant 1.000000e+01 : f32
          %parallel_loop3A_294 = vector.broadcast %parallel_loop3A_293 : f32 to vector<16xf32>
          %parallel_loop3A_295 = arith.mulf %parallel_loop3A_292, %parallel_loop3A_294 : vector<16xf32>
          %parallel_loop3A_296 = arith.constant 1 : i32
          %parallel_loop3A_297 = arith.addi %parallel_loop3A_158, %parallel_loop3A_296 : i32
          %parallel_loop3A_298 = arith.index_cast %parallel_loop3A_297 : i32 to index
          %parallel_loop3A_299 = arith.constant 0 : index
          %parallel_loop3A_300 = tpu.vector_load %arg7[%parallel_loop3A_298, %parallel_loop3A_299] {strides = array<i32>} : memref<128x128xf32, #tpu.memory_space<vmem>>, vector<1x16xf32>,
          %parallel_loop3A_301 = vector.shape_cast %parallel_loop3A_300 : vector<1x16xf32> to vector<16xf32>
          %parallel_loop3A_302 = vector.shape_cast %parallel_loop3A_295 : vector<16xf32> to vector<1x16xf32>
          tpu.vector_store %arg7[%parallel_loop3A_298, %parallel_loop3A_299], %parallel_loop3A_302 {strides = array<i32>} : memref<128x128xf32, #tpu.memory_space<vmem>>, vector<1x16xf32>,
          %parallel_loop3A_303 = arith.constant 1 : i32
          %parallel_loop3A_304 = arith.addi %parallel_loop3A_158, %parallel_loop3A_303 : i32
          %parallel_loop3A_305 = arith.index_cast %parallel_loop3A_304 : i32 to index
          %parallel_loop3A_306 = arith.constant 16 : index
          %parallel_loop3A_307 = tpu.vector_load %arg7[%parallel_loop3A_305, %parallel_loop3A_306] {strides = array<i32>} : memref<128x128xf32, #tpu.memory_space<vmem>>, vector<1x16xf32>,
          %parallel_loop3A_308 = vector.shape_cast %parallel_loop3A_307 : vector<1x16xf32> to vector<16xf32>
          %parallel_loop3A_309 = arith.constant 1.000000e+01 : f32
          %parallel_loop3A_310 = vector.broadcast %parallel_loop3A_309 : f32 to vector<16xf32>
          %parallel_loop3A_311 = arith.mulf %parallel_loop3A_308, %parallel_loop3A_310 : vector<16xf32>
          %parallel_loop3A_312 = arith.constant 1 : i32
          %parallel_loop3A_313 = arith.addi %parallel_loop3A_158, %parallel_loop3A_312 : i32
          %parallel_loop3A_314 = arith.index_cast %parallel_loop3A_313 : i32 to index
          %parallel_loop3A_315 = arith.constant 16 : index
          %parallel_loop3A_316 = tpu.vector_load %arg7[%parallel_loop3A_314, %parallel_loop3A_315] {strides = array<i32>} : memref<128x128xf32, #tpu.memory_space<vmem>>, vector<1x16xf32>,
          %parallel_loop3A_317 = vector.shape_cast %parallel_loop3A_316 : vector<1x16xf32> to vector<16xf32>
          %parallel_loop3A_318 = vector.shape_cast %parallel_loop3A_311 : vector<16xf32> to vector<1x16xf32>
          tpu.vector_store %arg7[%parallel_loop3A_314, %parallel_loop3A_315], %parallel_loop3A_318 {strides = array<i32>} : memref<128x128xf32, #tpu.memory_space<vmem>>, vector<1x16xf32>,
          %parallel_loop3A_319 = arith.constant 1 : i32
          %parallel_loop3A_320 = arith.addi %parallel_loop3A_158, %parallel_loop3A_319 : i32
          %parallel_loop3A_321 = arith.index_cast %parallel_loop3A_320 : i32 to index
          %parallel_loop3A_322 = arith.constant 32 : index
          %parallel_loop3A_323 = tpu.vector_load %arg7[%parallel_loop3A_321, %parallel_loop3A_322] {strides = array<i32>} : memref<128x128xf32, #tpu.memory_space<vmem>>, vector<1x16xf32>,
          %parallel_loop3A_324 = vector.shape_cast %parallel_loop3A_323 : vector<1x16xf32> to vector<16xf32>
          %parallel_loop3A_325 = arith.constant 1.000000e+01 : f32
          %parallel_loop3A_326 = vector.broadcast %parallel_loop3A_325 : f32 to vector<16xf32>
          %parallel_loop3A_327 = arith.mulf %parallel_loop3A_324, %parallel_loop3A_326 : vector<16xf32>
          %parallel_loop3A_328 = arith.constant 1 : i32
          %parallel_loop3A_329 = arith.addi %parallel_loop3A_158, %parallel_loop3A_328 : i32
          %parallel_loop3A_330 = arith.index_cast %parallel_loop3A_329 : i32 to index
          %parallel_loop3A_331 = arith.constant 32 : index
          %parallel_loop3A_332 = tpu.vector_load %arg7[%parallel_loop3A_330, %parallel_loop3A_331] {strides = array<i32>} : memref<128x128xf32, #tpu.memory_space<vmem>>, vector<1x16xf32>,
          %parallel_loop3A_333 = vector.shape_cast %parallel_loop3A_332 : vector<1x16xf32> to vector<16xf32>
          %parallel_loop3A_334 = vector.shape_cast %parallel_loop3A_327 : vector<16xf32> to vector<1x16xf32>
          tpu.vector_store %arg7[%parallel_loop3A_330, %parallel_loop3A_331], %parallel_loop3A_334 {strides = array<i32>} : memref<128x128xf32, #tpu.memory_space<vmem>>, vector<1x16xf32>,
          %parallel_loop3A_335 = arith.constant 1 : i32
          %parallel_loop3A_336 = arith.addi %parallel_loop3A_158, %parallel_loop3A_335 : i32
          %parallel_loop3A_337 = arith.index_cast %parallel_loop3A_336 : i32 to index
          %parallel_loop3A_338 = arith.constant 48 : index
          %parallel_loop3A_339 = tpu.vector_load %arg7[%parallel_loop3A_337, %parallel_loop3A_338] {strides = array<i32>} : memref<128x128xf32, #tpu.memory_space<vmem>>, vector<1x16xf32>,
          %parallel_loop3A_340 = vector.shape_cast %parallel_loop3A_339 : vector<1x16xf32> to vector<16xf32>
          %parallel_loop3A_341 = arith.constant 1.000000e+01 : f32
          %parallel_loop3A_342 = vector.broadcast %parallel_loop3A_341 : f32 to vector<16xf32>
          %parallel_loop3A_343 = arith.mulf %parallel_loop3A_340, %parallel_loop3A_342 : vector<16xf32>
          %parallel_loop3A_344 = arith.constant 1 : i32
          %parallel_loop3A_345 = arith.addi %parallel_loop3A_158, %parallel_loop3A_344 : i32
          %parallel_loop3A_346 = arith.index_cast %parallel_loop3A_345 : i32 to index
          %parallel_loop3A_347 = arith.constant 48 : index
          %parallel_loop3A_348 = tpu.vector_load %arg7[%parallel_loop3A_346, %parallel_loop3A_347] {strides = array<i32>} : memref<128x128xf32, #tpu.memory_space<vmem>>, vector<1x16xf32>,
          %parallel_loop3A_349 = vector.shape_cast %parallel_loop3A_348 : vector<1x16xf32> to vector<16xf32>
          %parallel_loop3A_350 = vector.shape_cast %parallel_loop3A_343 : vector<16xf32> to vector<1x16xf32>
          tpu.vector_store %arg7[%parallel_loop3A_346, %parallel_loop3A_347], %parallel_loop3A_350 {strides = array<i32>} : memref<128x128xf32, #tpu.memory_space<vmem>>, vector<1x16xf32>,
          %parallel_loop3A_351 = arith.constant 1 : i32
          %parallel_loop3A_352 = arith.addi %parallel_loop3A_158, %parallel_loop3A_351 : i32
          %parallel_loop3A_353 = arith.index_cast %parallel_loop3A_352 : i32 to index
          %parallel_loop3A_354 = arith.constant 64 : index
          %parallel_loop3A_355 = tpu.vector_load %arg7[%parallel_loop3A_353, %parallel_loop3A_354] {strides = array<i32>} : memref<128x128xf32, #tpu.memory_space<vmem>>, vector<1x16xf32>,
          %parallel_loop3A_356 = vector.shape_cast %parallel_loop3A_355 : vector<1x16xf32> to vector<16xf32>
          %parallel_loop3A_357 = arith.constant 1.000000e+01 : f32
          %parallel_loop3A_358 = vector.broadcast %parallel_loop3A_357 : f32 to vector<16xf32>
          %parallel_loop3A_359 = arith.mulf %parallel_loop3A_356, %parallel_loop3A_358 : vector<16xf32>
          %parallel_loop3A_360 = arith.constant 1 : i32
          %parallel_loop3A_361 = arith.addi %parallel_loop3A_158, %parallel_loop3A_360 : i32
          %parallel_loop3A_362 = arith.index_cast %parallel_loop3A_361 : i32 to index
          %parallel_loop3A_363 = arith.constant 64 : index
          %parallel_loop3A_364 = tpu.vector_load %arg7[%parallel_loop3A_362, %parallel_loop3A_363] {strides = array<i32>} : memref<128x128xf32, #tpu.memory_space<vmem>>, vector<1x16xf32>,
          %parallel_loop3A_365 = vector.shape_cast %parallel_loop3A_364 : vector<1x16xf32> to vector<16xf32>
          %parallel_loop3A_366 = vector.shape_cast %parallel_loop3A_359 : vector<16xf32> to vector<1x16xf32>
          tpu.vector_store %arg7[%parallel_loop3A_362, %parallel_loop3A_363], %parallel_loop3A_366 {strides = array<i32>} : memref<128x128xf32, #tpu.memory_space<vmem>>, vector<1x16xf32>,
          %parallel_loop3A_367 = arith.constant 1 : i32
          %parallel_loop3A_368 = arith.addi %parallel_loop3A_158, %parallel_loop3A_367 : i32
          %parallel_loop3A_369 = arith.index_cast %parallel_loop3A_368 : i32 to index
          %parallel_loop3A_370 = arith.constant 80 : index
          %parallel_loop3A_371 = tpu.vector_load %arg7[%parallel_loop3A_369, %parallel_loop3A_370] {strides = array<i32>} : memref<128x128xf32, #tpu.memory_space<vmem>>, vector<1x16xf32>,
          %parallel_loop3A_372 = vector.shape_cast %parallel_loop3A_371 : vector<1x16xf32> to vector<16xf32>
          %parallel_loop3A_373 = arith.constant 1.000000e+01 : f32
          %parallel_loop3A_374 = vector.broadcast %parallel_loop3A_373 : f32 to vector<16xf32>
          %parallel_loop3A_375 = arith.mulf %parallel_loop3A_372, %parallel_loop3A_374 : vector<16xf32>
          %parallel_loop3A_376 = arith.constant 1 : i32
          %parallel_loop3A_377 = arith.addi %parallel_loop3A_158, %parallel_loop3A_376 : i32
          %parallel_loop3A_378 = arith.index_cast %parallel_loop3A_377 : i32 to index
          %parallel_loop3A_379 = arith.constant 80 : index
          %parallel_loop3A_380 = tpu.vector_load %arg7[%parallel_loop3A_378, %parallel_loop3A_379] {strides = array<i32>} : memref<128x128xf32, #tpu.memory_space<vmem>>, vector<1x16xf32>,
          %parallel_loop3A_381 = vector.shape_cast %parallel_loop3A_380 : vector<1x16xf32> to vector<16xf32>
          %parallel_loop3A_382 = vector.shape_cast %parallel_loop3A_375 : vector<16xf32> to vector<1x16xf32>
          tpu.vector_store %arg7[%parallel_loop3A_378, %parallel_loop3A_379], %parallel_loop3A_382 {strides = array<i32>} : memref<128x128xf32, #tpu.memory_space<vmem>>, vector<1x16xf32>,
          %parallel_loop3A_383 = arith.constant 1 : i32
          %parallel_loop3A_384 = arith.addi %parallel_loop3A_158, %parallel_loop3A_383 : i32
          %parallel_loop3A_385 = arith.index_cast %parallel_loop3A_384 : i32 to index
          %parallel_loop3A_386 = arith.constant 96 : index
          %parallel_loop3A_387 = tpu.vector_load %arg7[%parallel_loop3A_385, %parallel_loop3A_386] {strides = array<i32>} : memref<128x128xf32, #tpu.memory_space<vmem>>, vector<1x16xf32>,
          %parallel_loop3A_388 = vector.shape_cast %parallel_loop3A_387 : vector<1x16xf32> to vector<16xf32>
          %parallel_loop3A_389 = arith.constant 1.000000e+01 : f32
          %parallel_loop3A_390 = vector.broadcast %parallel_loop3A_389 : f32 to vector<16xf32>
          %parallel_loop3A_391 = arith.mulf %parallel_loop3A_388, %parallel_loop3A_390 : vector<16xf32>
          %parallel_loop3A_392 = arith.constant 1 : i32
          %parallel_loop3A_393 = arith.addi %parallel_loop3A_158, %parallel_loop3A_392 : i32
          %parallel_loop3A_394 = arith.index_cast %parallel_loop3A_393 : i32 to index
          %parallel_loop3A_395 = arith.constant 96 : index
          %parallel_loop3A_396 = tpu.vector_load %arg7[%parallel_loop3A_394, %parallel_loop3A_395] {strides = array<i32>} : memref<128x128xf32, #tpu.memory_space<vmem>>, vector<1x16xf32>,
          %parallel_loop3A_397 = vector.shape_cast %parallel_loop3A_396 : vector<1x16xf32> to vector<16xf32>
          %parallel_loop3A_398 = vector.shape_cast %parallel_loop3A_391 : vector<16xf32> to vector<1x16xf32>
          tpu.vector_store %arg7[%parallel_loop3A_394, %parallel_loop3A_395], %parallel_loop3A_398 {strides = array<i32>} : memref<128x128xf32, #tpu.memory_space<vmem>>, vector<1x16xf32>,
          %parallel_loop3A_399 = arith.constant 1 : i32
          %parallel_loop3A_400 = arith.addi %parallel_loop3A_158, %parallel_loop3A_399 : i32
          %parallel_loop3A_401 = arith.index_cast %parallel_loop3A_400 : i32 to index
          %parallel_loop3A_402 = arith.constant 112 : index
          %parallel_loop3A_403 = tpu.vector_load %arg7[%parallel_loop3A_401, %parallel_loop3A_402] {strides = array<i32>} : memref<128x128xf32, #tpu.memory_space<vmem>>, vector<1x16xf32>,
          %parallel_loop3A_404 = vector.shape_cast %parallel_loop3A_403 : vector<1x16xf32> to vector<16xf32>
          %parallel_loop3A_405 = arith.constant 1.000000e+01 : f32
          %parallel_loop3A_406 = vector.broadcast %parallel_loop3A_405 : f32 to vector<16xf32>
          %parallel_loop3A_407 = arith.mulf %parallel_loop3A_404, %parallel_loop3A_406 : vector<16xf32>
          %parallel_loop3A_408 = arith.constant 1 : i32
          %parallel_loop3A_409 = arith.addi %parallel_loop3A_158, %parallel_loop3A_408 : i32
          %parallel_loop3A_410 = arith.index_cast %parallel_loop3A_409 : i32 to index
          %parallel_loop3A_411 = arith.constant 112 : index
          %parallel_loop3A_412 = tpu.vector_load %arg7[%parallel_loop3A_410, %parallel_loop3A_411] {strides = array<i32>} : memref<128x128xf32, #tpu.memory_space<vmem>>, vector<1x16xf32>,
          %parallel_loop3A_413 = vector.shape_cast %parallel_loop3A_412 : vector<1x16xf32> to vector<16xf32>
          %parallel_loop3A_414 = vector.shape_cast %parallel_loop3A_407 : vector<16xf32> to vector<1x16xf32>
          tpu.vector_store %arg7[%parallel_loop3A_410, %parallel_loop3A_411], %parallel_loop3A_414 {strides = array<i32>} : memref<128x128xf32, #tpu.memory_space<vmem>>, vector<1x16xf32>,
        } {sc.loop_unroll_factor = 2 : i64, sc.parallel_access}
        %mul3A_144 = arith.constant 4096 : i32
        %mul3A_145 = arith.muli %add3A_94, %mul3A_144 : i32
        %add3A_146 = arith.addi %mul3A_145, %mul3A_2 : i32
        %dma_start3A_147 = arith.constant 0 : i32
        %dma_start3A_148 = tpu.memref_slice %arg4[%add3A_146, %dma_start3A_147] : memref<106496x128xf32, #tpu.memory_space<hbm>> -> memref<128x128xf32, #tpu.memory_space<hbm>>
        %dma_start3A_149 = arith.constant 0 : i32
        %dma_start3A_150 = tpu.memref_slice %arg4[%add3A_146, %dma_start3A_149] : memref<106496x128xf32, #tpu.memory_space<hbm>> -> memref<128x128xf32, #tpu.memory_space<hbm>>
        tpu.enqueue_dma source(%arg7 : memref<128x128xf32, #tpu.memory_space<vmem>>) target(%dma_start3A_150 : memref<128x128xf32, #tpu.memory_space<hbm>>) target_semaphore(%arg19 : memref<!tpu.dma_semaphore, #tpu.memory_space<semaphore_mem>>)
        %add3A_151 = arith.constant 6 : i32
        %add3A_152 = arith.addi %add3A_94, %add3A_151 : i32
        %lt3A_153 = arith.constant 26 : i32
        %lt3A_154 = arith.cmpi slt, %add3A_152, %lt3A_153 : i32
        %convert_element_type3A_155 = arith.extui %lt3A_154 : i1 to i32
        %cond3A_156 = arith.constant 0 : i32
        %cond3A_157 = arith.cmpi ne, %convert_element_type3A_155, %cond3A_156 : i32
        scf.if %cond3A_157 {
          %mul3A_158 = arith.constant 4096 : i32
          %mul3A_159 = arith.muli %add3A_94, %mul3A_158 : i32
          %add3A_160 = arith.addi %mul3A_159, %mul3A_2 : i32
          %dma_wait3A_161 = arith.constant 0 : i32
          %dma_wait3A_162 = tpu.memref_slice %arg4[%add3A_160, %dma_wait3A_161] : memref<106496x128xf32, #tpu.memory_space<hbm>> -> memref<128x128xf32, #tpu.memory_space<hbm>>
          %dma_wait3A_163 = arith.constant 0 : i32
          %dma_wait3A_164 = tpu.memref_slice %arg4[%add3A_160, %dma_wait3A_163] : memref<106496x128xf32, #tpu.memory_space<hbm>> -> memref<128x128xf32, #tpu.memory_space<hbm>>
          tpu.wait_dma2 semaphore(%arg19 : memref<!tpu.dma_semaphore, #tpu.memory_space<semaphore_mem>>) src(%arg7 : memref<128x128xf32, #tpu.memory_space<vmem>>) dst(%dma_wait3A_164 : memref<128x128xf32, #tpu.memory_space<hbm>>)
          %add3A_165 = arith.constant 6 : i32
          %add3A_166 = arith.addi %add3A_94, %add3A_165 : i32
          %dma_start3A_167 = arith.constant 0 : i32
          %dma_start3A_168 = tpu.memref_slice %arg5[%add3A_166, %dma_start3A_167] : memref<26x128xi32, #tpu.memory_space<vmem>> -> memref<1x128xi32, #tpu.memory_space<vmem>>
          %dma_start3A_169 = tpu.memref_squeeze %dma_start3A_168 : memref<1x128xi32, #tpu.memory_space<vmem>> -> memref<128xi32, #tpu.memory_space<vmem>>
          %dma_start3A_170 = arith.constant 0 : i32
          %dma_start3A_171 = arith.constant 0 : i32
          %dma_start3A_172 = tpu.memref_slice %arg3[%dma_start3A_170, %dma_start3A_171] : memref<100000x128xf32, #tpu.memory_space<hbm>> -> memref<100000x128xf32, #tpu.memory_space<hbm>>
          tpu.enqueue_indirect_dma source(%dma_start3A_172 : memref<100000x128xf32, #tpu.memory_space<hbm>>) target(%arg7 : memref<128x128xf32, #tpu.memory_space<vmem>>) offsets(%dma_start3A_169 : memref<128xi32, #tpu.memory_space<vmem>>) semaphore(%arg13 : memref<!tpu.dma_semaphore, #tpu.memory_space<semaphore_mem>>)
        } else {
        }
      } else {
      }
      %mul3A_100 = arith.constant 6 : i32
      %mul3A_101 = arith.muli %mul3A_100, %scan3A_84 : i32
      %add3A_102 = arith.constant 2 : i32
      %add3A_103 = arith.addi %mul3A_101, %add3A_102 : i32
      %lt3A_104 = arith.constant 26 : i32
      %lt3A_105 = arith.cmpi slt, %add3A_103, %lt3A_104 : i32
      %convert_element_type3A_106 = arith.extui %lt3A_105 : i1 to i32
      %cond3A_107 = arith.constant 0 : i32
      %cond3A_108 = arith.cmpi ne, %convert_element_type3A_106, %cond3A_107 : i32
      scf.if %cond3A_108 {
        %dma_wait3A_136 = arith.constant 0 : i32
        %dma_wait3A_137 = tpu.memref_slice %arg5[%add3A_103, %dma_wait3A_136] : memref<26x128xi32, #tpu.memory_space<vmem>> -> memref<1x128xi32, #tpu.memory_space<vmem>>
        %dma_wait3A_138 = tpu.memref_squeeze %dma_wait3A_137 : memref<1x128xi32, #tpu.memory_space<vmem>> -> memref<128xi32, #tpu.memory_space<vmem>>
        %dma_wait3A_139 = arith.constant 0 : i32
        %dma_wait3A_140 = arith.constant 0 : i32
        %dma_wait3A_141 = tpu.memref_slice %arg3[%dma_wait3A_139, %dma_wait3A_140] : memref<100000x128xf32, #tpu.memory_space<hbm>> -> memref<100000x128xf32, #tpu.memory_space<hbm>>
        tpu.wait_indirect_dma semaphore(%arg14 : memref<!tpu.dma_semaphore, #tpu.memory_space<semaphore_mem>>) src(%dma_wait3A_141 : memref<100000x128xf32, #tpu.memory_space<hbm>>) dst(%arg8 : memref<128x128xf32, #tpu.memory_space<vmem>>)
        %parallel_loop3A = arith.constant 0 : i32
        %parallel_loop3A_142 = arith.constant 128 : i32
        %parallel_loop3A_143 = arith.constant 2 : i32
        scf.for %parallel_loop3A_158 = %parallel_loop3A to %parallel_loop3A_142 step %parallel_loop3A_143  : i32 {
          %parallel_loop3A_159 = arith.constant 0 : i32
          %parallel_loop3A_160 = arith.addi %parallel_loop3A_158, %parallel_loop3A_159 : i32
          %parallel_loop3A_161 = arith.index_cast %parallel_loop3A_160 : i32 to index
          %parallel_loop3A_162 = arith.constant 0 : index
          %parallel_loop3A_163 = tpu.vector_load %arg8[%parallel_loop3A_161, %parallel_loop3A_162] {strides = array<i32>} : memref<128x128xf32, #tpu.memory_space<vmem>>, vector<1x16xf32>,
          %parallel_loop3A_164 = vector.shape_cast %parallel_loop3A_163 : vector<1x16xf32> to vector<16xf32>
          %parallel_loop3A_165 = arith.constant 1.000000e+01 : f32
          %parallel_loop3A_166 = vector.broadcast %parallel_loop3A_165 : f32 to vector<16xf32>
          %parallel_loop3A_167 = arith.mulf %parallel_loop3A_164, %parallel_loop3A_166 : vector<16xf32>
          %parallel_loop3A_168 = arith.constant 0 : i32
          %parallel_loop3A_169 = arith.addi %parallel_loop3A_158, %parallel_loop3A_168 : i32
          %parallel_loop3A_170 = arith.index_cast %parallel_loop3A_169 : i32 to index
          %parallel_loop3A_171 = arith.constant 0 : index
          %parallel_loop3A_172 = tpu.vector_load %arg8[%parallel_loop3A_170, %parallel_loop3A_171] {strides = array<i32>} : memref<128x128xf32, #tpu.memory_space<vmem>>, vector<1x16xf32>,
          %parallel_loop3A_173 = vector.shape_cast %parallel_loop3A_172 : vector<1x16xf32> to vector<16xf32>
          %parallel_loop3A_174 = vector.shape_cast %parallel_loop3A_167 : vector<16xf32> to vector<1x16xf32>
          tpu.vector_store %arg8[%parallel_loop3A_170, %parallel_loop3A_171], %parallel_loop3A_174 {strides = array<i32>} : memref<128x128xf32, #tpu.memory_space<vmem>>, vector<1x16xf32>,
          %parallel_loop3A_175 = arith.constant 0 : i32
          %parallel_loop3A_176 = arith.addi %parallel_loop3A_158, %parallel_loop3A_175 : i32
          %parallel_loop3A_177 = arith.index_cast %parallel_loop3A_176 : i32 to index
          %parallel_loop3A_178 = arith.constant 16 : index
          %parallel_loop3A_179 = tpu.vector_load %arg8[%parallel_loop3A_177, %parallel_loop3A_178] {strides = array<i32>} : memref<128x128xf32, #tpu.memory_space<vmem>>, vector<1x16xf32>,
          %parallel_loop3A_180 = vector.shape_cast %parallel_loop3A_179 : vector<1x16xf32> to vector<16xf32>
          %parallel_loop3A_181 = arith.constant 1.000000e+01 : f32
          %parallel_loop3A_182 = vector.broadcast %parallel_loop3A_181 : f32 to vector<16xf32>
          %parallel_loop3A_183 = arith.mulf %parallel_loop3A_180, %parallel_loop3A_182 : vector<16xf32>
          %parallel_loop3A_184 = arith.constant 0 : i32
          %parallel_loop3A_185 = arith.addi %parallel_loop3A_158, %parallel_loop3A_184 : i32
          %parallel_loop3A_186 = arith.index_cast %parallel_loop3A_185 : i32 to index
          %parallel_loop3A_187 = arith.constant 16 : index
          %parallel_loop3A_188 = tpu.vector_load %arg8[%parallel_loop3A_186, %parallel_loop3A_187] {strides = array<i32>} : memref<128x128xf32, #tpu.memory_space<vmem>>, vector<1x16xf32>,
          %parallel_loop3A_189 = vector.shape_cast %parallel_loop3A_188 : vector<1x16xf32> to vector<16xf32>
          %parallel_loop3A_190 = vector.shape_cast %parallel_loop3A_183 : vector<16xf32> to vector<1x16xf32>
          tpu.vector_store %arg8[%parallel_loop3A_186, %parallel_loop3A_187], %parallel_loop3A_190 {strides = array<i32>} : memref<128x128xf32, #tpu.memory_space<vmem>>, vector<1x16xf32>,
          %parallel_loop3A_191 = arith.constant 0 : i32
          %parallel_loop3A_192 = arith.addi %parallel_loop3A_158, %parallel_loop3A_191 : i32
          %parallel_loop3A_193 = arith.index_cast %parallel_loop3A_192 : i32 to index
          %parallel_loop3A_194 = arith.constant 32 : index
          %parallel_loop3A_195 = tpu.vector_load %arg8[%parallel_loop3A_193, %parallel_loop3A_194] {strides = array<i32>} : memref<128x128xf32, #tpu.memory_space<vmem>>, vector<1x16xf32>,
          %parallel_loop3A_196 = vector.shape_cast %parallel_loop3A_195 : vector<1x16xf32> to vector<16xf32>
          %parallel_loop3A_197 = arith.constant 1.000000e+01 : f32
          %parallel_loop3A_198 = vector.broadcast %parallel_loop3A_197 : f32 to vector<16xf32>
          %parallel_loop3A_199 = arith.mulf %parallel_loop3A_196, %parallel_loop3A_198 : vector<16xf32>
          %parallel_loop3A_200 = arith.constant 0 : i32
          %parallel_loop3A_201 = arith.addi %parallel_loop3A_158, %parallel_loop3A_200 : i32
          %parallel_loop3A_202 = arith.index_cast %parallel_loop3A_201 : i32 to index
          %parallel_loop3A_203 = arith.constant 32 : index
          %parallel_loop3A_204 = tpu.vector_load %arg8[%parallel_loop3A_202, %parallel_loop3A_203] {strides = array<i32>} : memref<128x128xf32, #tpu.memory_space<vmem>>, vector<1x16xf32>,
          %parallel_loop3A_205 = vector.shape_cast %parallel_loop3A_204 : vector<1x16xf32> to vector<16xf32>
          %parallel_loop3A_206 = vector.shape_cast %parallel_loop3A_199 : vector<16xf32> to vector<1x16xf32>
          tpu.vector_store %arg8[%parallel_loop3A_202, %parallel_loop3A_203], %parallel_loop3A_206 {strides = array<i32>} : memref<128x128xf32, #tpu.memory_space<vmem>>, vector<1x16xf32>,
          %parallel_loop3A_207 = arith.constant 0 : i32
          %parallel_loop3A_208 = arith.addi %parallel_loop3A_158, %parallel_loop3A_207 : i32
          %parallel_loop3A_209 = arith.index_cast %parallel_loop3A_208 : i32 to index
          %parallel_loop3A_210 = arith.constant 48 : index
          %parallel_loop3A_211 = tpu.vector_load %arg8[%parallel_loop3A_209, %parallel_loop3A_210] {strides = array<i32>} : memref<128x128xf32, #tpu.memory_space<vmem>>, vector<1x16xf32>,
          %parallel_loop3A_212 = vector.shape_cast %parallel_loop3A_211 : vector<1x16xf32> to vector<16xf32>
          %parallel_loop3A_213 = arith.constant 1.000000e+01 : f32
          %parallel_loop3A_214 = vector.broadcast %parallel_loop3A_213 : f32 to vector<16xf32>
          %parallel_loop3A_215 = arith.mulf %parallel_loop3A_212, %parallel_loop3A_214 : vector<16xf32>
          %parallel_loop3A_216 = arith.constant 0 : i32
          %parallel_loop3A_217 = arith.addi %parallel_loop3A_158, %parallel_loop3A_216 : i32
          %parallel_loop3A_218 = arith.index_cast %parallel_loop3A_217 : i32 to index
          %parallel_loop3A_219 = arith.constant 48 : index
          %parallel_loop3A_220 = tpu.vector_load %arg8[%parallel_loop3A_218, %parallel_loop3A_219] {strides = array<i32>} : memref<128x128xf32, #tpu.memory_space<vmem>>, vector<1x16xf32>,
          %parallel_loop3A_221 = vector.shape_cast %parallel_loop3A_220 : vector<1x16xf32> to vector<16xf32>
          %parallel_loop3A_222 = vector.shape_cast %parallel_loop3A_215 : vector<16xf32> to vector<1x16xf32>
          tpu.vector_store %arg8[%parallel_loop3A_218, %parallel_loop3A_219], %parallel_loop3A_222 {strides = array<i32>} : memref<128x128xf32, #tpu.memory_space<vmem>>, vector<1x16xf32>,
          %parallel_loop3A_223 = arith.constant 0 : i32
          %parallel_loop3A_224 = arith.addi %parallel_loop3A_158, %parallel_loop3A_223 : i32
          %parallel_loop3A_225 = arith.index_cast %parallel_loop3A_224 : i32 to index
          %parallel_loop3A_226 = arith.constant 64 : index
          %parallel_loop3A_227 = tpu.vector_load %arg8[%parallel_loop3A_225, %parallel_loop3A_226] {strides = array<i32>} : memref<128x128xf32, #tpu.memory_space<vmem>>, vector<1x16xf32>,
          %parallel_loop3A_228 = vector.shape_cast %parallel_loop3A_227 : vector<1x16xf32> to vector<16xf32>
          %parallel_loop3A_229 = arith.constant 1.000000e+01 : f32
          %parallel_loop3A_230 = vector.broadcast %parallel_loop3A_229 : f32 to vector<16xf32>
          %parallel_loop3A_231 = arith.mulf %parallel_loop3A_228, %parallel_loop3A_230 : vector<16xf32>
          %parallel_loop3A_232 = arith.constant 0 : i32
          %parallel_loop3A_233 = arith.addi %parallel_loop3A_158, %parallel_loop3A_232 : i32
          %parallel_loop3A_234 = arith.index_cast %parallel_loop3A_233 : i32 to index
          %parallel_loop3A_235 = arith.constant 64 : index
          %parallel_loop3A_236 = tpu.vector_load %arg8[%parallel_loop3A_234, %parallel_loop3A_235] {strides = array<i32>} : memref<128x128xf32, #tpu.memory_space<vmem>>, vector<1x16xf32>,
          %parallel_loop3A_237 = vector.shape_cast %parallel_loop3A_236 : vector<1x16xf32> to vector<16xf32>
          %parallel_loop3A_238 = vector.shape_cast %parallel_loop3A_231 : vector<16xf32> to vector<1x16xf32>
          tpu.vector_store %arg8[%parallel_loop3A_234, %parallel_loop3A_235], %parallel_loop3A_238 {strides = array<i32>} : memref<128x128xf32, #tpu.memory_space<vmem>>, vector<1x16xf32>,
          %parallel_loop3A_239 = arith.constant 0 : i32
          %parallel_loop3A_240 = arith.addi %parallel_loop3A_158, %parallel_loop3A_239 : i32
          %parallel_loop3A_241 = arith.index_cast %parallel_loop3A_240 : i32 to index
          %parallel_loop3A_242 = arith.constant 80 : index
          %parallel_loop3A_243 = tpu.vector_load %arg8[%parallel_loop3A_241, %parallel_loop3A_242] {strides = array<i32>} : memref<128x128xf32, #tpu.memory_space<vmem>>, vector<1x16xf32>,
          %parallel_loop3A_244 = vector.shape_cast %parallel_loop3A_243 : vector<1x16xf32> to vector<16xf32>
          %parallel_loop3A_245 = arith.constant 1.000000e+01 : f32
          %parallel_loop3A_246 = vector.broadcast %parallel_loop3A_245 : f32 to vector<16xf32>
          %parallel_loop3A_247 = arith.mulf %parallel_loop3A_244, %parallel_loop3A_246 : vector<16xf32>
          %parallel_loop3A_248 = arith.constant 0 : i32
          %parallel_loop3A_249 = arith.addi %parallel_loop3A_158, %parallel_loop3A_248 : i32
          %parallel_loop3A_250 = arith.index_cast %parallel_loop3A_249 : i32 to index
          %parallel_loop3A_251 = arith.constant 80 : index
          %parallel_loop3A_252 = tpu.vector_load %arg8[%parallel_loop3A_250, %parallel_loop3A_251] {strides = array<i32>} : memref<128x128xf32, #tpu.memory_space<vmem>>, vector<1x16xf32>,
          %parallel_loop3A_253 = vector.shape_cast %parallel_loop3A_252 : vector<1x16xf32> to vector<16xf32>
          %parallel_loop3A_254 = vector.shape_cast %parallel_loop3A_247 : vector<16xf32> to vector<1x16xf32>
          tpu.vector_store %arg8[%parallel_loop3A_250, %parallel_loop3A_251], %parallel_loop3A_254 {strides = array<i32>} : memref<128x128xf32, #tpu.memory_space<vmem>>, vector<1x16xf32>,
          %parallel_loop3A_255 = arith.constant 0 : i32
          %parallel_loop3A_256 = arith.addi %parallel_loop3A_158, %parallel_loop3A_255 : i32
          %parallel_loop3A_257 = arith.index_cast %parallel_loop3A_256 : i32 to index
          %parallel_loop3A_258 = arith.constant 96 : index
          %parallel_loop3A_259 = tpu.vector_load %arg8[%parallel_loop3A_257, %parallel_loop3A_258] {strides = array<i32>} : memref<128x128xf32, #tpu.memory_space<vmem>>, vector<1x16xf32>,
          %parallel_loop3A_260 = vector.shape_cast %parallel_loop3A_259 : vector<1x16xf32> to vector<16xf32>
          %parallel_loop3A_261 = arith.constant 1.000000e+01 : f32
          %parallel_loop3A_262 = vector.broadcast %parallel_loop3A_261 : f32 to vector<16xf32>
          %parallel_loop3A_263 = arith.mulf %parallel_loop3A_260, %parallel_loop3A_262 : vector<16xf32>
          %parallel_loop3A_264 = arith.constant 0 : i32
          %parallel_loop3A_265 = arith.addi %parallel_loop3A_158, %parallel_loop3A_264 : i32
          %parallel_loop3A_266 = arith.index_cast %parallel_loop3A_265 : i32 to index
          %parallel_loop3A_267 = arith.constant 96 : index
          %parallel_loop3A_268 = tpu.vector_load %arg8[%parallel_loop3A_266, %parallel_loop3A_267] {strides = array<i32>} : memref<128x128xf32, #tpu.memory_space<vmem>>, vector<1x16xf32>,
          %parallel_loop3A_269 = vector.shape_cast %parallel_loop3A_268 : vector<1x16xf32> to vector<16xf32>
          %parallel_loop3A_270 = vector.shape_cast %parallel_loop3A_263 : vector<16xf32> to vector<1x16xf32>
          tpu.vector_store %arg8[%parallel_loop3A_266, %parallel_loop3A_267], %parallel_loop3A_270 {strides = array<i32>} : memref<128x128xf32, #tpu.memory_space<vmem>>, vector<1x16xf32>,
          %parallel_loop3A_271 = arith.constant 0 : i32
          %parallel_loop3A_272 = arith.addi %parallel_loop3A_158, %parallel_loop3A_271 : i32
          %parallel_loop3A_273 = arith.index_cast %parallel_loop3A_272 : i32 to index
          %parallel_loop3A_274 = arith.constant 112 : index
          %parallel_loop3A_275 = tpu.vector_load %arg8[%parallel_loop3A_273, %parallel_loop3A_274] {strides = array<i32>} : memref<128x128xf32, #tpu.memory_space<vmem>>, vector<1x16xf32>,
          %parallel_loop3A_276 = vector.shape_cast %parallel_loop3A_275 : vector<1x16xf32> to vector<16xf32>
          %parallel_loop3A_277 = arith.constant 1.000000e+01 : f32
          %parallel_loop3A_278 = vector.broadcast %parallel_loop3A_277 : f32 to vector<16xf32>
          %parallel_loop3A_279 = arith.mulf %parallel_loop3A_276, %parallel_loop3A_278 : vector<16xf32>
          %parallel_loop3A_280 = arith.constant 0 : i32
          %parallel_loop3A_281 = arith.addi %parallel_loop3A_158, %parallel_loop3A_280 : i32
          %parallel_loop3A_282 = arith.index_cast %parallel_loop3A_281 : i32 to index
          %parallel_loop3A_283 = arith.constant 112 : index
          %parallel_loop3A_284 = tpu.vector_load %arg8[%parallel_loop3A_282, %parallel_loop3A_283] {strides = array<i32>} : memref<128x128xf32, #tpu.memory_space<vmem>>, vector<1x16xf32>,
          %parallel_loop3A_285 = vector.shape_cast %parallel_loop3A_284 : vector<1x16xf32> to vector<16xf32>
          %parallel_loop3A_286 = vector.shape_cast %parallel_loop3A_279 : vector<16xf32> to vector<1x16xf32>
          tpu.vector_store %arg8[%parallel_loop3A_282, %parallel_loop3A_283], %parallel_loop3A_286 {strides = array<i32>} : memref<128x128xf32, #tpu.memory_space<vmem>>, vector<1x16xf32>,
          %parallel_loop3A_287 = arith.constant 1 : i32
          %parallel_loop3A_288 = arith.addi %parallel_loop3A_158, %parallel_loop3A_287 : i32
          %parallel_loop3A_289 = arith.index_cast %parallel_loop3A_288 : i32 to index
          %parallel_loop3A_290 = arith.constant 0 : index
          %parallel_loop3A_291 = tpu.vector_load %arg8[%parallel_loop3A_289, %parallel_loop3A_290] {strides = array<i32>} : memref<128x128xf32, #tpu.memory_space<vmem>>, vector<1x16xf32>,
          %parallel_loop3A_292 = vector.shape_cast %parallel_loop3A_291 : vector<1x16xf32> to vector<16xf32>
          %parallel_loop3A_293 = arith.constant 1.000000e+01 : f32
          %parallel_loop3A_294 = vector.broadcast %parallel_loop3A_293 : f32 to vector<16xf32>
          %parallel_loop3A_295 = arith.mulf %parallel_loop3A_292, %parallel_loop3A_294 : vector<16xf32>
          %parallel_loop3A_296 = arith.constant 1 : i32
          %parallel_loop3A_297 = arith.addi %parallel_loop3A_158, %parallel_loop3A_296 : i32
          %parallel_loop3A_298 = arith.index_cast %parallel_loop3A_297 : i32 to index
          %parallel_loop3A_299 = arith.constant 0 : index
          %parallel_loop3A_300 = tpu.vector_load %arg8[%parallel_loop3A_298, %parallel_loop3A_299] {strides = array<i32>} : memref<128x128xf32, #tpu.memory_space<vmem>>, vector<1x16xf32>,
          %parallel_loop3A_301 = vector.shape_cast %parallel_loop3A_300 : vector<1x16xf32> to vector<16xf32>
          %parallel_loop3A_302 = vector.shape_cast %parallel_loop3A_295 : vector<16xf32> to vector<1x16xf32>
          tpu.vector_store %arg8[%parallel_loop3A_298, %parallel_loop3A_299], %parallel_loop3A_302 {strides = array<i32>} : memref<128x128xf32, #tpu.memory_space<vmem>>, vector<1x16xf32>,
          %parallel_loop3A_303 = arith.constant 1 : i32
          %parallel_loop3A_304 = arith.addi %parallel_loop3A_158, %parallel_loop3A_303 : i32
          %parallel_loop3A_305 = arith.index_cast %parallel_loop3A_304 : i32 to index
          %parallel_loop3A_306 = arith.constant 16 : index
          %parallel_loop3A_307 = tpu.vector_load %arg8[%parallel_loop3A_305, %parallel_loop3A_306] {strides = array<i32>} : memref<128x128xf32, #tpu.memory_space<vmem>>, vector<1x16xf32>,
          %parallel_loop3A_308 = vector.shape_cast %parallel_loop3A_307 : vector<1x16xf32> to vector<16xf32>
          %parallel_loop3A_309 = arith.constant 1.000000e+01 : f32
          %parallel_loop3A_310 = vector.broadcast %parallel_loop3A_309 : f32 to vector<16xf32>
          %parallel_loop3A_311 = arith.mulf %parallel_loop3A_308, %parallel_loop3A_310 : vector<16xf32>
          %parallel_loop3A_312 = arith.constant 1 : i32
          %parallel_loop3A_313 = arith.addi %parallel_loop3A_158, %parallel_loop3A_312 : i32
          %parallel_loop3A_314 = arith.index_cast %parallel_loop3A_313 : i32 to index
          %parallel_loop3A_315 = arith.constant 16 : index
          %parallel_loop3A_316 = tpu.vector_load %arg8[%parallel_loop3A_314, %parallel_loop3A_315] {strides = array<i32>} : memref<128x128xf32, #tpu.memory_space<vmem>>, vector<1x16xf32>,
          %parallel_loop3A_317 = vector.shape_cast %parallel_loop3A_316 : vector<1x16xf32> to vector<16xf32>
          %parallel_loop3A_318 = vector.shape_cast %parallel_loop3A_311 : vector<16xf32> to vector<1x16xf32>
          tpu.vector_store %arg8[%parallel_loop3A_314, %parallel_loop3A_315], %parallel_loop3A_318 {strides = array<i32>} : memref<128x128xf32, #tpu.memory_space<vmem>>, vector<1x16xf32>,
          %parallel_loop3A_319 = arith.constant 1 : i32
          %parallel_loop3A_320 = arith.addi %parallel_loop3A_158, %parallel_loop3A_319 : i32
          %parallel_loop3A_321 = arith.index_cast %parallel_loop3A_320 : i32 to index
          %parallel_loop3A_322 = arith.constant 32 : index
          %parallel_loop3A_323 = tpu.vector_load %arg8[%parallel_loop3A_321, %parallel_loop3A_322] {strides = array<i32>} : memref<128x128xf32, #tpu.memory_space<vmem>>, vector<1x16xf32>,
          %parallel_loop3A_324 = vector.shape_cast %parallel_loop3A_323 : vector<1x16xf32> to vector<16xf32>
          %parallel_loop3A_325 = arith.constant 1.000000e+01 : f32
          %parallel_loop3A_326 = vector.broadcast %parallel_loop3A_325 : f32 to vector<16xf32>
          %parallel_loop3A_327 = arith.mulf %parallel_loop3A_324, %parallel_loop3A_326 : vector<16xf32>
          %parallel_loop3A_328 = arith.constant 1 : i32
          %parallel_loop3A_329 = arith.addi %parallel_loop3A_158, %parallel_loop3A_328 : i32
          %parallel_loop3A_330 = arith.index_cast %parallel_loop3A_329 : i32 to index
          %parallel_loop3A_331 = arith.constant 32 : index
          %parallel_loop3A_332 = tpu.vector_load %arg8[%parallel_loop3A_330, %parallel_loop3A_331] {strides = array<i32>} : memref<128x128xf32, #tpu.memory_space<vmem>>, vector<1x16xf32>,
          %parallel_loop3A_333 = vector.shape_cast %parallel_loop3A_332 : vector<1x16xf32> to vector<16xf32>
          %parallel_loop3A_334 = vector.shape_cast %parallel_loop3A_327 : vector<16xf32> to vector<1x16xf32>
          tpu.vector_store %arg8[%parallel_loop3A_330, %parallel_loop3A_331], %parallel_loop3A_334 {strides = array<i32>} : memref<128x128xf32, #tpu.memory_space<vmem>>, vector<1x16xf32>,
          %parallel_loop3A_335 = arith.constant 1 : i32
          %parallel_loop3A_336 = arith.addi %parallel_loop3A_158, %parallel_loop3A_335 : i32
          %parallel_loop3A_337 = arith.index_cast %parallel_loop3A_336 : i32 to index
          %parallel_loop3A_338 = arith.constant 48 : index
          %parallel_loop3A_339 = tpu.vector_load %arg8[%parallel_loop3A_337, %parallel_loop3A_338] {strides = array<i32>} : memref<128x128xf32, #tpu.memory_space<vmem>>, vector<1x16xf32>,
          %parallel_loop3A_340 = vector.shape_cast %parallel_loop3A_339 : vector<1x16xf32> to vector<16xf32>
          %parallel_loop3A_341 = arith.constant 1.000000e+01 : f32
          %parallel_loop3A_342 = vector.broadcast %parallel_loop3A_341 : f32 to vector<16xf32>
          %parallel_loop3A_343 = arith.mulf %parallel_loop3A_340, %parallel_loop3A_342 : vector<16xf32>
          %parallel_loop3A_344 = arith.constant 1 : i32
          %parallel_loop3A_345 = arith.addi %parallel_loop3A_158, %parallel_loop3A_344 : i32
          %parallel_loop3A_346 = arith.index_cast %parallel_loop3A_345 : i32 to index
          %parallel_loop3A_347 = arith.constant 48 : index
          %parallel_loop3A_348 = tpu.vector_load %arg8[%parallel_loop3A_346, %parallel_loop3A_347] {strides = array<i32>} : memref<128x128xf32, #tpu.memory_space<vmem>>, vector<1x16xf32>,
          %parallel_loop3A_349 = vector.shape_cast %parallel_loop3A_348 : vector<1x16xf32> to vector<16xf32>
          %parallel_loop3A_350 = vector.shape_cast %parallel_loop3A_343 : vector<16xf32> to vector<1x16xf32>
          tpu.vector_store %arg8[%parallel_loop3A_346, %parallel_loop3A_347], %parallel_loop3A_350 {strides = array<i32>} : memref<128x128xf32, #tpu.memory_space<vmem>>, vector<1x16xf32>,
          %parallel_loop3A_351 = arith.constant 1 : i32
          %parallel_loop3A_352 = arith.addi %parallel_loop3A_158, %parallel_loop3A_351 : i32
          %parallel_loop3A_353 = arith.index_cast %parallel_loop3A_352 : i32 to index
          %parallel_loop3A_354 = arith.constant 64 : index
          %parallel_loop3A_355 = tpu.vector_load %arg8[%parallel_loop3A_353, %parallel_loop3A_354] {strides = array<i32>} : memref<128x128xf32, #tpu.memory_space<vmem>>, vector<1x16xf32>,
          %parallel_loop3A_356 = vector.shape_cast %parallel_loop3A_355 : vector<1x16xf32> to vector<16xf32>
          %parallel_loop3A_357 = arith.constant 1.000000e+01 : f32
          %parallel_loop3A_358 = vector.broadcast %parallel_loop3A_357 : f32 to vector<16xf32>
          %parallel_loop3A_359 = arith.mulf %parallel_loop3A_356, %parallel_loop3A_358 : vector<16xf32>
          %parallel_loop3A_360 = arith.constant 1 : i32
          %parallel_loop3A_361 = arith.addi %parallel_loop3A_158, %parallel_loop3A_360 : i32
          %parallel_loop3A_362 = arith.index_cast %parallel_loop3A_361 : i32 to index
          %parallel_loop3A_363 = arith.constant 64 : index
          %parallel_loop3A_364 = tpu.vector_load %arg8[%parallel_loop3A_362, %parallel_loop3A_363] {strides = array<i32>} : memref<128x128xf32, #tpu.memory_space<vmem>>, vector<1x16xf32>,
          %parallel_loop3A_365 = vector.shape_cast %parallel_loop3A_364 : vector<1x16xf32> to vector<16xf32>
          %parallel_loop3A_366 = vector.shape_cast %parallel_loop3A_359 : vector<16xf32> to vector<1x16xf32>
          tpu.vector_store %arg8[%parallel_loop3A_362, %parallel_loop3A_363], %parallel_loop3A_366 {strides = array<i32>} : memref<128x128xf32, #tpu.memory_space<vmem>>, vector<1x16xf32>,
          %parallel_loop3A_367 = arith.constant 1 : i32
          %parallel_loop3A_368 = arith.addi %parallel_loop3A_158, %parallel_loop3A_367 : i32
          %parallel_loop3A_369 = arith.index_cast %parallel_loop3A_368 : i32 to index
          %parallel_loop3A_370 = arith.constant 80 : index
          %parallel_loop3A_371 = tpu.vector_load %arg8[%parallel_loop3A_369, %parallel_loop3A_370] {strides = array<i32>} : memref<128x128xf32, #tpu.memory_space<vmem>>, vector<1x16xf32>,
          %parallel_loop3A_372 = vector.shape_cast %parallel_loop3A_371 : vector<1x16xf32> to vector<16xf32>
          %parallel_loop3A_373 = arith.constant 1.000000e+01 : f32
          %parallel_loop3A_374 = vector.broadcast %parallel_loop3A_373 : f32 to vector<16xf32>
          %parallel_loop3A_375 = arith.mulf %parallel_loop3A_372, %parallel_loop3A_374 : vector<16xf32>
          %parallel_loop3A_376 = arith.constant 1 : i32
          %parallel_loop3A_377 = arith.addi %parallel_loop3A_158, %parallel_loop3A_376 : i32
          %parallel_loop3A_378 = arith.index_cast %parallel_loop3A_377 : i32 to index
          %parallel_loop3A_379 = arith.constant 80 : index
          %parallel_loop3A_380 = tpu.vector_load %arg8[%parallel_loop3A_378, %parallel_loop3A_379] {strides = array<i32>} : memref<128x128xf32, #tpu.memory_space<vmem>>, vector<1x16xf32>,
          %parallel_loop3A_381 = vector.shape_cast %parallel_loop3A_380 : vector<1x16xf32> to vector<16xf32>
          %parallel_loop3A_382 = vector.shape_cast %parallel_loop3A_375 : vector<16xf32> to vector<1x16xf32>
          tpu.vector_store %arg8[%parallel_loop3A_378, %parallel_loop3A_379], %parallel_loop3A_382 {strides = array<i32>} : memref<128x128xf32, #tpu.memory_space<vmem>>, vector<1x16xf32>,
          %parallel_loop3A_383 = arith.constant 1 : i32
          %parallel_loop3A_384 = arith.addi %parallel_loop3A_158, %parallel_loop3A_383 : i32
          %parallel_loop3A_385 = arith.index_cast %parallel_loop3A_384 : i32 to index
          %parallel_loop3A_386 = arith.constant 96 : index
          %parallel_loop3A_387 = tpu.vector_load %arg8[%parallel_loop3A_385, %parallel_loop3A_386] {strides = array<i32>} : memref<128x128xf32, #tpu.memory_space<vmem>>, vector<1x16xf32>,
          %parallel_loop3A_388 = vector.shape_cast %parallel_loop3A_387 : vector<1x16xf32> to vector<16xf32>
          %parallel_loop3A_389 = arith.constant 1.000000e+01 : f32
          %parallel_loop3A_390 = vector.broadcast %parallel_loop3A_389 : f32 to vector<16xf32>
          %parallel_loop3A_391 = arith.mulf %parallel_loop3A_388, %parallel_loop3A_390 : vector<16xf32>
          %parallel_loop3A_392 = arith.constant 1 : i32
          %parallel_loop3A_393 = arith.addi %parallel_loop3A_158, %parallel_loop3A_392 : i32
          %parallel_loop3A_394 = arith.index_cast %parallel_loop3A_393 : i32 to index
          %parallel_loop3A_395 = arith.constant 96 : index
          %parallel_loop3A_396 = tpu.vector_load %arg8[%parallel_loop3A_394, %parallel_loop3A_395] {strides = array<i32>} : memref<128x128xf32, #tpu.memory_space<vmem>>, vector<1x16xf32>,
          %parallel_loop3A_397 = vector.shape_cast %parallel_loop3A_396 : vector<1x16xf32> to vector<16xf32>
          %parallel_loop3A_398 = vector.shape_cast %parallel_loop3A_391 : vector<16xf32> to vector<1x16xf32>
          tpu.vector_store %arg8[%parallel_loop3A_394, %parallel_loop3A_395], %parallel_loop3A_398 {strides = array<i32>} : memref<128x128xf32, #tpu.memory_space<vmem>>, vector<1x16xf32>,
          %parallel_loop3A_399 = arith.constant 1 : i32
          %parallel_loop3A_400 = arith.addi %parallel_loop3A_158, %parallel_loop3A_399 : i32
          %parallel_loop3A_401 = arith.index_cast %parallel_loop3A_400 : i32 to index
          %parallel_loop3A_402 = arith.constant 112 : index
          %parallel_loop3A_403 = tpu.vector_load %arg8[%parallel_loop3A_401, %parallel_loop3A_402] {strides = array<i32>} : memref<128x128xf32, #tpu.memory_space<vmem>>, vector<1x16xf32>,
          %parallel_loop3A_404 = vector.shape_cast %parallel_loop3A_403 : vector<1x16xf32> to vector<16xf32>
          %parallel_loop3A_405 = arith.constant 1.000000e+01 : f32
          %parallel_loop3A_406 = vector.broadcast %parallel_loop3A_405 : f32 to vector<16xf32>
          %parallel_loop3A_407 = arith.mulf %parallel_loop3A_404, %parallel_loop3A_406 : vector<16xf32>
          %parallel_loop3A_408 = arith.constant 1 : i32
          %parallel_loop3A_409 = arith.addi %parallel_loop3A_158, %parallel_loop3A_408 : i32
          %parallel_loop3A_410 = arith.index_cast %parallel_loop3A_409 : i32 to index
          %parallel_loop3A_411 = arith.constant 112 : index
          %parallel_loop3A_412 = tpu.vector_load %arg8[%parallel_loop3A_410, %parallel_loop3A_411] {strides = array<i32>} : memref<128x128xf32, #tpu.memory_space<vmem>>, vector<1x16xf32>,
          %parallel_loop3A_413 = vector.shape_cast %parallel_loop3A_412 : vector<1x16xf32> to vector<16xf32>
          %parallel_loop3A_414 = vector.shape_cast %parallel_loop3A_407 : vector<16xf32> to vector<1x16xf32>
          tpu.vector_store %arg8[%parallel_loop3A_410, %parallel_loop3A_411], %parallel_loop3A_414 {strides = array<i32>} : memref<128x128xf32, #tpu.memory_space<vmem>>, vector<1x16xf32>,
        } {sc.loop_unroll_factor = 2 : i64, sc.parallel_access}
        %mul3A_144 = arith.constant 4096 : i32
        %mul3A_145 = arith.muli %add3A_103, %mul3A_144 : i32
        %add3A_146 = arith.addi %mul3A_145, %mul3A_2 : i32
        %dma_start3A_147 = arith.constant 0 : i32
        %dma_start3A_148 = tpu.memref_slice %arg4[%add3A_146, %dma_start3A_147] : memref<106496x128xf32, #tpu.memory_space<hbm>> -> memref<128x128xf32, #tpu.memory_space<hbm>>
        %dma_start3A_149 = arith.constant 0 : i32
        %dma_start3A_150 = tpu.memref_slice %arg4[%add3A_146, %dma_start3A_149] : memref<106496x128xf32, #tpu.memory_space<hbm>> -> memref<128x128xf32, #tpu.memory_space<hbm>>
        tpu.enqueue_dma source(%arg8 : memref<128x128xf32, #tpu.memory_space<vmem>>) target(%dma_start3A_150 : memref<128x128xf32, #tpu.memory_space<hbm>>) target_semaphore(%arg20 : memref<!tpu.dma_semaphore, #tpu.memory_space<semaphore_mem>>)
        %add3A_151 = arith.constant 6 : i32
        %add3A_152 = arith.addi %add3A_103, %add3A_151 : i32
        %lt3A_153 = arith.constant 26 : i32
        %lt3A_154 = arith.cmpi slt, %add3A_152, %lt3A_153 : i32
        %convert_element_type3A_155 = arith.extui %lt3A_154 : i1 to i32
        %cond3A_156 = arith.constant 0 : i32
        %cond3A_157 = arith.cmpi ne, %convert_element_type3A_155, %cond3A_156 : i32
        scf.if %cond3A_157 {
          %mul3A_158 = arith.constant 4096 : i32
          %mul3A_159 = arith.muli %add3A_103, %mul3A_158 : i32
          %add3A_160 = arith.addi %mul3A_159, %mul3A_2 : i32
          %dma_wait3A_161 = arith.constant 0 : i32
          %dma_wait3A_162 = tpu.memref_slice %arg4[%add3A_160, %dma_wait3A_161] : memref<106496x128xf32, #tpu.memory_space<hbm>> -> memref<128x128xf32, #tpu.memory_space<hbm>>
          %dma_wait3A_163 = arith.constant 0 : i32
          %dma_wait3A_164 = tpu.memref_slice %arg4[%add3A_160, %dma_wait3A_163] : memref<106496x128xf32, #tpu.memory_space<hbm>> -> memref<128x128xf32, #tpu.memory_space<hbm>>
          tpu.wait_dma2 semaphore(%arg20 : memref<!tpu.dma_semaphore, #tpu.memory_space<semaphore_mem>>) src(%arg8 : memref<128x128xf32, #tpu.memory_space<vmem>>) dst(%dma_wait3A_164 : memref<128x128xf32, #tpu.memory_space<hbm>>)
          %add3A_165 = arith.constant 6 : i32
          %add3A_166 = arith.addi %add3A_103, %add3A_165 : i32
          %dma_start3A_167 = arith.constant 0 : i32
          %dma_start3A_168 = tpu.memref_slice %arg5[%add3A_166, %dma_start3A_167] : memref<26x128xi32, #tpu.memory_space<vmem>> -> memref<1x128xi32, #tpu.memory_space<vmem>>
          %dma_start3A_169 = tpu.memref_squeeze %dma_start3A_168 : memref<1x128xi32, #tpu.memory_space<vmem>> -> memref<128xi32, #tpu.memory_space<vmem>>
          %dma_start3A_170 = arith.constant 0 : i32
          %dma_start3A_171 = arith.constant 0 : i32
          %dma_start3A_172 = tpu.memref_slice %arg3[%dma_start3A_170, %dma_start3A_171] : memref<100000x128xf32, #tpu.memory_space<hbm>> -> memref<100000x128xf32, #tpu.memory_space<hbm>>
          tpu.enqueue_indirect_dma source(%dma_start3A_172 : memref<100000x128xf32, #tpu.memory_space<hbm>>) target(%arg8 : memref<128x128xf32, #tpu.memory_space<vmem>>) offsets(%dma_start3A_169 : memref<128xi32, #tpu.memory_space<vmem>>) semaphore(%arg14 : memref<!tpu.dma_semaphore, #tpu.memory_space<semaphore_mem>>)
        } else {
        }
      } else {
      }
      %mul3A_109 = arith.constant 6 : i32
      %mul3A_110 = arith.muli %mul3A_109, %scan3A_84 : i32
      %add3A_111 = arith.constant 3 : i32
      %add3A_112 = arith.addi %mul3A_110, %add3A_111 : i32
      %lt3A_113 = arith.constant 26 : i32
      %lt3A_114 = arith.cmpi slt, %add3A_112, %lt3A_113 : i32
      %convert_element_type3A_115 = arith.extui %lt3A_114 : i1 to i32
      %cond3A_116 = arith.constant 0 : i32
      %cond3A_117 = arith.cmpi ne, %convert_element_type3A_115, %cond3A_116 : i32
      scf.if %cond3A_117 {
        %dma_wait3A_136 = arith.constant 0 : i32
        %dma_wait3A_137 = tpu.memref_slice %arg5[%add3A_112, %dma_wait3A_136] : memref<26x128xi32, #tpu.memory_space<vmem>> -> memref<1x128xi32, #tpu.memory_space<vmem>>
        %dma_wait3A_138 = tpu.memref_squeeze %dma_wait3A_137 : memref<1x128xi32, #tpu.memory_space<vmem>> -> memref<128xi32, #tpu.memory_space<vmem>>
        %dma_wait3A_139 = arith.constant 0 : i32
        %dma_wait3A_140 = arith.constant 0 : i32
        %dma_wait3A_141 = tpu.memref_slice %arg3[%dma_wait3A_139, %dma_wait3A_140] : memref<100000x128xf32, #tpu.memory_space<hbm>> -> memref<100000x128xf32, #tpu.memory_space<hbm>>
        tpu.wait_indirect_dma semaphore(%arg15 : memref<!tpu.dma_semaphore, #tpu.memory_space<semaphore_mem>>) src(%dma_wait3A_141 : memref<100000x128xf32, #tpu.memory_space<hbm>>) dst(%arg9 : memref<128x128xf32, #tpu.memory_space<vmem>>)
        %parallel_loop3A = arith.constant 0 : i32
        %parallel_loop3A_142 = arith.constant 128 : i32
        %parallel_loop3A_143 = arith.constant 2 : i32
        scf.for %parallel_loop3A_158 = %parallel_loop3A to %parallel_loop3A_142 step %parallel_loop3A_143  : i32 {
          %parallel_loop3A_159 = arith.constant 0 : i32
          %parallel_loop3A_160 = arith.addi %parallel_loop3A_158, %parallel_loop3A_159 : i32
          %parallel_loop3A_161 = arith.index_cast %parallel_loop3A_160 : i32 to index
          %parallel_loop3A_162 = arith.constant 0 : index
          %parallel_loop3A_163 = tpu.vector_load %arg9[%parallel_loop3A_161, %parallel_loop3A_162] {strides = array<i32>} : memref<128x128xf32, #tpu.memory_space<vmem>>, vector<1x16xf32>,
          %parallel_loop3A_164 = vector.shape_cast %parallel_loop3A_163 : vector<1x16xf32> to vector<16xf32>
          %parallel_loop3A_165 = arith.constant 1.000000e+01 : f32
          %parallel_loop3A_166 = vector.broadcast %parallel_loop3A_165 : f32 to vector<16xf32>
          %parallel_loop3A_167 = arith.mulf %parallel_loop3A_164, %parallel_loop3A_166 : vector<16xf32>
          %parallel_loop3A_168 = arith.constant 0 : i32
          %parallel_loop3A_169 = arith.addi %parallel_loop3A_158, %parallel_loop3A_168 : i32
          %parallel_loop3A_170 = arith.index_cast %parallel_loop3A_169 : i32 to index
          %parallel_loop3A_171 = arith.constant 0 : index
          %parallel_loop3A_172 = tpu.vector_load %arg9[%parallel_loop3A_170, %parallel_loop3A_171] {strides = array<i32>} : memref<128x128xf32, #tpu.memory_space<vmem>>, vector<1x16xf32>,
          %parallel_loop3A_173 = vector.shape_cast %parallel_loop3A_172 : vector<1x16xf32> to vector<16xf32>
          %parallel_loop3A_174 = vector.shape_cast %parallel_loop3A_167 : vector<16xf32> to vector<1x16xf32>
          tpu.vector_store %arg9[%parallel_loop3A_170, %parallel_loop3A_171], %parallel_loop3A_174 {strides = array<i32>} : memref<128x128xf32, #tpu.memory_space<vmem>>, vector<1x16xf32>,
          %parallel_loop3A_175 = arith.constant 0 : i32
          %parallel_loop3A_176 = arith.addi %parallel_loop3A_158, %parallel_loop3A_175 : i32
          %parallel_loop3A_177 = arith.index_cast %parallel_loop3A_176 : i32 to index
          %parallel_loop3A_178 = arith.constant 16 : index
          %parallel_loop3A_179 = tpu.vector_load %arg9[%parallel_loop3A_177, %parallel_loop3A_178] {strides = array<i32>} : memref<128x128xf32, #tpu.memory_space<vmem>>, vector<1x16xf32>,
          %parallel_loop3A_180 = vector.shape_cast %parallel_loop3A_179 : vector<1x16xf32> to vector<16xf32>
          %parallel_loop3A_181 = arith.constant 1.000000e+01 : f32
          %parallel_loop3A_182 = vector.broadcast %parallel_loop3A_181 : f32 to vector<16xf32>
          %parallel_loop3A_183 = arith.mulf %parallel_loop3A_180, %parallel_loop3A_182 : vector<16xf32>
          %parallel_loop3A_184 = arith.constant 0 : i32
          %parallel_loop3A_185 = arith.addi %parallel_loop3A_158, %parallel_loop3A_184 : i32
          %parallel_loop3A_186 = arith.index_cast %parallel_loop3A_185 : i32 to index
          %parallel_loop3A_187 = arith.constant 16 : index
          %parallel_loop3A_188 = tpu.vector_load %arg9[%parallel_loop3A_186, %parallel_loop3A_187] {strides = array<i32>} : memref<128x128xf32, #tpu.memory_space<vmem>>, vector<1x16xf32>,
          %parallel_loop3A_189 = vector.shape_cast %parallel_loop3A_188 : vector<1x16xf32> to vector<16xf32>
          %parallel_loop3A_190 = vector.shape_cast %parallel_loop3A_183 : vector<16xf32> to vector<1x16xf32>
          tpu.vector_store %arg9[%parallel_loop3A_186, %parallel_loop3A_187], %parallel_loop3A_190 {strides = array<i32>} : memref<128x128xf32, #tpu.memory_space<vmem>>, vector<1x16xf32>,
          %parallel_loop3A_191 = arith.constant 0 : i32
          %parallel_loop3A_192 = arith.addi %parallel_loop3A_158, %parallel_loop3A_191 : i32
          %parallel_loop3A_193 = arith.index_cast %parallel_loop3A_192 : i32 to index
          %parallel_loop3A_194 = arith.constant 32 : index
          %parallel_loop3A_195 = tpu.vector_load %arg9[%parallel_loop3A_193, %parallel_loop3A_194] {strides = array<i32>} : memref<128x128xf32, #tpu.memory_space<vmem>>, vector<1x16xf32>,
          %parallel_loop3A_196 = vector.shape_cast %parallel_loop3A_195 : vector<1x16xf32> to vector<16xf32>
          %parallel_loop3A_197 = arith.constant 1.000000e+01 : f32
          %parallel_loop3A_198 = vector.broadcast %parallel_loop3A_197 : f32 to vector<16xf32>
          %parallel_loop3A_199 = arith.mulf %parallel_loop3A_196, %parallel_loop3A_198 : vector<16xf32>
          %parallel_loop3A_200 = arith.constant 0 : i32
          %parallel_loop3A_201 = arith.addi %parallel_loop3A_158, %parallel_loop3A_200 : i32
          %parallel_loop3A_202 = arith.index_cast %parallel_loop3A_201 : i32 to index
          %parallel_loop3A_203 = arith.constant 32 : index
          %parallel_loop3A_204 = tpu.vector_load %arg9[%parallel_loop3A_202, %parallel_loop3A_203] {strides = array<i32>} : memref<128x128xf32, #tpu.memory_space<vmem>>, vector<1x16xf32>,
          %parallel_loop3A_205 = vector.shape_cast %parallel_loop3A_204 : vector<1x16xf32> to vector<16xf32>
          %parallel_loop3A_206 = vector.shape_cast %parallel_loop3A_199 : vector<16xf32> to vector<1x16xf32>
          tpu.vector_store %arg9[%parallel_loop3A_202, %parallel_loop3A_203], %parallel_loop3A_206 {strides = array<i32>} : memref<128x128xf32, #tpu.memory_space<vmem>>, vector<1x16xf32>,
          %parallel_loop3A_207 = arith.constant 0 : i32
          %parallel_loop3A_208 = arith.addi %parallel_loop3A_158, %parallel_loop3A_207 : i32
          %parallel_loop3A_209 = arith.index_cast %parallel_loop3A_208 : i32 to index
          %parallel_loop3A_210 = arith.constant 48 : index
          %parallel_loop3A_211 = tpu.vector_load %arg9[%parallel_loop3A_209, %parallel_loop3A_210] {strides = array<i32>} : memref<128x128xf32, #tpu.memory_space<vmem>>, vector<1x16xf32>,
          %parallel_loop3A_212 = vector.shape_cast %parallel_loop3A_211 : vector<1x16xf32> to vector<16xf32>
          %parallel_loop3A_213 = arith.constant 1.000000e+01 : f32
          %parallel_loop3A_214 = vector.broadcast %parallel_loop3A_213 : f32 to vector<16xf32>
          %parallel_loop3A_215 = arith.mulf %parallel_loop3A_212, %parallel_loop3A_214 : vector<16xf32>
          %parallel_loop3A_216 = arith.constant 0 : i32
          %parallel_loop3A_217 = arith.addi %parallel_loop3A_158, %parallel_loop3A_216 : i32
          %parallel_loop3A_218 = arith.index_cast %parallel_loop3A_217 : i32 to index
          %parallel_loop3A_219 = arith.constant 48 : index
          %parallel_loop3A_220 = tpu.vector_load %arg9[%parallel_loop3A_218, %parallel_loop3A_219] {strides = array<i32>} : memref<128x128xf32, #tpu.memory_space<vmem>>, vector<1x16xf32>,
          %parallel_loop3A_221 = vector.shape_cast %parallel_loop3A_220 : vector<1x16xf32> to vector<16xf32>
          %parallel_loop3A_222 = vector.shape_cast %parallel_loop3A_215 : vector<16xf32> to vector<1x16xf32>
          tpu.vector_store %arg9[%parallel_loop3A_218, %parallel_loop3A_219], %parallel_loop3A_222 {strides = array<i32>} : memref<128x128xf32, #tpu.memory_space<vmem>>, vector<1x16xf32>,
          %parallel_loop3A_223 = arith.constant 0 : i32
          %parallel_loop3A_224 = arith.addi %parallel_loop3A_158, %parallel_loop3A_223 : i32
          %parallel_loop3A_225 = arith.index_cast %parallel_loop3A_224 : i32 to index
          %parallel_loop3A_226 = arith.constant 64 : index
          %parallel_loop3A_227 = tpu.vector_load %arg9[%parallel_loop3A_225, %parallel_loop3A_226] {strides = array<i32>} : memref<128x128xf32, #tpu.memory_space<vmem>>, vector<1x16xf32>,
          %parallel_loop3A_228 = vector.shape_cast %parallel_loop3A_227 : vector<1x16xf32> to vector<16xf32>
          %parallel_loop3A_229 = arith.constant 1.000000e+01 : f32
          %parallel_loop3A_230 = vector.broadcast %parallel_loop3A_229 : f32 to vector<16xf32>
          %parallel_loop3A_231 = arith.mulf %parallel_loop3A_228, %parallel_loop3A_230 : vector<16xf32>
          %parallel_loop3A_232 = arith.constant 0 : i32
          %parallel_loop3A_233 = arith.addi %parallel_loop3A_158, %parallel_loop3A_232 : i32
          %parallel_loop3A_234 = arith.index_cast %parallel_loop3A_233 : i32 to index
          %parallel_loop3A_235 = arith.constant 64 : index
          %parallel_loop3A_236 = tpu.vector_load %arg9[%parallel_loop3A_234, %parallel_loop3A_235] {strides = array<i32>} : memref<128x128xf32, #tpu.memory_space<vmem>>, vector<1x16xf32>,
          %parallel_loop3A_237 = vector.shape_cast %parallel_loop3A_236 : vector<1x16xf32> to vector<16xf32>
          %parallel_loop3A_238 = vector.shape_cast %parallel_loop3A_231 : vector<16xf32> to vector<1x16xf32>
          tpu.vector_store %arg9[%parallel_loop3A_234, %parallel_loop3A_235], %parallel_loop3A_238 {strides = array<i32>} : memref<128x128xf32, #tpu.memory_space<vmem>>, vector<1x16xf32>,
          %parallel_loop3A_239 = arith.constant 0 : i32
          %parallel_loop3A_240 = arith.addi %parallel_loop3A_158, %parallel_loop3A_239 : i32
          %parallel_loop3A_241 = arith.index_cast %parallel_loop3A_240 : i32 to index
          %parallel_loop3A_242 = arith.constant 80 : index
          %parallel_loop3A_243 = tpu.vector_load %arg9[%parallel_loop3A_241, %parallel_loop3A_242] {strides = array<i32>} : memref<128x128xf32, #tpu.memory_space<vmem>>, vector<1x16xf32>,
          %parallel_loop3A_244 = vector.shape_cast %parallel_loop3A_243 : vector<1x16xf32> to vector<16xf32>
          %parallel_loop3A_245 = arith.constant 1.000000e+01 : f32
          %parallel_loop3A_246 = vector.broadcast %parallel_loop3A_245 : f32 to vector<16xf32>
          %parallel_loop3A_247 = arith.mulf %parallel_loop3A_244, %parallel_loop3A_246 : vector<16xf32>
          %parallel_loop3A_248 = arith.constant 0 : i32
          %parallel_loop3A_249 = arith.addi %parallel_loop3A_158, %parallel_loop3A_248 : i32
          %parallel_loop3A_250 = arith.index_cast %parallel_loop3A_249 : i32 to index
          %parallel_loop3A_251 = arith.constant 80 : index
          %parallel_loop3A_252 = tpu.vector_load %arg9[%parallel_loop3A_250, %parallel_loop3A_251] {strides = array<i32>} : memref<128x128xf32, #tpu.memory_space<vmem>>, vector<1x16xf32>,
          %parallel_loop3A_253 = vector.shape_cast %parallel_loop3A_252 : vector<1x16xf32> to vector<16xf32>
          %parallel_loop3A_254 = vector.shape_cast %parallel_loop3A_247 : vector<16xf32> to vector<1x16xf32>
          tpu.vector_store %arg9[%parallel_loop3A_250, %parallel_loop3A_251], %parallel_loop3A_254 {strides = array<i32>} : memref<128x128xf32, #tpu.memory_space<vmem>>, vector<1x16xf32>,
          %parallel_loop3A_255 = arith.constant 0 : i32
          %parallel_loop3A_256 = arith.addi %parallel_loop3A_158, %parallel_loop3A_255 : i32
          %parallel_loop3A_257 = arith.index_cast %parallel_loop3A_256 : i32 to index
          %parallel_loop3A_258 = arith.constant 96 : index
          %parallel_loop3A_259 = tpu.vector_load %arg9[%parallel_loop3A_257, %parallel_loop3A_258] {strides = array<i32>} : memref<128x128xf32, #tpu.memory_space<vmem>>, vector<1x16xf32>,
          %parallel_loop3A_260 = vector.shape_cast %parallel_loop3A_259 : vector<1x16xf32> to vector<16xf32>
          %parallel_loop3A_261 = arith.constant 1.000000e+01 : f32
          %parallel_loop3A_262 = vector.broadcast %parallel_loop3A_261 : f32 to vector<16xf32>
          %parallel_loop3A_263 = arith.mulf %parallel_loop3A_260, %parallel_loop3A_262 : vector<16xf32>
          %parallel_loop3A_264 = arith.constant 0 : i32
          %parallel_loop3A_265 = arith.addi %parallel_loop3A_158, %parallel_loop3A_264 : i32
          %parallel_loop3A_266 = arith.index_cast %parallel_loop3A_265 : i32 to index
          %parallel_loop3A_267 = arith.constant 96 : index
          %parallel_loop3A_268 = tpu.vector_load %arg9[%parallel_loop3A_266, %parallel_loop3A_267] {strides = array<i32>} : memref<128x128xf32, #tpu.memory_space<vmem>>, vector<1x16xf32>,
          %parallel_loop3A_269 = vector.shape_cast %parallel_loop3A_268 : vector<1x16xf32> to vector<16xf32>
          %parallel_loop3A_270 = vector.shape_cast %parallel_loop3A_263 : vector<16xf32> to vector<1x16xf32>
          tpu.vector_store %arg9[%parallel_loop3A_266, %parallel_loop3A_267], %parallel_loop3A_270 {strides = array<i32>} : memref<128x128xf32, #tpu.memory_space<vmem>>, vector<1x16xf32>,
          %parallel_loop3A_271 = arith.constant 0 : i32
          %parallel_loop3A_272 = arith.addi %parallel_loop3A_158, %parallel_loop3A_271 : i32
          %parallel_loop3A_273 = arith.index_cast %parallel_loop3A_272 : i32 to index
          %parallel_loop3A_274 = arith.constant 112 : index
          %parallel_loop3A_275 = tpu.vector_load %arg9[%parallel_loop3A_273, %parallel_loop3A_274] {strides = array<i32>} : memref<128x128xf32, #tpu.memory_space<vmem>>, vector<1x16xf32>,
          %parallel_loop3A_276 = vector.shape_cast %parallel_loop3A_275 : vector<1x16xf32> to vector<16xf32>
          %parallel_loop3A_277 = arith.constant 1.000000e+01 : f32
          %parallel_loop3A_278 = vector.broadcast %parallel_loop3A_277 : f32 to vector<16xf32>
          %parallel_loop3A_279 = arith.mulf %parallel_loop3A_276, %parallel_loop3A_278 : vector<16xf32>
          %parallel_loop3A_280 = arith.constant 0 : i32
          %parallel_loop3A_281 = arith.addi %parallel_loop3A_158, %parallel_loop3A_280 : i32
          %parallel_loop3A_282 = arith.index_cast %parallel_loop3A_281 : i32 to index
          %parallel_loop3A_283 = arith.constant 112 : index
          %parallel_loop3A_284 = tpu.vector_load %arg9[%parallel_loop3A_282, %parallel_loop3A_283] {strides = array<i32>} : memref<128x128xf32, #tpu.memory_space<vmem>>, vector<1x16xf32>,
          %parallel_loop3A_285 = vector.shape_cast %parallel_loop3A_284 : vector<1x16xf32> to vector<16xf32>
          %parallel_loop3A_286 = vector.shape_cast %parallel_loop3A_279 : vector<16xf32> to vector<1x16xf32>
          tpu.vector_store %arg9[%parallel_loop3A_282, %parallel_loop3A_283], %parallel_loop3A_286 {strides = array<i32>} : memref<128x128xf32, #tpu.memory_space<vmem>>, vector<1x16xf32>,
          %parallel_loop3A_287 = arith.constant 1 : i32
          %parallel_loop3A_288 = arith.addi %parallel_loop3A_158, %parallel_loop3A_287 : i32
          %parallel_loop3A_289 = arith.index_cast %parallel_loop3A_288 : i32 to index
          %parallel_loop3A_290 = arith.constant 0 : index
          %parallel_loop3A_291 = tpu.vector_load %arg9[%parallel_loop3A_289, %parallel_loop3A_290] {strides = array<i32>} : memref<128x128xf32, #tpu.memory_space<vmem>>, vector<1x16xf32>,
          %parallel_loop3A_292 = vector.shape_cast %parallel_loop3A_291 : vector<1x16xf32> to vector<16xf32>
          %parallel_loop3A_293 = arith.constant 1.000000e+01 : f32
          %parallel_loop3A_294 = vector.broadcast %parallel_loop3A_293 : f32 to vector<16xf32>
          %parallel_loop3A_295 = arith.mulf %parallel_loop3A_292, %parallel_loop3A_294 : vector<16xf32>
          %parallel_loop3A_296 = arith.constant 1 : i32
          %parallel_loop3A_297 = arith.addi %parallel_loop3A_158, %parallel_loop3A_296 : i32
          %parallel_loop3A_298 = arith.index_cast %parallel_loop3A_297 : i32 to index
          %parallel_loop3A_299 = arith.constant 0 : index
          %parallel_loop3A_300 = tpu.vector_load %arg9[%parallel_loop3A_298, %parallel_loop3A_299] {strides = array<i32>} : memref<128x128xf32, #tpu.memory_space<vmem>>, vector<1x16xf32>,
          %parallel_loop3A_301 = vector.shape_cast %parallel_loop3A_300 : vector<1x16xf32> to vector<16xf32>
          %parallel_loop3A_302 = vector.shape_cast %parallel_loop3A_295 : vector<16xf32> to vector<1x16xf32>
          tpu.vector_store %arg9[%parallel_loop3A_298, %parallel_loop3A_299], %parallel_loop3A_302 {strides = array<i32>} : memref<128x128xf32, #tpu.memory_space<vmem>>, vector<1x16xf32>,
          %parallel_loop3A_303 = arith.constant 1 : i32
          %parallel_loop3A_304 = arith.addi %parallel_loop3A_158, %parallel_loop3A_303 : i32
          %parallel_loop3A_305 = arith.index_cast %parallel_loop3A_304 : i32 to index
          %parallel_loop3A_306 = arith.constant 16 : index
          %parallel_loop3A_307 = tpu.vector_load %arg9[%parallel_loop3A_305, %parallel_loop3A_306] {strides = array<i32>} : memref<128x128xf32, #tpu.memory_space<vmem>>, vector<1x16xf32>,
          %parallel_loop3A_308 = vector.shape_cast %parallel_loop3A_307 : vector<1x16xf32> to vector<16xf32>
          %parallel_loop3A_309 = arith.constant 1.000000e+01 : f32
          %parallel_loop3A_310 = vector.broadcast %parallel_loop3A_309 : f32 to vector<16xf32>
          %parallel_loop3A_311 = arith.mulf %parallel_loop3A_308, %parallel_loop3A_310 : vector<16xf32>
          %parallel_loop3A_312 = arith.constant 1 : i32
          %parallel_loop3A_313 = arith.addi %parallel_loop3A_158, %parallel_loop3A_312 : i32
          %parallel_loop3A_314 = arith.index_cast %parallel_loop3A_313 : i32 to index
          %parallel_loop3A_315 = arith.constant 16 : index
          %parallel_loop3A_316 = tpu.vector_load %arg9[%parallel_loop3A_314, %parallel_loop3A_315] {strides = array<i32>} : memref<128x128xf32, #tpu.memory_space<vmem>>, vector<1x16xf32>,
          %parallel_loop3A_317 = vector.shape_cast %parallel_loop3A_316 : vector<1x16xf32> to vector<16xf32>
          %parallel_loop3A_318 = vector.shape_cast %parallel_loop3A_311 : vector<16xf32> to vector<1x16xf32>
          tpu.vector_store %arg9[%parallel_loop3A_314, %parallel_loop3A_315], %parallel_loop3A_318 {strides = array<i32>} : memref<128x128xf32, #tpu.memory_space<vmem>>, vector<1x16xf32>,
          %parallel_loop3A_319 = arith.constant 1 : i32
          %parallel_loop3A_320 = arith.addi %parallel_loop3A_158, %parallel_loop3A_319 : i32
          %parallel_loop3A_321 = arith.index_cast %parallel_loop3A_320 : i32 to index
          %parallel_loop3A_322 = arith.constant 32 : index
          %parallel_loop3A_323 = tpu.vector_load %arg9[%parallel_loop3A_321, %parallel_loop3A_322] {strides = array<i32>} : memref<128x128xf32, #tpu.memory_space<vmem>>, vector<1x16xf32>,
          %parallel_loop3A_324 = vector.shape_cast %parallel_loop3A_323 : vector<1x16xf32> to vector<16xf32>
          %parallel_loop3A_325 = arith.constant 1.000000e+01 : f32
          %parallel_loop3A_326 = vector.broadcast %parallel_loop3A_325 : f32 to vector<16xf32>
          %parallel_loop3A_327 = arith.mulf %parallel_loop3A_324, %parallel_loop3A_326 : vector<16xf32>
          %parallel_loop3A_328 = arith.constant 1 : i32
          %parallel_loop3A_329 = arith.addi %parallel_loop3A_158, %parallel_loop3A_328 : i32
          %parallel_loop3A_330 = arith.index_cast %parallel_loop3A_329 : i32 to index
          %parallel_loop3A_331 = arith.constant 32 : index
          %parallel_loop3A_332 = tpu.vector_load %arg9[%parallel_loop3A_330, %parallel_loop3A_331] {strides = array<i32>} : memref<128x128xf32, #tpu.memory_space<vmem>>, vector<1x16xf32>,
          %parallel_loop3A_333 = vector.shape_cast %parallel_loop3A_332 : vector<1x16xf32> to vector<16xf32>
          %parallel_loop3A_334 = vector.shape_cast %parallel_loop3A_327 : vector<16xf32> to vector<1x16xf32>
          tpu.vector_store %arg9[%parallel_loop3A_330, %parallel_loop3A_331], %parallel_loop3A_334 {strides = array<i32>} : memref<128x128xf32, #tpu.memory_space<vmem>>, vector<1x16xf32>,
          %parallel_loop3A_335 = arith.constant 1 : i32
          %parallel_loop3A_336 = arith.addi %parallel_loop3A_158, %parallel_loop3A_335 : i32
          %parallel_loop3A_337 = arith.index_cast %parallel_loop3A_336 : i32 to index
          %parallel_loop3A_338 = arith.constant 48 : index
          %parallel_loop3A_339 = tpu.vector_load %arg9[%parallel_loop3A_337, %parallel_loop3A_338] {strides = array<i32>} : memref<128x128xf32, #tpu.memory_space<vmem>>, vector<1x16xf32>,
          %parallel_loop3A_340 = vector.shape_cast %parallel_loop3A_339 : vector<1x16xf32> to vector<16xf32>
          %parallel_loop3A_341 = arith.constant 1.000000e+01 : f32
          %parallel_loop3A_342 = vector.broadcast %parallel_loop3A_341 : f32 to vector<16xf32>
          %parallel_loop3A_343 = arith.mulf %parallel_loop3A_340, %parallel_loop3A_342 : vector<16xf32>
          %parallel_loop3A_344 = arith.constant 1 : i32
          %parallel_loop3A_345 = arith.addi %parallel_loop3A_158, %parallel_loop3A_344 : i32
          %parallel_loop3A_346 = arith.index_cast %parallel_loop3A_345 : i32 to index
          %parallel_loop3A_347 = arith.constant 48 : index
          %parallel_loop3A_348 = tpu.vector_load %arg9[%parallel_loop3A_346, %parallel_loop3A_347] {strides = array<i32>} : memref<128x128xf32, #tpu.memory_space<vmem>>, vector<1x16xf32>,
          %parallel_loop3A_349 = vector.shape_cast %parallel_loop3A_348 : vector<1x16xf32> to vector<16xf32>
          %parallel_loop3A_350 = vector.shape_cast %parallel_loop3A_343 : vector<16xf32> to vector<1x16xf32>
          tpu.vector_store %arg9[%parallel_loop3A_346, %parallel_loop3A_347], %parallel_loop3A_350 {strides = array<i32>} : memref<128x128xf32, #tpu.memory_space<vmem>>, vector<1x16xf32>,
          %parallel_loop3A_351 = arith.constant 1 : i32
          %parallel_loop3A_352 = arith.addi %parallel_loop3A_158, %parallel_loop3A_351 : i32
          %parallel_loop3A_353 = arith.index_cast %parallel_loop3A_352 : i32 to index
          %parallel_loop3A_354 = arith.constant 64 : index
          %parallel_loop3A_355 = tpu.vector_load %arg9[%parallel_loop3A_353, %parallel_loop3A_354] {strides = array<i32>} : memref<128x128xf32, #tpu.memory_space<vmem>>, vector<1x16xf32>,
          %parallel_loop3A_356 = vector.shape_cast %parallel_loop3A_355 : vector<1x16xf32> to vector<16xf32>
          %parallel_loop3A_357 = arith.constant 1.000000e+01 : f32
          %parallel_loop3A_358 = vector.broadcast %parallel_loop3A_357 : f32 to vector<16xf32>
          %parallel_loop3A_359 = arith.mulf %parallel_loop3A_356, %parallel_loop3A_358 : vector<16xf32>
          %parallel_loop3A_360 = arith.constant 1 : i32
          %parallel_loop3A_361 = arith.addi %parallel_loop3A_158, %parallel_loop3A_360 : i32
          %parallel_loop3A_362 = arith.index_cast %parallel_loop3A_361 : i32 to index
          %parallel_loop3A_363 = arith.constant 64 : index
          %parallel_loop3A_364 = tpu.vector_load %arg9[%parallel_loop3A_362, %parallel_loop3A_363] {strides = array<i32>} : memref<128x128xf32, #tpu.memory_space<vmem>>, vector<1x16xf32>,
          %parallel_loop3A_365 = vector.shape_cast %parallel_loop3A_364 : vector<1x16xf32> to vector<16xf32>
          %parallel_loop3A_366 = vector.shape_cast %parallel_loop3A_359 : vector<16xf32> to vector<1x16xf32>
          tpu.vector_store %arg9[%parallel_loop3A_362, %parallel_loop3A_363], %parallel_loop3A_366 {strides = array<i32>} : memref<128x128xf32, #tpu.memory_space<vmem>>, vector<1x16xf32>,
          %parallel_loop3A_367 = arith.constant 1 : i32
          %parallel_loop3A_368 = arith.addi %parallel_loop3A_158, %parallel_loop3A_367 : i32
          %parallel_loop3A_369 = arith.index_cast %parallel_loop3A_368 : i32 to index
          %parallel_loop3A_370 = arith.constant 80 : index
          %parallel_loop3A_371 = tpu.vector_load %arg9[%parallel_loop3A_369, %parallel_loop3A_370] {strides = array<i32>} : memref<128x128xf32, #tpu.memory_space<vmem>>, vector<1x16xf32>,
          %parallel_loop3A_372 = vector.shape_cast %parallel_loop3A_371 : vector<1x16xf32> to vector<16xf32>
          %parallel_loop3A_373 = arith.constant 1.000000e+01 : f32
          %parallel_loop3A_374 = vector.broadcast %parallel_loop3A_373 : f32 to vector<16xf32>
          %parallel_loop3A_375 = arith.mulf %parallel_loop3A_372, %parallel_loop3A_374 : vector<16xf32>
          %parallel_loop3A_376 = arith.constant 1 : i32
          %parallel_loop3A_377 = arith.addi %parallel_loop3A_158, %parallel_loop3A_376 : i32
          %parallel_loop3A_378 = arith.index_cast %parallel_loop3A_377 : i32 to index
          %parallel_loop3A_379 = arith.constant 80 : index
          %parallel_loop3A_380 = tpu.vector_load %arg9[%parallel_loop3A_378, %parallel_loop3A_379] {strides = array<i32>} : memref<128x128xf32, #tpu.memory_space<vmem>>, vector<1x16xf32>,
          %parallel_loop3A_381 = vector.shape_cast %parallel_loop3A_380 : vector<1x16xf32> to vector<16xf32>
          %parallel_loop3A_382 = vector.shape_cast %parallel_loop3A_375 : vector<16xf32> to vector<1x16xf32>
          tpu.vector_store %arg9[%parallel_loop3A_378, %parallel_loop3A_379], %parallel_loop3A_382 {strides = array<i32>} : memref<128x128xf32, #tpu.memory_space<vmem>>, vector<1x16xf32>,
          %parallel_loop3A_383 = arith.constant 1 : i32
          %parallel_loop3A_384 = arith.addi %parallel_loop3A_158, %parallel_loop3A_383 : i32
          %parallel_loop3A_385 = arith.index_cast %parallel_loop3A_384 : i32 to index
          %parallel_loop3A_386 = arith.constant 96 : index
          %parallel_loop3A_387 = tpu.vector_load %arg9[%parallel_loop3A_385, %parallel_loop3A_386] {strides = array<i32>} : memref<128x128xf32, #tpu.memory_space<vmem>>, vector<1x16xf32>,
          %parallel_loop3A_388 = vector.shape_cast %parallel_loop3A_387 : vector<1x16xf32> to vector<16xf32>
          %parallel_loop3A_389 = arith.constant 1.000000e+01 : f32
          %parallel_loop3A_390 = vector.broadcast %parallel_loop3A_389 : f32 to vector<16xf32>
          %parallel_loop3A_391 = arith.mulf %parallel_loop3A_388, %parallel_loop3A_390 : vector<16xf32>
          %parallel_loop3A_392 = arith.constant 1 : i32
          %parallel_loop3A_393 = arith.addi %parallel_loop3A_158, %parallel_loop3A_392 : i32
          %parallel_loop3A_394 = arith.index_cast %parallel_loop3A_393 : i32 to index
          %parallel_loop3A_395 = arith.constant 96 : index
          %parallel_loop3A_396 = tpu.vector_load %arg9[%parallel_loop3A_394, %parallel_loop3A_395] {strides = array<i32>} : memref<128x128xf32, #tpu.memory_space<vmem>>, vector<1x16xf32>,
          %parallel_loop3A_397 = vector.shape_cast %parallel_loop3A_396 : vector<1x16xf32> to vector<16xf32>
          %parallel_loop3A_398 = vector.shape_cast %parallel_loop3A_391 : vector<16xf32> to vector<1x16xf32>
          tpu.vector_store %arg9[%parallel_loop3A_394, %parallel_loop3A_395], %parallel_loop3A_398 {strides = array<i32>} : memref<128x128xf32, #tpu.memory_space<vmem>>, vector<1x16xf32>,
          %parallel_loop3A_399 = arith.constant 1 : i32
          %parallel_loop3A_400 = arith.addi %parallel_loop3A_158, %parallel_loop3A_399 : i32
          %parallel_loop3A_401 = arith.index_cast %parallel_loop3A_400 : i32 to index
          %parallel_loop3A_402 = arith.constant 112 : index
          %parallel_loop3A_403 = tpu.vector_load %arg9[%parallel_loop3A_401, %parallel_loop3A_402] {strides = array<i32>} : memref<128x128xf32, #tpu.memory_space<vmem>>, vector<1x16xf32>,
          %parallel_loop3A_404 = vector.shape_cast %parallel_loop3A_403 : vector<1x16xf32> to vector<16xf32>
          %parallel_loop3A_405 = arith.constant 1.000000e+01 : f32
          %parallel_loop3A_406 = vector.broadcast %parallel_loop3A_405 : f32 to vector<16xf32>
          %parallel_loop3A_407 = arith.mulf %parallel_loop3A_404, %parallel_loop3A_406 : vector<16xf32>
          %parallel_loop3A_408 = arith.constant 1 : i32
          %parallel_loop3A_409 = arith.addi %parallel_loop3A_158, %parallel_loop3A_408 : i32
          %parallel_loop3A_410 = arith.index_cast %parallel_loop3A_409 : i32 to index
          %parallel_loop3A_411 = arith.constant 112 : index
          %parallel_loop3A_412 = tpu.vector_load %arg9[%parallel_loop3A_410, %parallel_loop3A_411] {strides = array<i32>} : memref<128x128xf32, #tpu.memory_space<vmem>>, vector<1x16xf32>,
          %parallel_loop3A_413 = vector.shape_cast %parallel_loop3A_412 : vector<1x16xf32> to vector<16xf32>
          %parallel_loop3A_414 = vector.shape_cast %parallel_loop3A_407 : vector<16xf32> to vector<1x16xf32>
          tpu.vector_store %arg9[%parallel_loop3A_410, %parallel_loop3A_411], %parallel_loop3A_414 {strides = array<i32>} : memref<128x128xf32, #tpu.memory_space<vmem>>, vector<1x16xf32>,
        } {sc.loop_unroll_factor = 2 : i64, sc.parallel_access}
        %mul3A_144 = arith.constant 4096 : i32
        %mul3A_145 = arith.muli %add3A_112, %mul3A_144 : i32
        %add3A_146 = arith.addi %mul3A_145, %mul3A_2 : i32
        %dma_start3A_147 = arith.constant 0 : i32
        %dma_start3A_148 = tpu.memref_slice %arg4[%add3A_146, %dma_start3A_147] : memref<106496x128xf32, #tpu.memory_space<hbm>> -> memref<128x128xf32, #tpu.memory_space<hbm>>
        %dma_start3A_149 = arith.constant 0 : i32
        %dma_start3A_150 = tpu.memref_slice %arg4[%add3A_146, %dma_start3A_149] : memref<106496x128xf32, #tpu.memory_space<hbm>> -> memref<128x128xf32, #tpu.memory_space<hbm>>
        tpu.enqueue_dma source(%arg9 : memref<128x128xf32, #tpu.memory_space<vmem>>) target(%dma_start3A_150 : memref<128x128xf32, #tpu.memory_space<hbm>>) target_semaphore(%arg21 : memref<!tpu.dma_semaphore, #tpu.memory_space<semaphore_mem>>)
        %add3A_151 = arith.constant 6 : i32
        %add3A_152 = arith.addi %add3A_112, %add3A_151 : i32
        %lt3A_153 = arith.constant 26 : i32
        %lt3A_154 = arith.cmpi slt, %add3A_152, %lt3A_153 : i32
        %convert_element_type3A_155 = arith.extui %lt3A_154 : i1 to i32
        %cond3A_156 = arith.constant 0 : i32
        %cond3A_157 = arith.cmpi ne, %convert_element_type3A_155, %cond3A_156 : i32
        scf.if %cond3A_157 {
          %mul3A_158 = arith.constant 4096 : i32
          %mul3A_159 = arith.muli %add3A_112, %mul3A_158 : i32
          %add3A_160 = arith.addi %mul3A_159, %mul3A_2 : i32
          %dma_wait3A_161 = arith.constant 0 : i32
          %dma_wait3A_162 = tpu.memref_slice %arg4[%add3A_160, %dma_wait3A_161] : memref<106496x128xf32, #tpu.memory_space<hbm>> -> memref<128x128xf32, #tpu.memory_space<hbm>>
          %dma_wait3A_163 = arith.constant 0 : i32
          %dma_wait3A_164 = tpu.memref_slice %arg4[%add3A_160, %dma_wait3A_163] : memref<106496x128xf32, #tpu.memory_space<hbm>> -> memref<128x128xf32, #tpu.memory_space<hbm>>
          tpu.wait_dma2 semaphore(%arg21 : memref<!tpu.dma_semaphore, #tpu.memory_space<semaphore_mem>>) src(%arg9 : memref<128x128xf32, #tpu.memory_space<vmem>>) dst(%dma_wait3A_164 : memref<128x128xf32, #tpu.memory_space<hbm>>)
          %add3A_165 = arith.constant 6 : i32
          %add3A_166 = arith.addi %add3A_112, %add3A_165 : i32
          %dma_start3A_167 = arith.constant 0 : i32
          %dma_start3A_168 = tpu.memref_slice %arg5[%add3A_166, %dma_start3A_167] : memref<26x128xi32, #tpu.memory_space<vmem>> -> memref<1x128xi32, #tpu.memory_space<vmem>>
          %dma_start3A_169 = tpu.memref_squeeze %dma_start3A_168 : memref<1x128xi32, #tpu.memory_space<vmem>> -> memref<128xi32, #tpu.memory_space<vmem>>
          %dma_start3A_170 = arith.constant 0 : i32
          %dma_start3A_171 = arith.constant 0 : i32
          %dma_start3A_172 = tpu.memref_slice %arg3[%dma_start3A_170, %dma_start3A_171] : memref<100000x128xf32, #tpu.memory_space<hbm>> -> memref<100000x128xf32, #tpu.memory_space<hbm>>
          tpu.enqueue_indirect_dma source(%dma_start3A_172 : memref<100000x128xf32, #tpu.memory_space<hbm>>) target(%arg9 : memref<128x128xf32, #tpu.memory_space<vmem>>) offsets(%dma_start3A_169 : memref<128xi32, #tpu.memory_space<vmem>>) semaphore(%arg15 : memref<!tpu.dma_semaphore, #tpu.memory_space<semaphore_mem>>)
        } else {
        }
      } else {
      }
      %mul3A_118 = arith.constant 6 : i32
      %mul3A_119 = arith.muli %mul3A_118, %scan3A_84 : i32
      %add3A_120 = arith.constant 4 : i32
      %add3A_121 = arith.addi %mul3A_119, %add3A_120 : i32
      %lt3A_122 = arith.constant 26 : i32
      %lt3A_123 = arith.cmpi slt, %add3A_121, %lt3A_122 : i32
      %convert_element_type3A_124 = arith.extui %lt3A_123 : i1 to i32
      %cond3A_125 = arith.constant 0 : i32
      %cond3A_126 = arith.cmpi ne, %convert_element_type3A_124, %cond3A_125 : i32
      scf.if %cond3A_126 {
        %dma_wait3A_136 = arith.constant 0 : i32
        %dma_wait3A_137 = tpu.memref_slice %arg5[%add3A_121, %dma_wait3A_136] : memref<26x128xi32, #tpu.memory_space<vmem>> -> memref<1x128xi32, #tpu.memory_space<vmem>>
        %dma_wait3A_138 = tpu.memref_squeeze %dma_wait3A_137 : memref<1x128xi32, #tpu.memory_space<vmem>> -> memref<128xi32, #tpu.memory_space<vmem>>
        %dma_wait3A_139 = arith.constant 0 : i32
        %dma_wait3A_140 = arith.constant 0 : i32
        %dma_wait3A_141 = tpu.memref_slice %arg3[%dma_wait3A_139, %dma_wait3A_140] : memref<100000x128xf32, #tpu.memory_space<hbm>> -> memref<100000x128xf32, #tpu.memory_space<hbm>>
        tpu.wait_indirect_dma semaphore(%arg16 : memref<!tpu.dma_semaphore, #tpu.memory_space<semaphore_mem>>) src(%dma_wait3A_141 : memref<100000x128xf32, #tpu.memory_space<hbm>>) dst(%arg10 : memref<128x128xf32, #tpu.memory_space<vmem>>)
        %parallel_loop3A = arith.constant 0 : i32
        %parallel_loop3A_142 = arith.constant 128 : i32
        %parallel_loop3A_143 = arith.constant 2 : i32
        scf.for %parallel_loop3A_158 = %parallel_loop3A to %parallel_loop3A_142 step %parallel_loop3A_143  : i32 {
          %parallel_loop3A_159 = arith.constant 0 : i32
          %parallel_loop3A_160 = arith.addi %parallel_loop3A_158, %parallel_loop3A_159 : i32
          %parallel_loop3A_161 = arith.index_cast %parallel_loop3A_160 : i32 to index
          %parallel_loop3A_162 = arith.constant 0 : index
          %parallel_loop3A_163 = tpu.vector_load %arg10[%parallel_loop3A_161, %parallel_loop3A_162] {strides = array<i32>} : memref<128x128xf32, #tpu.memory_space<vmem>>, vector<1x16xf32>,
          %parallel_loop3A_164 = vector.shape_cast %parallel_loop3A_163 : vector<1x16xf32> to vector<16xf32>
          %parallel_loop3A_165 = arith.constant 1.000000e+01 : f32
          %parallel_loop3A_166 = vector.broadcast %parallel_loop3A_165 : f32 to vector<16xf32>
          %parallel_loop3A_167 = arith.mulf %parallel_loop3A_164, %parallel_loop3A_166 : vector<16xf32>
          %parallel_loop3A_168 = arith.constant 0 : i32
          %parallel_loop3A_169 = arith.addi %parallel_loop3A_158, %parallel_loop3A_168 : i32
          %parallel_loop3A_170 = arith.index_cast %parallel_loop3A_169 : i32 to index
          %parallel_loop3A_171 = arith.constant 0 : index
          %parallel_loop3A_172 = tpu.vector_load %arg10[%parallel_loop3A_170, %parallel_loop3A_171] {strides = array<i32>} : memref<128x128xf32, #tpu.memory_space<vmem>>, vector<1x16xf32>,
          %parallel_loop3A_173 = vector.shape_cast %parallel_loop3A_172 : vector<1x16xf32> to vector<16xf32>
          %parallel_loop3A_174 = vector.shape_cast %parallel_loop3A_167 : vector<16xf32> to vector<1x16xf32>
          tpu.vector_store %arg10[%parallel_loop3A_170, %parallel_loop3A_171], %parallel_loop3A_174 {strides = array<i32>} : memref<128x128xf32, #tpu.memory_space<vmem>>, vector<1x16xf32>,
          %parallel_loop3A_175 = arith.constant 0 : i32
          %parallel_loop3A_176 = arith.addi %parallel_loop3A_158, %parallel_loop3A_175 : i32
          %parallel_loop3A_177 = arith.index_cast %parallel_loop3A_176 : i32 to index
          %parallel_loop3A_178 = arith.constant 16 : index
          %parallel_loop3A_179 = tpu.vector_load %arg10[%parallel_loop3A_177, %parallel_loop3A_178] {strides = array<i32>} : memref<128x128xf32, #tpu.memory_space<vmem>>, vector<1x16xf32>,
          %parallel_loop3A_180 = vector.shape_cast %parallel_loop3A_179 : vector<1x16xf32> to vector<16xf32>
          %parallel_loop3A_181 = arith.constant 1.000000e+01 : f32
          %parallel_loop3A_182 = vector.broadcast %parallel_loop3A_181 : f32 to vector<16xf32>
          %parallel_loop3A_183 = arith.mulf %parallel_loop3A_180, %parallel_loop3A_182 : vector<16xf32>
          %parallel_loop3A_184 = arith.constant 0 : i32
          %parallel_loop3A_185 = arith.addi %parallel_loop3A_158, %parallel_loop3A_184 : i32
          %parallel_loop3A_186 = arith.index_cast %parallel_loop3A_185 : i32 to index
          %parallel_loop3A_187 = arith.constant 16 : index
          %parallel_loop3A_188 = tpu.vector_load %arg10[%parallel_loop3A_186, %parallel_loop3A_187] {strides = array<i32>} : memref<128x128xf32, #tpu.memory_space<vmem>>, vector<1x16xf32>,
          %parallel_loop3A_189 = vector.shape_cast %parallel_loop3A_188 : vector<1x16xf32> to vector<16xf32>
          %parallel_loop3A_190 = vector.shape_cast %parallel_loop3A_183 : vector<16xf32> to vector<1x16xf32>
          tpu.vector_store %arg10[%parallel_loop3A_186, %parallel_loop3A_187], %parallel_loop3A_190 {strides = array<i32>} : memref<128x128xf32, #tpu.memory_space<vmem>>, vector<1x16xf32>,
          %parallel_loop3A_191 = arith.constant 0 : i32
          %parallel_loop3A_192 = arith.addi %parallel_loop3A_158, %parallel_loop3A_191 : i32
          %parallel_loop3A_193 = arith.index_cast %parallel_loop3A_192 : i32 to index
          %parallel_loop3A_194 = arith.constant 32 : index
          %parallel_loop3A_195 = tpu.vector_load %arg10[%parallel_loop3A_193, %parallel_loop3A_194] {strides = array<i32>} : memref<128x128xf32, #tpu.memory_space<vmem>>, vector<1x16xf32>,
          %parallel_loop3A_196 = vector.shape_cast %parallel_loop3A_195 : vector<1x16xf32> to vector<16xf32>
          %parallel_loop3A_197 = arith.constant 1.000000e+01 : f32
          %parallel_loop3A_198 = vector.broadcast %parallel_loop3A_197 : f32 to vector<16xf32>
          %parallel_loop3A_199 = arith.mulf %parallel_loop3A_196, %parallel_loop3A_198 : vector<16xf32>
          %parallel_loop3A_200 = arith.constant 0 : i32
          %parallel_loop3A_201 = arith.addi %parallel_loop3A_158, %parallel_loop3A_200 : i32
          %parallel_loop3A_202 = arith.index_cast %parallel_loop3A_201 : i32 to index
          %parallel_loop3A_203 = arith.constant 32 : index
          %parallel_loop3A_204 = tpu.vector_load %arg10[%parallel_loop3A_202, %parallel_loop3A_203] {strides = array<i32>} : memref<128x128xf32, #tpu.memory_space<vmem>>, vector<1x16xf32>,
          %parallel_loop3A_205 = vector.shape_cast %parallel_loop3A_204 : vector<1x16xf32> to vector<16xf32>
          %parallel_loop3A_206 = vector.shape_cast %parallel_loop3A_199 : vector<16xf32> to vector<1x16xf32>
          tpu.vector_store %arg10[%parallel_loop3A_202, %parallel_loop3A_203], %parallel_loop3A_206 {strides = array<i32>} : memref<128x128xf32, #tpu.memory_space<vmem>>, vector<1x16xf32>,
          %parallel_loop3A_207 = arith.constant 0 : i32
          %parallel_loop3A_208 = arith.addi %parallel_loop3A_158, %parallel_loop3A_207 : i32
          %parallel_loop3A_209 = arith.index_cast %parallel_loop3A_208 : i32 to index
          %parallel_loop3A_210 = arith.constant 48 : index
          %parallel_loop3A_211 = tpu.vector_load %arg10[%parallel_loop3A_209, %parallel_loop3A_210] {strides = array<i32>} : memref<128x128xf32, #tpu.memory_space<vmem>>, vector<1x16xf32>,
          %parallel_loop3A_212 = vector.shape_cast %parallel_loop3A_211 : vector<1x16xf32> to vector<16xf32>
          %parallel_loop3A_213 = arith.constant 1.000000e+01 : f32
          %parallel_loop3A_214 = vector.broadcast %parallel_loop3A_213 : f32 to vector<16xf32>
          %parallel_loop3A_215 = arith.mulf %parallel_loop3A_212, %parallel_loop3A_214 : vector<16xf32>
          %parallel_loop3A_216 = arith.constant 0 : i32
          %parallel_loop3A_217 = arith.addi %parallel_loop3A_158, %parallel_loop3A_216 : i32
          %parallel_loop3A_218 = arith.index_cast %parallel_loop3A_217 : i32 to index
          %parallel_loop3A_219 = arith.constant 48 : index
          %parallel_loop3A_220 = tpu.vector_load %arg10[%parallel_loop3A_218, %parallel_loop3A_219] {strides = array<i32>} : memref<128x128xf32, #tpu.memory_space<vmem>>, vector<1x16xf32>,
          %parallel_loop3A_221 = vector.shape_cast %parallel_loop3A_220 : vector<1x16xf32> to vector<16xf32>
          %parallel_loop3A_222 = vector.shape_cast %parallel_loop3A_215 : vector<16xf32> to vector<1x16xf32>
          tpu.vector_store %arg10[%parallel_loop3A_218, %parallel_loop3A_219], %parallel_loop3A_222 {strides = array<i32>} : memref<128x128xf32, #tpu.memory_space<vmem>>, vector<1x16xf32>,
          %parallel_loop3A_223 = arith.constant 0 : i32
          %parallel_loop3A_224 = arith.addi %parallel_loop3A_158, %parallel_loop3A_223 : i32
          %parallel_loop3A_225 = arith.index_cast %parallel_loop3A_224 : i32 to index
          %parallel_loop3A_226 = arith.constant 64 : index
          %parallel_loop3A_227 = tpu.vector_load %arg10[%parallel_loop3A_225, %parallel_loop3A_226] {strides = array<i32>} : memref<128x128xf32, #tpu.memory_space<vmem>>, vector<1x16xf32>,
          %parallel_loop3A_228 = vector.shape_cast %parallel_loop3A_227 : vector<1x16xf32> to vector<16xf32>
          %parallel_loop3A_229 = arith.constant 1.000000e+01 : f32
          %parallel_loop3A_230 = vector.broadcast %parallel_loop3A_229 : f32 to vector<16xf32>
          %parallel_loop3A_231 = arith.mulf %parallel_loop3A_228, %parallel_loop3A_230 : vector<16xf32>
          %parallel_loop3A_232 = arith.constant 0 : i32
          %parallel_loop3A_233 = arith.addi %parallel_loop3A_158, %parallel_loop3A_232 : i32
          %parallel_loop3A_234 = arith.index_cast %parallel_loop3A_233 : i32 to index
          %parallel_loop3A_235 = arith.constant 64 : index
          %parallel_loop3A_236 = tpu.vector_load %arg10[%parallel_loop3A_234, %parallel_loop3A_235] {strides = array<i32>} : memref<128x128xf32, #tpu.memory_space<vmem>>, vector<1x16xf32>,
          %parallel_loop3A_237 = vector.shape_cast %parallel_loop3A_236 : vector<1x16xf32> to vector<16xf32>
          %parallel_loop3A_238 = vector.shape_cast %parallel_loop3A_231 : vector<16xf32> to vector<1x16xf32>
          tpu.vector_store %arg10[%parallel_loop3A_234, %parallel_loop3A_235], %parallel_loop3A_238 {strides = array<i32>} : memref<128x128xf32, #tpu.memory_space<vmem>>, vector<1x16xf32>,
          %parallel_loop3A_239 = arith.constant 0 : i32
          %parallel_loop3A_240 = arith.addi %parallel_loop3A_158, %parallel_loop3A_239 : i32
          %parallel_loop3A_241 = arith.index_cast %parallel_loop3A_240 : i32 to index
          %parallel_loop3A_242 = arith.constant 80 : index
          %parallel_loop3A_243 = tpu.vector_load %arg10[%parallel_loop3A_241, %parallel_loop3A_242] {strides = array<i32>} : memref<128x128xf32, #tpu.memory_space<vmem>>, vector<1x16xf32>,
          %parallel_loop3A_244 = vector.shape_cast %parallel_loop3A_243 : vector<1x16xf32> to vector<16xf32>
          %parallel_loop3A_245 = arith.constant 1.000000e+01 : f32
          %parallel_loop3A_246 = vector.broadcast %parallel_loop3A_245 : f32 to vector<16xf32>
          %parallel_loop3A_247 = arith.mulf %parallel_loop3A_244, %parallel_loop3A_246 : vector<16xf32>
          %parallel_loop3A_248 = arith.constant 0 : i32
          %parallel_loop3A_249 = arith.addi %parallel_loop3A_158, %parallel_loop3A_248 : i32
          %parallel_loop3A_250 = arith.index_cast %parallel_loop3A_249 : i32 to index
          %parallel_loop3A_251 = arith.constant 80 : index
          %parallel_loop3A_252 = tpu.vector_load %arg10[%parallel_loop3A_250, %parallel_loop3A_251] {strides = array<i32>} : memref<128x128xf32, #tpu.memory_space<vmem>>, vector<1x16xf32>,
          %parallel_loop3A_253 = vector.shape_cast %parallel_loop3A_252 : vector<1x16xf32> to vector<16xf32>
          %parallel_loop3A_254 = vector.shape_cast %parallel_loop3A_247 : vector<16xf32> to vector<1x16xf32>
          tpu.vector_store %arg10[%parallel_loop3A_250, %parallel_loop3A_251], %parallel_loop3A_254 {strides = array<i32>} : memref<128x128xf32, #tpu.memory_space<vmem>>, vector<1x16xf32>,
          %parallel_loop3A_255 = arith.constant 0 : i32
          %parallel_loop3A_256 = arith.addi %parallel_loop3A_158, %parallel_loop3A_255 : i32
          %parallel_loop3A_257 = arith.index_cast %parallel_loop3A_256 : i32 to index
          %parallel_loop3A_258 = arith.constant 96 : index
          %parallel_loop3A_259 = tpu.vector_load %arg10[%parallel_loop3A_257, %parallel_loop3A_258] {strides = array<i32>} : memref<128x128xf32, #tpu.memory_space<vmem>>, vector<1x16xf32>,
          %parallel_loop3A_260 = vector.shape_cast %parallel_loop3A_259 : vector<1x16xf32> to vector<16xf32>
          %parallel_loop3A_261 = arith.constant 1.000000e+01 : f32
          %parallel_loop3A_262 = vector.broadcast %parallel_loop3A_261 : f32 to vector<16xf32>
          %parallel_loop3A_263 = arith.mulf %parallel_loop3A_260, %parallel_loop3A_262 : vector<16xf32>
          %parallel_loop3A_264 = arith.constant 0 : i32
          %parallel_loop3A_265 = arith.addi %parallel_loop3A_158, %parallel_loop3A_264 : i32
          %parallel_loop3A_266 = arith.index_cast %parallel_loop3A_265 : i32 to index
          %parallel_loop3A_267 = arith.constant 96 : index
          %parallel_loop3A_268 = tpu.vector_load %arg10[%parallel_loop3A_266, %parallel_loop3A_267] {strides = array<i32>} : memref<128x128xf32, #tpu.memory_space<vmem>>, vector<1x16xf32>,
          %parallel_loop3A_269 = vector.shape_cast %parallel_loop3A_268 : vector<1x16xf32> to vector<16xf32>
          %parallel_loop3A_270 = vector.shape_cast %parallel_loop3A_263 : vector<16xf32> to vector<1x16xf32>
          tpu.vector_store %arg10[%parallel_loop3A_266, %parallel_loop3A_267], %parallel_loop3A_270 {strides = array<i32>} : memref<128x128xf32, #tpu.memory_space<vmem>>, vector<1x16xf32>,
          %parallel_loop3A_271 = arith.constant 0 : i32
          %parallel_loop3A_272 = arith.addi %parallel_loop3A_158, %parallel_loop3A_271 : i32
          %parallel_loop3A_273 = arith.index_cast %parallel_loop3A_272 : i32 to index
          %parallel_loop3A_274 = arith.constant 112 : index
          %parallel_loop3A_275 = tpu.vector_load %arg10[%parallel_loop3A_273, %parallel_loop3A_274] {strides = array<i32>} : memref<128x128xf32, #tpu.memory_space<vmem>>, vector<1x16xf32>,
          %parallel_loop3A_276 = vector.shape_cast %parallel_loop3A_275 : vector<1x16xf32> to vector<16xf32>
          %parallel_loop3A_277 = arith.constant 1.000000e+01 : f32
          %parallel_loop3A_278 = vector.broadcast %parallel_loop3A_277 : f32 to vector<16xf32>
          %parallel_loop3A_279 = arith.mulf %parallel_loop3A_276, %parallel_loop3A_278 : vector<16xf32>
          %parallel_loop3A_280 = arith.constant 0 : i32
          %parallel_loop3A_281 = arith.addi %parallel_loop3A_158, %parallel_loop3A_280 : i32
          %parallel_loop3A_282 = arith.index_cast %parallel_loop3A_281 : i32 to index
          %parallel_loop3A_283 = arith.constant 112 : index
          %parallel_loop3A_284 = tpu.vector_load %arg10[%parallel_loop3A_282, %parallel_loop3A_283] {strides = array<i32>} : memref<128x128xf32, #tpu.memory_space<vmem>>, vector<1x16xf32>,
          %parallel_loop3A_285 = vector.shape_cast %parallel_loop3A_284 : vector<1x16xf32> to vector<16xf32>
          %parallel_loop3A_286 = vector.shape_cast %parallel_loop3A_279 : vector<16xf32> to vector<1x16xf32>
          tpu.vector_store %arg10[%parallel_loop3A_282, %parallel_loop3A_283], %parallel_loop3A_286 {strides = array<i32>} : memref<128x128xf32, #tpu.memory_space<vmem>>, vector<1x16xf32>,
          %parallel_loop3A_287 = arith.constant 1 : i32
          %parallel_loop3A_288 = arith.addi %parallel_loop3A_158, %parallel_loop3A_287 : i32
          %parallel_loop3A_289 = arith.index_cast %parallel_loop3A_288 : i32 to index
          %parallel_loop3A_290 = arith.constant 0 : index
          %parallel_loop3A_291 = tpu.vector_load %arg10[%parallel_loop3A_289, %parallel_loop3A_290] {strides = array<i32>} : memref<128x128xf32, #tpu.memory_space<vmem>>, vector<1x16xf32>,
          %parallel_loop3A_292 = vector.shape_cast %parallel_loop3A_291 : vector<1x16xf32> to vector<16xf32>
          %parallel_loop3A_293 = arith.constant 1.000000e+01 : f32
          %parallel_loop3A_294 = vector.broadcast %parallel_loop3A_293 : f32 to vector<16xf32>
          %parallel_loop3A_295 = arith.mulf %parallel_loop3A_292, %parallel_loop3A_294 : vector<16xf32>
          %parallel_loop3A_296 = arith.constant 1 : i32
          %parallel_loop3A_297 = arith.addi %parallel_loop3A_158, %parallel_loop3A_296 : i32
          %parallel_loop3A_298 = arith.index_cast %parallel_loop3A_297 : i32 to index
          %parallel_loop3A_299 = arith.constant 0 : index
          %parallel_loop3A_300 = tpu.vector_load %arg10[%parallel_loop3A_298, %parallel_loop3A_299] {strides = array<i32>} : memref<128x128xf32, #tpu.memory_space<vmem>>, vector<1x16xf32>,
          %parallel_loop3A_301 = vector.shape_cast %parallel_loop3A_300 : vector<1x16xf32> to vector<16xf32>
          %parallel_loop3A_302 = vector.shape_cast %parallel_loop3A_295 : vector<16xf32> to vector<1x16xf32>
          tpu.vector_store %arg10[%parallel_loop3A_298, %parallel_loop3A_299], %parallel_loop3A_302 {strides = array<i32>} : memref<128x128xf32, #tpu.memory_space<vmem>>, vector<1x16xf32>,
          %parallel_loop3A_303 = arith.constant 1 : i32
          %parallel_loop3A_304 = arith.addi %parallel_loop3A_158, %parallel_loop3A_303 : i32
          %parallel_loop3A_305 = arith.index_cast %parallel_loop3A_304 : i32 to index
          %parallel_loop3A_306 = arith.constant 16 : index
          %parallel_loop3A_307 = tpu.vector_load %arg10[%parallel_loop3A_305, %parallel_loop3A_306] {strides = array<i32>} : memref<128x128xf32, #tpu.memory_space<vmem>>, vector<1x16xf32>,
          %parallel_loop3A_308 = vector.shape_cast %parallel_loop3A_307 : vector<1x16xf32> to vector<16xf32>
          %parallel_loop3A_309 = arith.constant 1.000000e+01 : f32
          %parallel_loop3A_310 = vector.broadcast %parallel_loop3A_309 : f32 to vector<16xf32>
          %parallel_loop3A_311 = arith.mulf %parallel_loop3A_308, %parallel_loop3A_310 : vector<16xf32>
          %parallel_loop3A_312 = arith.constant 1 : i32
          %parallel_loop3A_313 = arith.addi %parallel_loop3A_158, %parallel_loop3A_312 : i32
          %parallel_loop3A_314 = arith.index_cast %parallel_loop3A_313 : i32 to index
          %parallel_loop3A_315 = arith.constant 16 : index
          %parallel_loop3A_316 = tpu.vector_load %arg10[%parallel_loop3A_314, %parallel_loop3A_315] {strides = array<i32>} : memref<128x128xf32, #tpu.memory_space<vmem>>, vector<1x16xf32>,
          %parallel_loop3A_317 = vector.shape_cast %parallel_loop3A_316 : vector<1x16xf32> to vector<16xf32>
          %parallel_loop3A_318 = vector.shape_cast %parallel_loop3A_311 : vector<16xf32> to vector<1x16xf32>
          tpu.vector_store %arg10[%parallel_loop3A_314, %parallel_loop3A_315], %parallel_loop3A_318 {strides = array<i32>} : memref<128x128xf32, #tpu.memory_space<vmem>>, vector<1x16xf32>,
          %parallel_loop3A_319 = arith.constant 1 : i32
          %parallel_loop3A_320 = arith.addi %parallel_loop3A_158, %parallel_loop3A_319 : i32
          %parallel_loop3A_321 = arith.index_cast %parallel_loop3A_320 : i32 to index
          %parallel_loop3A_322 = arith.constant 32 : index
          %parallel_loop3A_323 = tpu.vector_load %arg10[%parallel_loop3A_321, %parallel_loop3A_322] {strides = array<i32>} : memref<128x128xf32, #tpu.memory_space<vmem>>, vector<1x16xf32>,
          %parallel_loop3A_324 = vector.shape_cast %parallel_loop3A_323 : vector<1x16xf32> to vector<16xf32>
          %parallel_loop3A_325 = arith.constant 1.000000e+01 : f32
          %parallel_loop3A_326 = vector.broadcast %parallel_loop3A_325 : f32 to vector<16xf32>
          %parallel_loop3A_327 = arith.mulf %parallel_loop3A_324, %parallel_loop3A_326 : vector<16xf32>
          %parallel_loop3A_328 = arith.constant 1 : i32
          %parallel_loop3A_329 = arith.addi %parallel_loop3A_158, %parallel_loop3A_328 : i32
          %parallel_loop3A_330 = arith.index_cast %parallel_loop3A_329 : i32 to index
          %parallel_loop3A_331 = arith.constant 32 : index
          %parallel_loop3A_332 = tpu.vector_load %arg10[%parallel_loop3A_330, %parallel_loop3A_331] {strides = array<i32>} : memref<128x128xf32, #tpu.memory_space<vmem>>, vector<1x16xf32>,
          %parallel_loop3A_333 = vector.shape_cast %parallel_loop3A_332 : vector<1x16xf32> to vector<16xf32>
          %parallel_loop3A_334 = vector.shape_cast %parallel_loop3A_327 : vector<16xf32> to vector<1x16xf32>
          tpu.vector_store %arg10[%parallel_loop3A_330, %parallel_loop3A_331], %parallel_loop3A_334 {strides = array<i32>} : memref<128x128xf32, #tpu.memory_space<vmem>>, vector<1x16xf32>,
          %parallel_loop3A_335 = arith.constant 1 : i32
          %parallel_loop3A_336 = arith.addi %parallel_loop3A_158, %parallel_loop3A_335 : i32
          %parallel_loop3A_337 = arith.index_cast %parallel_loop3A_336 : i32 to index
          %parallel_loop3A_338 = arith.constant 48 : index
          %parallel_loop3A_339 = tpu.vector_load %arg10[%parallel_loop3A_337, %parallel_loop3A_338] {strides = array<i32>} : memref<128x128xf32, #tpu.memory_space<vmem>>, vector<1x16xf32>,
          %parallel_loop3A_340 = vector.shape_cast %parallel_loop3A_339 : vector<1x16xf32> to vector<16xf32>
          %parallel_loop3A_341 = arith.constant 1.000000e+01 : f32
          %parallel_loop3A_342 = vector.broadcast %parallel_loop3A_341 : f32 to vector<16xf32>
          %parallel_loop3A_343 = arith.mulf %parallel_loop3A_340, %parallel_loop3A_342 : vector<16xf32>
          %parallel_loop3A_344 = arith.constant 1 : i32
          %parallel_loop3A_345 = arith.addi %parallel_loop3A_158, %parallel_loop3A_344 : i32
          %parallel_loop3A_346 = arith.index_cast %parallel_loop3A_345 : i32 to index
          %parallel_loop3A_347 = arith.constant 48 : index
          %parallel_loop3A_348 = tpu.vector_load %arg10[%parallel_loop3A_346, %parallel_loop3A_347] {strides = array<i32>} : memref<128x128xf32, #tpu.memory_space<vmem>>, vector<1x16xf32>,
          %parallel_loop3A_349 = vector.shape_cast %parallel_loop3A_348 : vector<1x16xf32> to vector<16xf32>
          %parallel_loop3A_350 = vector.shape_cast %parallel_loop3A_343 : vector<16xf32> to vector<1x16xf32>
          tpu.vector_store %arg10[%parallel_loop3A_346, %parallel_loop3A_347], %parallel_loop3A_350 {strides = array<i32>} : memref<128x128xf32, #tpu.memory_space<vmem>>, vector<1x16xf32>,
          %parallel_loop3A_351 = arith.constant 1 : i32
          %parallel_loop3A_352 = arith.addi %parallel_loop3A_158, %parallel_loop3A_351 : i32
          %parallel_loop3A_353 = arith.index_cast %parallel_loop3A_352 : i32 to index
          %parallel_loop3A_354 = arith.constant 64 : index
          %parallel_loop3A_355 = tpu.vector_load %arg10[%parallel_loop3A_353, %parallel_loop3A_354] {strides = array<i32>} : memref<128x128xf32, #tpu.memory_space<vmem>>, vector<1x16xf32>,
          %parallel_loop3A_356 = vector.shape_cast %parallel_loop3A_355 : vector<1x16xf32> to vector<16xf32>
          %parallel_loop3A_357 = arith.constant 1.000000e+01 : f32
          %parallel_loop3A_358 = vector.broadcast %parallel_loop3A_357 : f32 to vector<16xf32>
          %parallel_loop3A_359 = arith.mulf %parallel_loop3A_356, %parallel_loop3A_358 : vector<16xf32>
          %parallel_loop3A_360 = arith.constant 1 : i32
          %parallel_loop3A_361 = arith.addi %parallel_loop3A_158, %parallel_loop3A_360 : i32
          %parallel_loop3A_362 = arith.index_cast %parallel_loop3A_361 : i32 to index
          %parallel_loop3A_363 = arith.constant 64 : index
          %parallel_loop3A_364 = tpu.vector_load %arg10[%parallel_loop3A_362, %parallel_loop3A_363] {strides = array<i32>} : memref<128x128xf32, #tpu.memory_space<vmem>>, vector<1x16xf32>,
          %parallel_loop3A_365 = vector.shape_cast %parallel_loop3A_364 : vector<1x16xf32> to vector<16xf32>
          %parallel_loop3A_366 = vector.shape_cast %parallel_loop3A_359 : vector<16xf32> to vector<1x16xf32>
          tpu.vector_store %arg10[%parallel_loop3A_362, %parallel_loop3A_363], %parallel_loop3A_366 {strides = array<i32>} : memref<128x128xf32, #tpu.memory_space<vmem>>, vector<1x16xf32>,
          %parallel_loop3A_367 = arith.constant 1 : i32
          %parallel_loop3A_368 = arith.addi %parallel_loop3A_158, %parallel_loop3A_367 : i32
          %parallel_loop3A_369 = arith.index_cast %parallel_loop3A_368 : i32 to index
          %parallel_loop3A_370 = arith.constant 80 : index
          %parallel_loop3A_371 = tpu.vector_load %arg10[%parallel_loop3A_369, %parallel_loop3A_370] {strides = array<i32>} : memref<128x128xf32, #tpu.memory_space<vmem>>, vector<1x16xf32>,
          %parallel_loop3A_372 = vector.shape_cast %parallel_loop3A_371 : vector<1x16xf32> to vector<16xf32>
          %parallel_loop3A_373 = arith.constant 1.000000e+01 : f32
          %parallel_loop3A_374 = vector.broadcast %parallel_loop3A_373 : f32 to vector<16xf32>
          %parallel_loop3A_375 = arith.mulf %parallel_loop3A_372, %parallel_loop3A_374 : vector<16xf32>
          %parallel_loop3A_376 = arith.constant 1 : i32
          %parallel_loop3A_377 = arith.addi %parallel_loop3A_158, %parallel_loop3A_376 : i32
          %parallel_loop3A_378 = arith.index_cast %parallel_loop3A_377 : i32 to index
          %parallel_loop3A_379 = arith.constant 80 : index
          %parallel_loop3A_380 = tpu.vector_load %arg10[%parallel_loop3A_378, %parallel_loop3A_379] {strides = array<i32>} : memref<128x128xf32, #tpu.memory_space<vmem>>, vector<1x16xf32>,
          %parallel_loop3A_381 = vector.shape_cast %parallel_loop3A_380 : vector<1x16xf32> to vector<16xf32>
          %parallel_loop3A_382 = vector.shape_cast %parallel_loop3A_375 : vector<16xf32> to vector<1x16xf32>
          tpu.vector_store %arg10[%parallel_loop3A_378, %parallel_loop3A_379], %parallel_loop3A_382 {strides = array<i32>} : memref<128x128xf32, #tpu.memory_space<vmem>>, vector<1x16xf32>,
          %parallel_loop3A_383 = arith.constant 1 : i32
          %parallel_loop3A_384 = arith.addi %parallel_loop3A_158, %parallel_loop3A_383 : i32
          %parallel_loop3A_385 = arith.index_cast %parallel_loop3A_384 : i32 to index
          %parallel_loop3A_386 = arith.constant 96 : index
          %parallel_loop3A_387 = tpu.vector_load %arg10[%parallel_loop3A_385, %parallel_loop3A_386] {strides = array<i32>} : memref<128x128xf32, #tpu.memory_space<vmem>>, vector<1x16xf32>,
          %parallel_loop3A_388 = vector.shape_cast %parallel_loop3A_387 : vector<1x16xf32> to vector<16xf32>
          %parallel_loop3A_389 = arith.constant 1.000000e+01 : f32
          %parallel_loop3A_390 = vector.broadcast %parallel_loop3A_389 : f32 to vector<16xf32>
          %parallel_loop3A_391 = arith.mulf %parallel_loop3A_388, %parallel_loop3A_390 : vector<16xf32>
          %parallel_loop3A_392 = arith.constant 1 : i32
          %parallel_loop3A_393 = arith.addi %parallel_loop3A_158, %parallel_loop3A_392 : i32
          %parallel_loop3A_394 = arith.index_cast %parallel_loop3A_393 : i32 to index
          %parallel_loop3A_395 = arith.constant 96 : index
          %parallel_loop3A_396 = tpu.vector_load %arg10[%parallel_loop3A_394, %parallel_loop3A_395] {strides = array<i32>} : memref<128x128xf32, #tpu.memory_space<vmem>>, vector<1x16xf32>,
          %parallel_loop3A_397 = vector.shape_cast %parallel_loop3A_396 : vector<1x16xf32> to vector<16xf32>
          %parallel_loop3A_398 = vector.shape_cast %parallel_loop3A_391 : vector<16xf32> to vector<1x16xf32>
          tpu.vector_store %arg10[%parallel_loop3A_394, %parallel_loop3A_395], %parallel_loop3A_398 {strides = array<i32>} : memref<128x128xf32, #tpu.memory_space<vmem>>, vector<1x16xf32>,
          %parallel_loop3A_399 = arith.constant 1 : i32
          %parallel_loop3A_400 = arith.addi %parallel_loop3A_158, %parallel_loop3A_399 : i32
          %parallel_loop3A_401 = arith.index_cast %parallel_loop3A_400 : i32 to index
          %parallel_loop3A_402 = arith.constant 112 : index
          %parallel_loop3A_403 = tpu.vector_load %arg10[%parallel_loop3A_401, %parallel_loop3A_402] {strides = array<i32>} : memref<128x128xf32, #tpu.memory_space<vmem>>, vector<1x16xf32>,
          %parallel_loop3A_404 = vector.shape_cast %parallel_loop3A_403 : vector<1x16xf32> to vector<16xf32>
          %parallel_loop3A_405 = arith.constant 1.000000e+01 : f32
          %parallel_loop3A_406 = vector.broadcast %parallel_loop3A_405 : f32 to vector<16xf32>
          %parallel_loop3A_407 = arith.mulf %parallel_loop3A_404, %parallel_loop3A_406 : vector<16xf32>
          %parallel_loop3A_408 = arith.constant 1 : i32
          %parallel_loop3A_409 = arith.addi %parallel_loop3A_158, %parallel_loop3A_408 : i32
          %parallel_loop3A_410 = arith.index_cast %parallel_loop3A_409 : i32 to index
          %parallel_loop3A_411 = arith.constant 112 : index
          %parallel_loop3A_412 = tpu.vector_load %arg10[%parallel_loop3A_410, %parallel_loop3A_411] {strides = array<i32>} : memref<128x128xf32, #tpu.memory_space<vmem>>, vector<1x16xf32>,
          %parallel_loop3A_413 = vector.shape_cast %parallel_loop3A_412 : vector<1x16xf32> to vector<16xf32>
          %parallel_loop3A_414 = vector.shape_cast %parallel_loop3A_407 : vector<16xf32> to vector<1x16xf32>
          tpu.vector_store %arg10[%parallel_loop3A_410, %parallel_loop3A_411], %parallel_loop3A_414 {strides = array<i32>} : memref<128x128xf32, #tpu.memory_space<vmem>>, vector<1x16xf32>,
        } {sc.loop_unroll_factor = 2 : i64, sc.parallel_access}
        %mul3A_144 = arith.constant 4096 : i32
        %mul3A_145 = arith.muli %add3A_121, %mul3A_144 : i32
        %add3A_146 = arith.addi %mul3A_145, %mul3A_2 : i32
        %dma_start3A_147 = arith.constant 0 : i32
        %dma_start3A_148 = tpu.memref_slice %arg4[%add3A_146, %dma_start3A_147] : memref<106496x128xf32, #tpu.memory_space<hbm>> -> memref<128x128xf32, #tpu.memory_space<hbm>>
        %dma_start3A_149 = arith.constant 0 : i32
        %dma_start3A_150 = tpu.memref_slice %arg4[%add3A_146, %dma_start3A_149] : memref<106496x128xf32, #tpu.memory_space<hbm>> -> memref<128x128xf32, #tpu.memory_space<hbm>>
        tpu.enqueue_dma source(%arg10 : memref<128x128xf32, #tpu.memory_space<vmem>>) target(%dma_start3A_150 : memref<128x128xf32, #tpu.memory_space<hbm>>) target_semaphore(%arg22 : memref<!tpu.dma_semaphore, #tpu.memory_space<semaphore_mem>>)
        %add3A_151 = arith.constant 6 : i32
        %add3A_152 = arith.addi %add3A_121, %add3A_151 : i32
        %lt3A_153 = arith.constant 26 : i32
        %lt3A_154 = arith.cmpi slt, %add3A_152, %lt3A_153 : i32
        %convert_element_type3A_155 = arith.extui %lt3A_154 : i1 to i32
        %cond3A_156 = arith.constant 0 : i32
        %cond3A_157 = arith.cmpi ne, %convert_element_type3A_155, %cond3A_156 : i32
        scf.if %cond3A_157 {
          %mul3A_158 = arith.constant 4096 : i32
          %mul3A_159 = arith.muli %add3A_121, %mul3A_158 : i32
          %add3A_160 = arith.addi %mul3A_159, %mul3A_2 : i32
          %dma_wait3A_161 = arith.constant 0 : i32
          %dma_wait3A_162 = tpu.memref_slice %arg4[%add3A_160, %dma_wait3A_161] : memref<106496x128xf32, #tpu.memory_space<hbm>> -> memref<128x128xf32, #tpu.memory_space<hbm>>
          %dma_wait3A_163 = arith.constant 0 : i32
          %dma_wait3A_164 = tpu.memref_slice %arg4[%add3A_160, %dma_wait3A_163] : memref<106496x128xf32, #tpu.memory_space<hbm>> -> memref<128x128xf32, #tpu.memory_space<hbm>>
          tpu.wait_dma2 semaphore(%arg22 : memref<!tpu.dma_semaphore, #tpu.memory_space<semaphore_mem>>) src(%arg10 : memref<128x128xf32, #tpu.memory_space<vmem>>) dst(%dma_wait3A_164 : memref<128x128xf32, #tpu.memory_space<hbm>>)
          %add3A_165 = arith.constant 6 : i32
          %add3A_166 = arith.addi %add3A_121, %add3A_165 : i32
          %dma_start3A_167 = arith.constant 0 : i32
          %dma_start3A_168 = tpu.memref_slice %arg5[%add3A_166, %dma_start3A_167] : memref<26x128xi32, #tpu.memory_space<vmem>> -> memref<1x128xi32, #tpu.memory_space<vmem>>
          %dma_start3A_169 = tpu.memref_squeeze %dma_start3A_168 : memref<1x128xi32, #tpu.memory_space<vmem>> -> memref<128xi32, #tpu.memory_space<vmem>>
          %dma_start3A_170 = arith.constant 0 : i32
          %dma_start3A_171 = arith.constant 0 : i32
          %dma_start3A_172 = tpu.memref_slice %arg3[%dma_start3A_170, %dma_start3A_171] : memref<100000x128xf32, #tpu.memory_space<hbm>> -> memref<100000x128xf32, #tpu.memory_space<hbm>>
          tpu.enqueue_indirect_dma source(%dma_start3A_172 : memref<100000x128xf32, #tpu.memory_space<hbm>>) target(%arg10 : memref<128x128xf32, #tpu.memory_space<vmem>>) offsets(%dma_start3A_169 : memref<128xi32, #tpu.memory_space<vmem>>) semaphore(%arg16 : memref<!tpu.dma_semaphore, #tpu.memory_space<semaphore_mem>>)
        } else {
        }
      } else {
      }
      %mul3A_127 = arith.constant 6 : i32
      %mul3A_128 = arith.muli %mul3A_127, %scan3A_84 : i32
      %add3A_129 = arith.constant 5 : i32
      %add3A_130 = arith.addi %mul3A_128, %add3A_129 : i32
      %lt3A_131 = arith.constant 26 : i32
      %lt3A_132 = arith.cmpi slt, %add3A_130, %lt3A_131 : i32
      %convert_element_type3A_133 = arith.extui %lt3A_132 : i1 to i32
      %cond3A_134 = arith.constant 0 : i32
      %cond3A_135 = arith.cmpi ne, %convert_element_type3A_133, %cond3A_134 : i32
      scf.if %cond3A_135 {
        %dma_wait3A_136 = arith.constant 0 : i32
        %dma_wait3A_137 = tpu.memref_slice %arg5[%add3A_130, %dma_wait3A_136] : memref<26x128xi32, #tpu.memory_space<vmem>> -> memref<1x128xi32, #tpu.memory_space<vmem>>
        %dma_wait3A_138 = tpu.memref_squeeze %dma_wait3A_137 : memref<1x128xi32, #tpu.memory_space<vmem>> -> memref<128xi32, #tpu.memory_space<vmem>>
        %dma_wait3A_139 = arith.constant 0 : i32
        %dma_wait3A_140 = arith.constant 0 : i32
        %dma_wait3A_141 = tpu.memref_slice %arg3[%dma_wait3A_139, %dma_wait3A_140] : memref<100000x128xf32, #tpu.memory_space<hbm>> -> memref<100000x128xf32, #tpu.memory_space<hbm>>
        tpu.wait_indirect_dma semaphore(%arg17 : memref<!tpu.dma_semaphore, #tpu.memory_space<semaphore_mem>>) src(%dma_wait3A_141 : memref<100000x128xf32, #tpu.memory_space<hbm>>) dst(%arg11 : memref<128x128xf32, #tpu.memory_space<vmem>>)
        %parallel_loop3A = arith.constant 0 : i32
        %parallel_loop3A_142 = arith.constant 128 : i32
        %parallel_loop3A_143 = arith.constant 2 : i32
        scf.for %parallel_loop3A_158 = %parallel_loop3A to %parallel_loop3A_142 step %parallel_loop3A_143  : i32 {
          %parallel_loop3A_159 = arith.constant 0 : i32
          %parallel_loop3A_160 = arith.addi %parallel_loop3A_158, %parallel_loop3A_159 : i32
          %parallel_loop3A_161 = arith.index_cast %parallel_loop3A_160 : i32 to index
          %parallel_loop3A_162 = arith.constant 0 : index
          %parallel_loop3A_163 = tpu.vector_load %arg11[%parallel_loop3A_161, %parallel_loop3A_162] {strides = array<i32>} : memref<128x128xf32, #tpu.memory_space<vmem>>, vector<1x16xf32>,
          %parallel_loop3A_164 = vector.shape_cast %parallel_loop3A_163 : vector<1x16xf32> to vector<16xf32>
          %parallel_loop3A_165 = arith.constant 1.000000e+01 : f32
          %parallel_loop3A_166 = vector.broadcast %parallel_loop3A_165 : f32 to vector<16xf32>
          %parallel_loop3A_167 = arith.mulf %parallel_loop3A_164, %parallel_loop3A_166 : vector<16xf32>
          %parallel_loop3A_168 = arith.constant 0 : i32
          %parallel_loop3A_169 = arith.addi %parallel_loop3A_158, %parallel_loop3A_168 : i32
          %parallel_loop3A_170 = arith.index_cast %parallel_loop3A_169 : i32 to index
          %parallel_loop3A_171 = arith.constant 0 : index
          %parallel_loop3A_172 = tpu.vector_load %arg11[%parallel_loop3A_170, %parallel_loop3A_171] {strides = array<i32>} : memref<128x128xf32, #tpu.memory_space<vmem>>, vector<1x16xf32>,
          %parallel_loop3A_173 = vector.shape_cast %parallel_loop3A_172 : vector<1x16xf32> to vector<16xf32>
          %parallel_loop3A_174 = vector.shape_cast %parallel_loop3A_167 : vector<16xf32> to vector<1x16xf32>
          tpu.vector_store %arg11[%parallel_loop3A_170, %parallel_loop3A_171], %parallel_loop3A_174 {strides = array<i32>} : memref<128x128xf32, #tpu.memory_space<vmem>>, vector<1x16xf32>,
          %parallel_loop3A_175 = arith.constant 0 : i32
          %parallel_loop3A_176 = arith.addi %parallel_loop3A_158, %parallel_loop3A_175 : i32
          %parallel_loop3A_177 = arith.index_cast %parallel_loop3A_176 : i32 to index
          %parallel_loop3A_178 = arith.constant 16 : index
          %parallel_loop3A_179 = tpu.vector_load %arg11[%parallel_loop3A_177, %parallel_loop3A_178] {strides = array<i32>} : memref<128x128xf32, #tpu.memory_space<vmem>>, vector<1x16xf32>,
          %parallel_loop3A_180 = vector.shape_cast %parallel_loop3A_179 : vector<1x16xf32> to vector<16xf32>
          %parallel_loop3A_181 = arith.constant 1.000000e+01 : f32
          %parallel_loop3A_182 = vector.broadcast %parallel_loop3A_181 : f32 to vector<16xf32>
          %parallel_loop3A_183 = arith.mulf %parallel_loop3A_180, %parallel_loop3A_182 : vector<16xf32>
          %parallel_loop3A_184 = arith.constant 0 : i32
          %parallel_loop3A_185 = arith.addi %parallel_loop3A_158, %parallel_loop3A_184 : i32
          %parallel_loop3A_186 = arith.index_cast %parallel_loop3A_185 : i32 to index
          %parallel_loop3A_187 = arith.constant 16 : index
          %parallel_loop3A_188 = tpu.vector_load %arg11[%parallel_loop3A_186, %parallel_loop3A_187] {strides = array<i32>} : memref<128x128xf32, #tpu.memory_space<vmem>>, vector<1x16xf32>,
          %parallel_loop3A_189 = vector.shape_cast %parallel_loop3A_188 : vector<1x16xf32> to vector<16xf32>
          %parallel_loop3A_190 = vector.shape_cast %parallel_loop3A_183 : vector<16xf32> to vector<1x16xf32>
          tpu.vector_store %arg11[%parallel_loop3A_186, %parallel_loop3A_187], %parallel_loop3A_190 {strides = array<i32>} : memref<128x128xf32, #tpu.memory_space<vmem>>, vector<1x16xf32>,
          %parallel_loop3A_191 = arith.constant 0 : i32
          %parallel_loop3A_192 = arith.addi %parallel_loop3A_158, %parallel_loop3A_191 : i32
          %parallel_loop3A_193 = arith.index_cast %parallel_loop3A_192 : i32 to index
          %parallel_loop3A_194 = arith.constant 32 : index
          %parallel_loop3A_195 = tpu.vector_load %arg11[%parallel_loop3A_193, %parallel_loop3A_194] {strides = array<i32>} : memref<128x128xf32, #tpu.memory_space<vmem>>, vector<1x16xf32>,
          %parallel_loop3A_196 = vector.shape_cast %parallel_loop3A_195 : vector<1x16xf32> to vector<16xf32>
          %parallel_loop3A_197 = arith.constant 1.000000e+01 : f32
          %parallel_loop3A_198 = vector.broadcast %parallel_loop3A_197 : f32 to vector<16xf32>
          %parallel_loop3A_199 = arith.mulf %parallel_loop3A_196, %parallel_loop3A_198 : vector<16xf32>
          %parallel_loop3A_200 = arith.constant 0 : i32
          %parallel_loop3A_201 = arith.addi %parallel_loop3A_158, %parallel_loop3A_200 : i32
          %parallel_loop3A_202 = arith.index_cast %parallel_loop3A_201 : i32 to index
          %parallel_loop3A_203 = arith.constant 32 : index
          %parallel_loop3A_204 = tpu.vector_load %arg11[%parallel_loop3A_202, %parallel_loop3A_203] {strides = array<i32>} : memref<128x128xf32, #tpu.memory_space<vmem>>, vector<1x16xf32>,
          %parallel_loop3A_205 = vector.shape_cast %parallel_loop3A_204 : vector<1x16xf32> to vector<16xf32>
          %parallel_loop3A_206 = vector.shape_cast %parallel_loop3A_199 : vector<16xf32> to vector<1x16xf32>
          tpu.vector_store %arg11[%parallel_loop3A_202, %parallel_loop3A_203], %parallel_loop3A_206 {strides = array<i32>} : memref<128x128xf32, #tpu.memory_space<vmem>>, vector<1x16xf32>,
          %parallel_loop3A_207 = arith.constant 0 : i32
          %parallel_loop3A_208 = arith.addi %parallel_loop3A_158, %parallel_loop3A_207 : i32
          %parallel_loop3A_209 = arith.index_cast %parallel_loop3A_208 : i32 to index
          %parallel_loop3A_210 = arith.constant 48 : index
          %parallel_loop3A_211 = tpu.vector_load %arg11[%parallel_loop3A_209, %parallel_loop3A_210] {strides = array<i32>} : memref<128x128xf32, #tpu.memory_space<vmem>>, vector<1x16xf32>,
          %parallel_loop3A_212 = vector.shape_cast %parallel_loop3A_211 : vector<1x16xf32> to vector<16xf32>
          %parallel_loop3A_213 = arith.constant 1.000000e+01 : f32
          %parallel_loop3A_214 = vector.broadcast %parallel_loop3A_213 : f32 to vector<16xf32>
          %parallel_loop3A_215 = arith.mulf %parallel_loop3A_212, %parallel_loop3A_214 : vector<16xf32>
          %parallel_loop3A_216 = arith.constant 0 : i32
          %parallel_loop3A_217 = arith.addi %parallel_loop3A_158, %parallel_loop3A_216 : i32
          %parallel_loop3A_218 = arith.index_cast %parallel_loop3A_217 : i32 to index
          %parallel_loop3A_219 = arith.constant 48 : index
          %parallel_loop3A_220 = tpu.vector_load %arg11[%parallel_loop3A_218, %parallel_loop3A_219] {strides = array<i32>} : memref<128x128xf32, #tpu.memory_space<vmem>>, vector<1x16xf32>,
          %parallel_loop3A_221 = vector.shape_cast %parallel_loop3A_220 : vector<1x16xf32> to vector<16xf32>
          %parallel_loop3A_222 = vector.shape_cast %parallel_loop3A_215 : vector<16xf32> to vector<1x16xf32>
          tpu.vector_store %arg11[%parallel_loop3A_218, %parallel_loop3A_219], %parallel_loop3A_222 {strides = array<i32>} : memref<128x128xf32, #tpu.memory_space<vmem>>, vector<1x16xf32>,
          %parallel_loop3A_223 = arith.constant 0 : i32
          %parallel_loop3A_224 = arith.addi %parallel_loop3A_158, %parallel_loop3A_223 : i32
          %parallel_loop3A_225 = arith.index_cast %parallel_loop3A_224 : i32 to index
          %parallel_loop3A_226 = arith.constant 64 : index
          %parallel_loop3A_227 = tpu.vector_load %arg11[%parallel_loop3A_225, %parallel_loop3A_226] {strides = array<i32>} : memref<128x128xf32, #tpu.memory_space<vmem>>, vector<1x16xf32>,
          %parallel_loop3A_228 = vector.shape_cast %parallel_loop3A_227 : vector<1x16xf32> to vector<16xf32>
          %parallel_loop3A_229 = arith.constant 1.000000e+01 : f32
          %parallel_loop3A_230 = vector.broadcast %parallel_loop3A_229 : f32 to vector<16xf32>
          %parallel_loop3A_231 = arith.mulf %parallel_loop3A_228, %parallel_loop3A_230 : vector<16xf32>
          %parallel_loop3A_232 = arith.constant 0 : i32
          %parallel_loop3A_233 = arith.addi %parallel_loop3A_158, %parallel_loop3A_232 : i32
          %parallel_loop3A_234 = arith.index_cast %parallel_loop3A_233 : i32 to index
          %parallel_loop3A_235 = arith.constant 64 : index
          %parallel_loop3A_236 = tpu.vector_load %arg11[%parallel_loop3A_234, %parallel_loop3A_235] {strides = array<i32>} : memref<128x128xf32, #tpu.memory_space<vmem>>, vector<1x16xf32>,
          %parallel_loop3A_237 = vector.shape_cast %parallel_loop3A_236 : vector<1x16xf32> to vector<16xf32>
          %parallel_loop3A_238 = vector.shape_cast %parallel_loop3A_231 : vector<16xf32> to vector<1x16xf32>
          tpu.vector_store %arg11[%parallel_loop3A_234, %parallel_loop3A_235], %parallel_loop3A_238 {strides = array<i32>} : memref<128x128xf32, #tpu.memory_space<vmem>>, vector<1x16xf32>,
          %parallel_loop3A_239 = arith.constant 0 : i32
          %parallel_loop3A_240 = arith.addi %parallel_loop3A_158, %parallel_loop3A_239 : i32
          %parallel_loop3A_241 = arith.index_cast %parallel_loop3A_240 : i32 to index
          %parallel_loop3A_242 = arith.constant 80 : index
          %parallel_loop3A_243 = tpu.vector_load %arg11[%parallel_loop3A_241, %parallel_loop3A_242] {strides = array<i32>} : memref<128x128xf32, #tpu.memory_space<vmem>>, vector<1x16xf32>,
          %parallel_loop3A_244 = vector.shape_cast %parallel_loop3A_243 : vector<1x16xf32> to vector<16xf32>
          %parallel_loop3A_245 = arith.constant 1.000000e+01 : f32
          %parallel_loop3A_246 = vector.broadcast %parallel_loop3A_245 : f32 to vector<16xf32>
          %parallel_loop3A_247 = arith.mulf %parallel_loop3A_244, %parallel_loop3A_246 : vector<16xf32>
          %parallel_loop3A_248 = arith.constant 0 : i32
          %parallel_loop3A_249 = arith.addi %parallel_loop3A_158, %parallel_loop3A_248 : i32
          %parallel_loop3A_250 = arith.index_cast %parallel_loop3A_249 : i32 to index
          %parallel_loop3A_251 = arith.constant 80 : index
          %parallel_loop3A_252 = tpu.vector_load %arg11[%parallel_loop3A_250, %parallel_loop3A_251] {strides = array<i32>} : memref<128x128xf32, #tpu.memory_space<vmem>>, vector<1x16xf32>,
          %parallel_loop3A_253 = vector.shape_cast %parallel_loop3A_252 : vector<1x16xf32> to vector<16xf32>
          %parallel_loop3A_254 = vector.shape_cast %parallel_loop3A_247 : vector<16xf32> to vector<1x16xf32>
          tpu.vector_store %arg11[%parallel_loop3A_250, %parallel_loop3A_251], %parallel_loop3A_254 {strides = array<i32>} : memref<128x128xf32, #tpu.memory_space<vmem>>, vector<1x16xf32>,
          %parallel_loop3A_255 = arith.constant 0 : i32
          %parallel_loop3A_256 = arith.addi %parallel_loop3A_158, %parallel_loop3A_255 : i32
          %parallel_loop3A_257 = arith.index_cast %parallel_loop3A_256 : i32 to index
          %parallel_loop3A_258 = arith.constant 96 : index
          %parallel_loop3A_259 = tpu.vector_load %arg11[%parallel_loop3A_257, %parallel_loop3A_258] {strides = array<i32>} : memref<128x128xf32, #tpu.memory_space<vmem>>, vector<1x16xf32>,
          %parallel_loop3A_260 = vector.shape_cast %parallel_loop3A_259 : vector<1x16xf32> to vector<16xf32>
          %parallel_loop3A_261 = arith.constant 1.000000e+01 : f32
          %parallel_loop3A_262 = vector.broadcast %parallel_loop3A_261 : f32 to vector<16xf32>
          %parallel_loop3A_263 = arith.mulf %parallel_loop3A_260, %parallel_loop3A_262 : vector<16xf32>
          %parallel_loop3A_264 = arith.constant 0 : i32
          %parallel_loop3A_265 = arith.addi %parallel_loop3A_158, %parallel_loop3A_264 : i32
          %parallel_loop3A_266 = arith.index_cast %parallel_loop3A_265 : i32 to index
          %parallel_loop3A_267 = arith.constant 96 : index
          %parallel_loop3A_268 = tpu.vector_load %arg11[%parallel_loop3A_266, %parallel_loop3A_267] {strides = array<i32>} : memref<128x128xf32, #tpu.memory_space<vmem>>, vector<1x16xf32>,
          %parallel_loop3A_269 = vector.shape_cast %parallel_loop3A_268 : vector<1x16xf32> to vector<16xf32>
          %parallel_loop3A_270 = vector.shape_cast %parallel_loop3A_263 : vector<16xf32> to vector<1x16xf32>
          tpu.vector_store %arg11[%parallel_loop3A_266, %parallel_loop3A_267], %parallel_loop3A_270 {strides = array<i32>} : memref<128x128xf32, #tpu.memory_space<vmem>>, vector<1x16xf32>,
          %parallel_loop3A_271 = arith.constant 0 : i32
          %parallel_loop3A_272 = arith.addi %parallel_loop3A_158, %parallel_loop3A_271 : i32
          %parallel_loop3A_273 = arith.index_cast %parallel_loop3A_272 : i32 to index
          %parallel_loop3A_274 = arith.constant 112 : index
          %parallel_loop3A_275 = tpu.vector_load %arg11[%parallel_loop3A_273, %parallel_loop3A_274] {strides = array<i32>} : memref<128x128xf32, #tpu.memory_space<vmem>>, vector<1x16xf32>,
          %parallel_loop3A_276 = vector.shape_cast %parallel_loop3A_275 : vector<1x16xf32> to vector<16xf32>
          %parallel_loop3A_277 = arith.constant 1.000000e+01 : f32
          %parallel_loop3A_278 = vector.broadcast %parallel_loop3A_277 : f32 to vector<16xf32>
          %parallel_loop3A_279 = arith.mulf %parallel_loop3A_276, %parallel_loop3A_278 : vector<16xf32>
          %parallel_loop3A_280 = arith.constant 0 : i32
          %parallel_loop3A_281 = arith.addi %parallel_loop3A_158, %parallel_loop3A_280 : i32
          %parallel_loop3A_282 = arith.index_cast %parallel_loop3A_281 : i32 to index
          %parallel_loop3A_283 = arith.constant 112 : index
          %parallel_loop3A_284 = tpu.vector_load %arg11[%parallel_loop3A_282, %parallel_loop3A_283] {strides = array<i32>} : memref<128x128xf32, #tpu.memory_space<vmem>>, vector<1x16xf32>,
          %parallel_loop3A_285 = vector.shape_cast %parallel_loop3A_284 : vector<1x16xf32> to vector<16xf32>
          %parallel_loop3A_286 = vector.shape_cast %parallel_loop3A_279 : vector<16xf32> to vector<1x16xf32>
          tpu.vector_store %arg11[%parallel_loop3A_282, %parallel_loop3A_283], %parallel_loop3A_286 {strides = array<i32>} : memref<128x128xf32, #tpu.memory_space<vmem>>, vector<1x16xf32>,
          %parallel_loop3A_287 = arith.constant 1 : i32
          %parallel_loop3A_288 = arith.addi %parallel_loop3A_158, %parallel_loop3A_287 : i32
          %parallel_loop3A_289 = arith.index_cast %parallel_loop3A_288 : i32 to index
          %parallel_loop3A_290 = arith.constant 0 : index
          %parallel_loop3A_291 = tpu.vector_load %arg11[%parallel_loop3A_289, %parallel_loop3A_290] {strides = array<i32>} : memref<128x128xf32, #tpu.memory_space<vmem>>, vector<1x16xf32>,
          %parallel_loop3A_292 = vector.shape_cast %parallel_loop3A_291 : vector<1x16xf32> to vector<16xf32>
          %parallel_loop3A_293 = arith.constant 1.000000e+01 : f32
          %parallel_loop3A_294 = vector.broadcast %parallel_loop3A_293 : f32 to vector<16xf32>
          %parallel_loop3A_295 = arith.mulf %parallel_loop3A_292, %parallel_loop3A_294 : vector<16xf32>
          %parallel_loop3A_296 = arith.constant 1 : i32
          %parallel_loop3A_297 = arith.addi %parallel_loop3A_158, %parallel_loop3A_296 : i32
          %parallel_loop3A_298 = arith.index_cast %parallel_loop3A_297 : i32 to index
          %parallel_loop3A_299 = arith.constant 0 : index
          %parallel_loop3A_300 = tpu.vector_load %arg11[%parallel_loop3A_298, %parallel_loop3A_299] {strides = array<i32>} : memref<128x128xf32, #tpu.memory_space<vmem>>, vector<1x16xf32>,
          %parallel_loop3A_301 = vector.shape_cast %parallel_loop3A_300 : vector<1x16xf32> to vector<16xf32>
          %parallel_loop3A_302 = vector.shape_cast %parallel_loop3A_295 : vector<16xf32> to vector<1x16xf32>
          tpu.vector_store %arg11[%parallel_loop3A_298, %parallel_loop3A_299], %parallel_loop3A_302 {strides = array<i32>} : memref<128x128xf32, #tpu.memory_space<vmem>>, vector<1x16xf32>,
          %parallel_loop3A_303 = arith.constant 1 : i32
          %parallel_loop3A_304 = arith.addi %parallel_loop3A_158, %parallel_loop3A_303 : i32
          %parallel_loop3A_305 = arith.index_cast %parallel_loop3A_304 : i32 to index
          %parallel_loop3A_306 = arith.constant 16 : index
          %parallel_loop3A_307 = tpu.vector_load %arg11[%parallel_loop3A_305, %parallel_loop3A_306] {strides = array<i32>} : memref<128x128xf32, #tpu.memory_space<vmem>>, vector<1x16xf32>,
          %parallel_loop3A_308 = vector.shape_cast %parallel_loop3A_307 : vector<1x16xf32> to vector<16xf32>
          %parallel_loop3A_309 = arith.constant 1.000000e+01 : f32
          %parallel_loop3A_310 = vector.broadcast %parallel_loop3A_309 : f32 to vector<16xf32>
          %parallel_loop3A_311 = arith.mulf %parallel_loop3A_308, %parallel_loop3A_310 : vector<16xf32>
          %parallel_loop3A_312 = arith.constant 1 : i32
          %parallel_loop3A_313 = arith.addi %parallel_loop3A_158, %parallel_loop3A_312 : i32
          %parallel_loop3A_314 = arith.index_cast %parallel_loop3A_313 : i32 to index
          %parallel_loop3A_315 = arith.constant 16 : index
          %parallel_loop3A_316 = tpu.vector_load %arg11[%parallel_loop3A_314, %parallel_loop3A_315] {strides = array<i32>} : memref<128x128xf32, #tpu.memory_space<vmem>>, vector<1x16xf32>,
          %parallel_loop3A_317 = vector.shape_cast %parallel_loop3A_316 : vector<1x16xf32> to vector<16xf32>
          %parallel_loop3A_318 = vector.shape_cast %parallel_loop3A_311 : vector<16xf32> to vector<1x16xf32>
          tpu.vector_store %arg11[%parallel_loop3A_314, %parallel_loop3A_315], %parallel_loop3A_318 {strides = array<i32>} : memref<128x128xf32, #tpu.memory_space<vmem>>, vector<1x16xf32>,
          %parallel_loop3A_319 = arith.constant 1 : i32
          %parallel_loop3A_320 = arith.addi %parallel_loop3A_158, %parallel_loop3A_319 : i32
          %parallel_loop3A_321 = arith.index_cast %parallel_loop3A_320 : i32 to index
          %parallel_loop3A_322 = arith.constant 32 : index
          %parallel_loop3A_323 = tpu.vector_load %arg11[%parallel_loop3A_321, %parallel_loop3A_322] {strides = array<i32>} : memref<128x128xf32, #tpu.memory_space<vmem>>, vector<1x16xf32>,
          %parallel_loop3A_324 = vector.shape_cast %parallel_loop3A_323 : vector<1x16xf32> to vector<16xf32>
          %parallel_loop3A_325 = arith.constant 1.000000e+01 : f32
          %parallel_loop3A_326 = vector.broadcast %parallel_loop3A_325 : f32 to vector<16xf32>
          %parallel_loop3A_327 = arith.mulf %parallel_loop3A_324, %parallel_loop3A_326 : vector<16xf32>
          %parallel_loop3A_328 = arith.constant 1 : i32
          %parallel_loop3A_329 = arith.addi %parallel_loop3A_158, %parallel_loop3A_328 : i32
          %parallel_loop3A_330 = arith.index_cast %parallel_loop3A_329 : i32 to index
          %parallel_loop3A_331 = arith.constant 32 : index
          %parallel_loop3A_332 = tpu.vector_load %arg11[%parallel_loop3A_330, %parallel_loop3A_331] {strides = array<i32>} : memref<128x128xf32, #tpu.memory_space<vmem>>, vector<1x16xf32>,
          %parallel_loop3A_333 = vector.shape_cast %parallel_loop3A_332 : vector<1x16xf32> to vector<16xf32>
          %parallel_loop3A_334 = vector.shape_cast %parallel_loop3A_327 : vector<16xf32> to vector<1x16xf32>
          tpu.vector_store %arg11[%parallel_loop3A_330, %parallel_loop3A_331], %parallel_loop3A_334 {strides = array<i32>} : memref<128x128xf32, #tpu.memory_space<vmem>>, vector<1x16xf32>,
          %parallel_loop3A_335 = arith.constant 1 : i32
          %parallel_loop3A_336 = arith.addi %parallel_loop3A_158, %parallel_loop3A_335 : i32
          %parallel_loop3A_337 = arith.index_cast %parallel_loop3A_336 : i32 to index
          %parallel_loop3A_338 = arith.constant 48 : index
          %parallel_loop3A_339 = tpu.vector_load %arg11[%parallel_loop3A_337, %parallel_loop3A_338] {strides = array<i32>} : memref<128x128xf32, #tpu.memory_space<vmem>>, vector<1x16xf32>,
          %parallel_loop3A_340 = vector.shape_cast %parallel_loop3A_339 : vector<1x16xf32> to vector<16xf32>
          %parallel_loop3A_341 = arith.constant 1.000000e+01 : f32
          %parallel_loop3A_342 = vector.broadcast %parallel_loop3A_341 : f32 to vector<16xf32>
          %parallel_loop3A_343 = arith.mulf %parallel_loop3A_340, %parallel_loop3A_342 : vector<16xf32>
          %parallel_loop3A_344 = arith.constant 1 : i32
          %parallel_loop3A_345 = arith.addi %parallel_loop3A_158, %parallel_loop3A_344 : i32
          %parallel_loop3A_346 = arith.index_cast %parallel_loop3A_345 : i32 to index
          %parallel_loop3A_347 = arith.constant 48 : index
          %parallel_loop3A_348 = tpu.vector_load %arg11[%parallel_loop3A_346, %parallel_loop3A_347] {strides = array<i32>} : memref<128x128xf32, #tpu.memory_space<vmem>>, vector<1x16xf32>,
          %parallel_loop3A_349 = vector.shape_cast %parallel_loop3A_348 : vector<1x16xf32> to vector<16xf32>
          %parallel_loop3A_350 = vector.shape_cast %parallel_loop3A_343 : vector<16xf32> to vector<1x16xf32>
          tpu.vector_store %arg11[%parallel_loop3A_346, %parallel_loop3A_347], %parallel_loop3A_350 {strides = array<i32>} : memref<128x128xf32, #tpu.memory_space<vmem>>, vector<1x16xf32>,
          %parallel_loop3A_351 = arith.constant 1 : i32
          %parallel_loop3A_352 = arith.addi %parallel_loop3A_158, %parallel_loop3A_351 : i32
          %parallel_loop3A_353 = arith.index_cast %parallel_loop3A_352 : i32 to index
          %parallel_loop3A_354 = arith.constant 64 : index
          %parallel_loop3A_355 = tpu.vector_load %arg11[%parallel_loop3A_353, %parallel_loop3A_354] {strides = array<i32>} : memref<128x128xf32, #tpu.memory_space<vmem>>, vector<1x16xf32>,
          %parallel_loop3A_356 = vector.shape_cast %parallel_loop3A_355 : vector<1x16xf32> to vector<16xf32>
          %parallel_loop3A_357 = arith.constant 1.000000e+01 : f32
          %parallel_loop3A_358 = vector.broadcast %parallel_loop3A_357 : f32 to vector<16xf32>
          %parallel_loop3A_359 = arith.mulf %parallel_loop3A_356, %parallel_loop3A_358 : vector<16xf32>
          %parallel_loop3A_360 = arith.constant 1 : i32
          %parallel_loop3A_361 = arith.addi %parallel_loop3A_158, %parallel_loop3A_360 : i32
          %parallel_loop3A_362 = arith.index_cast %parallel_loop3A_361 : i32 to index
          %parallel_loop3A_363 = arith.constant 64 : index
          %parallel_loop3A_364 = tpu.vector_load %arg11[%parallel_loop3A_362, %parallel_loop3A_363] {strides = array<i32>} : memref<128x128xf32, #tpu.memory_space<vmem>>, vector<1x16xf32>,
          %parallel_loop3A_365 = vector.shape_cast %parallel_loop3A_364 : vector<1x16xf32> to vector<16xf32>
          %parallel_loop3A_366 = vector.shape_cast %parallel_loop3A_359 : vector<16xf32> to vector<1x16xf32>
          tpu.vector_store %arg11[%parallel_loop3A_362, %parallel_loop3A_363], %parallel_loop3A_366 {strides = array<i32>} : memref<128x128xf32, #tpu.memory_space<vmem>>, vector<1x16xf32>,
          %parallel_loop3A_367 = arith.constant 1 : i32
          %parallel_loop3A_368 = arith.addi %parallel_loop3A_158, %parallel_loop3A_367 : i32
          %parallel_loop3A_369 = arith.index_cast %parallel_loop3A_368 : i32 to index
          %parallel_loop3A_370 = arith.constant 80 : index
          %parallel_loop3A_371 = tpu.vector_load %arg11[%parallel_loop3A_369, %parallel_loop3A_370] {strides = array<i32>} : memref<128x128xf32, #tpu.memory_space<vmem>>, vector<1x16xf32>,
          %parallel_loop3A_372 = vector.shape_cast %parallel_loop3A_371 : vector<1x16xf32> to vector<16xf32>
          %parallel_loop3A_373 = arith.constant 1.000000e+01 : f32
          %parallel_loop3A_374 = vector.broadcast %parallel_loop3A_373 : f32 to vector<16xf32>
          %parallel_loop3A_375 = arith.mulf %parallel_loop3A_372, %parallel_loop3A_374 : vector<16xf32>
          %parallel_loop3A_376 = arith.constant 1 : i32
          %parallel_loop3A_377 = arith.addi %parallel_loop3A_158, %parallel_loop3A_376 : i32
          %parallel_loop3A_378 = arith.index_cast %parallel_loop3A_377 : i32 to index
          %parallel_loop3A_379 = arith.constant 80 : index
          %parallel_loop3A_380 = tpu.vector_load %arg11[%parallel_loop3A_378, %parallel_loop3A_379] {strides = array<i32>} : memref<128x128xf32, #tpu.memory_space<vmem>>, vector<1x16xf32>,
          %parallel_loop3A_381 = vector.shape_cast %parallel_loop3A_380 : vector<1x16xf32> to vector<16xf32>
          %parallel_loop3A_382 = vector.shape_cast %parallel_loop3A_375 : vector<16xf32> to vector<1x16xf32>
          tpu.vector_store %arg11[%parallel_loop3A_378, %parallel_loop3A_379], %parallel_loop3A_382 {strides = array<i32>} : memref<128x128xf32, #tpu.memory_space<vmem>>, vector<1x16xf32>,
          %parallel_loop3A_383 = arith.constant 1 : i32
          %parallel_loop3A_384 = arith.addi %parallel_loop3A_158, %parallel_loop3A_383 : i32
          %parallel_loop3A_385 = arith.index_cast %parallel_loop3A_384 : i32 to index
          %parallel_loop3A_386 = arith.constant 96 : index
          %parallel_loop3A_387 = tpu.vector_load %arg11[%parallel_loop3A_385, %parallel_loop3A_386] {strides = array<i32>} : memref<128x128xf32, #tpu.memory_space<vmem>>, vector<1x16xf32>,
          %parallel_loop3A_388 = vector.shape_cast %parallel_loop3A_387 : vector<1x16xf32> to vector<16xf32>
          %parallel_loop3A_389 = arith.constant 1.000000e+01 : f32
          %parallel_loop3A_390 = vector.broadcast %parallel_loop3A_389 : f32 to vector<16xf32>
          %parallel_loop3A_391 = arith.mulf %parallel_loop3A_388, %parallel_loop3A_390 : vector<16xf32>
          %parallel_loop3A_392 = arith.constant 1 : i32
          %parallel_loop3A_393 = arith.addi %parallel_loop3A_158, %parallel_loop3A_392 : i32
          %parallel_loop3A_394 = arith.index_cast %parallel_loop3A_393 : i32 to index
          %parallel_loop3A_395 = arith.constant 96 : index
          %parallel_loop3A_396 = tpu.vector_load %arg11[%parallel_loop3A_394, %parallel_loop3A_395] {strides = array<i32>} : memref<128x128xf32, #tpu.memory_space<vmem>>, vector<1x16xf32>,
          %parallel_loop3A_397 = vector.shape_cast %parallel_loop3A_396 : vector<1x16xf32> to vector<16xf32>
          %parallel_loop3A_398 = vector.shape_cast %parallel_loop3A_391 : vector<16xf32> to vector<1x16xf32>
          tpu.vector_store %arg11[%parallel_loop3A_394, %parallel_loop3A_395], %parallel_loop3A_398 {strides = array<i32>} : memref<128x128xf32, #tpu.memory_space<vmem>>, vector<1x16xf32>,
          %parallel_loop3A_399 = arith.constant 1 : i32
          %parallel_loop3A_400 = arith.addi %parallel_loop3A_158, %parallel_loop3A_399 : i32
          %parallel_loop3A_401 = arith.index_cast %parallel_loop3A_400 : i32 to index
          %parallel_loop3A_402 = arith.constant 112 : index
          %parallel_loop3A_403 = tpu.vector_load %arg11[%parallel_loop3A_401, %parallel_loop3A_402] {strides = array<i32>} : memref<128x128xf32, #tpu.memory_space<vmem>>, vector<1x16xf32>,
          %parallel_loop3A_404 = vector.shape_cast %parallel_loop3A_403 : vector<1x16xf32> to vector<16xf32>
          %parallel_loop3A_405 = arith.constant 1.000000e+01 : f32
          %parallel_loop3A_406 = vector.broadcast %parallel_loop3A_405 : f32 to vector<16xf32>
          %parallel_loop3A_407 = arith.mulf %parallel_loop3A_404, %parallel_loop3A_406 : vector<16xf32>
          %parallel_loop3A_408 = arith.constant 1 : i32
          %parallel_loop3A_409 = arith.addi %parallel_loop3A_158, %parallel_loop3A_408 : i32
          %parallel_loop3A_410 = arith.index_cast %parallel_loop3A_409 : i32 to index
          %parallel_loop3A_411 = arith.constant 112 : index
          %parallel_loop3A_412 = tpu.vector_load %arg11[%parallel_loop3A_410, %parallel_loop3A_411] {strides = array<i32>} : memref<128x128xf32, #tpu.memory_space<vmem>>, vector<1x16xf32>,
          %parallel_loop3A_413 = vector.shape_cast %parallel_loop3A_412 : vector<1x16xf32> to vector<16xf32>
          %parallel_loop3A_414 = vector.shape_cast %parallel_loop3A_407 : vector<16xf32> to vector<1x16xf32>
          tpu.vector_store %arg11[%parallel_loop3A_410, %parallel_loop3A_411], %parallel_loop3A_414 {strides = array<i32>} : memref<128x128xf32, #tpu.memory_space<vmem>>, vector<1x16xf32>,
        } {sc.loop_unroll_factor = 2 : i64, sc.parallel_access}
        %mul3A_144 = arith.constant 4096 : i32
        %mul3A_145 = arith.muli %add3A_130, %mul3A_144 : i32
        %add3A_146 = arith.addi %mul3A_145, %mul3A_2 : i32
        %dma_start3A_147 = arith.constant 0 : i32
        %dma_start3A_148 = tpu.memref_slice %arg4[%add3A_146, %dma_start3A_147] : memref<106496x128xf32, #tpu.memory_space<hbm>> -> memref<128x128xf32, #tpu.memory_space<hbm>>
        %dma_start3A_149 = arith.constant 0 : i32
        %dma_start3A_150 = tpu.memref_slice %arg4[%add3A_146, %dma_start3A_149] : memref<106496x128xf32, #tpu.memory_space<hbm>> -> memref<128x128xf32, #tpu.memory_space<hbm>>
        tpu.enqueue_dma source(%arg11 : memref<128x128xf32, #tpu.memory_space<vmem>>) target(%dma_start3A_150 : memref<128x128xf32, #tpu.memory_space<hbm>>) target_semaphore(%arg23 : memref<!tpu.dma_semaphore, #tpu.memory_space<semaphore_mem>>)
        %add3A_151 = arith.constant 6 : i32
        %add3A_152 = arith.addi %add3A_130, %add3A_151 : i32
        %lt3A_153 = arith.constant 26 : i32
        %lt3A_154 = arith.cmpi slt, %add3A_152, %lt3A_153 : i32
        %convert_element_type3A_155 = arith.extui %lt3A_154 : i1 to i32
        %cond3A_156 = arith.constant 0 : i32
        %cond3A_157 = arith.cmpi ne, %convert_element_type3A_155, %cond3A_156 : i32
        scf.if %cond3A_157 {
          %mul3A_158 = arith.constant 4096 : i32
          %mul3A_159 = arith.muli %add3A_130, %mul3A_158 : i32
          %add3A_160 = arith.addi %mul3A_159, %mul3A_2 : i32
          %dma_wait3A_161 = arith.constant 0 : i32
          %dma_wait3A_162 = tpu.memref_slice %arg4[%add3A_160, %dma_wait3A_161] : memref<106496x128xf32, #tpu.memory_space<hbm>> -> memref<128x128xf32, #tpu.memory_space<hbm>>
          %dma_wait3A_163 = arith.constant 0 : i32
          %dma_wait3A_164 = tpu.memref_slice %arg4[%add3A_160, %dma_wait3A_163] : memref<106496x128xf32, #tpu.memory_space<hbm>> -> memref<128x128xf32, #tpu.memory_space<hbm>>
          tpu.wait_dma2 semaphore(%arg23 : memref<!tpu.dma_semaphore, #tpu.memory_space<semaphore_mem>>) src(%arg11 : memref<128x128xf32, #tpu.memory_space<vmem>>) dst(%dma_wait3A_164 : memref<128x128xf32, #tpu.memory_space<hbm>>)
          %add3A_165 = arith.constant 6 : i32
          %add3A_166 = arith.addi %add3A_130, %add3A_165 : i32
          %dma_start3A_167 = arith.constant 0 : i32
          %dma_start3A_168 = tpu.memref_slice %arg5[%add3A_166, %dma_start3A_167] : memref<26x128xi32, #tpu.memory_space<vmem>> -> memref<1x128xi32, #tpu.memory_space<vmem>>
          %dma_start3A_169 = tpu.memref_squeeze %dma_start3A_168 : memref<1x128xi32, #tpu.memory_space<vmem>> -> memref<128xi32, #tpu.memory_space<vmem>>
          %dma_start3A_170 = arith.constant 0 : i32
          %dma_start3A_171 = arith.constant 0 : i32
          %dma_start3A_172 = tpu.memref_slice %arg3[%dma_start3A_170, %dma_start3A_171] : memref<100000x128xf32, #tpu.memory_space<hbm>> -> memref<100000x128xf32, #tpu.memory_space<hbm>>
          tpu.enqueue_indirect_dma source(%dma_start3A_172 : memref<100000x128xf32, #tpu.memory_space<hbm>>) target(%arg11 : memref<128x128xf32, #tpu.memory_space<vmem>>) offsets(%dma_start3A_169 : memref<128xi32, #tpu.memory_space<vmem>>) semaphore(%arg17 : memref<!tpu.dma_semaphore, #tpu.memory_space<semaphore_mem>>)
        } else {
        }
      } else {
      }
    }
    %scan3A_48 = arith.constant 5 : i32
    %add3A_49 = arith.constant 81920 : i32
    %add3A_50 = arith.addi %add3A_49, %mul3A_2 : i32
    %dma_wait3A = arith.constant 0 : i32
    %dma_wait3A_51 = tpu.memref_slice %arg4[%add3A_50, %dma_wait3A] : memref<106496x128xf32, #tpu.memory_space<hbm>> -> memref<128x128xf32, #tpu.memory_space<hbm>>
    %dma_wait3A_52 = arith.constant 0 : i32
    %dma_wait3A_53 = tpu.memref_slice %arg4[%add3A_50, %dma_wait3A_52] : memref<106496x128xf32, #tpu.memory_space<hbm>> -> memref<128x128xf32, #tpu.memory_space<hbm>>
    tpu.wait_dma2 semaphore(%arg18 : memref<!tpu.dma_semaphore, #tpu.memory_space<semaphore_mem>>) src(%arg6 : memref<128x128xf32, #tpu.memory_space<vmem>>) dst(%dma_wait3A_53 : memref<128x128xf32, #tpu.memory_space<hbm>>)
    %add3A_54 = arith.constant 86016 : i32
    %add3A_55 = arith.addi %add3A_54, %mul3A_2 : i32
    %dma_wait3A_56 = arith.constant 0 : i32
    %dma_wait3A_57 = tpu.memref_slice %arg4[%add3A_55, %dma_wait3A_56] : memref<106496x128xf32, #tpu.memory_space<hbm>> -> memref<128x128xf32, #tpu.memory_space<hbm>>
    %dma_wait3A_58 = arith.constant 0 : i32
    %dma_wait3A_59 = tpu.memref_slice %arg4[%add3A_55, %dma_wait3A_58] : memref<106496x128xf32, #tpu.memory_space<hbm>> -> memref<128x128xf32, #tpu.memory_space<hbm>>
    tpu.wait_dma2 semaphore(%arg19 : memref<!tpu.dma_semaphore, #tpu.memory_space<semaphore_mem>>) src(%arg7 : memref<128x128xf32, #tpu.memory_space<vmem>>) dst(%dma_wait3A_59 : memref<128x128xf32, #tpu.memory_space<hbm>>)
    %add3A_60 = arith.constant 90112 : i32
    %add3A_61 = arith.addi %add3A_60, %mul3A_2 : i32
    %dma_wait3A_62 = arith.constant 0 : i32
    %dma_wait3A_63 = tpu.memref_slice %arg4[%add3A_61, %dma_wait3A_62] : memref<106496x128xf32, #tpu.memory_space<hbm>> -> memref<128x128xf32, #tpu.memory_space<hbm>>
    %dma_wait3A_64 = arith.constant 0 : i32
    %dma_wait3A_65 = tpu.memref_slice %arg4[%add3A_61, %dma_wait3A_64] : memref<106496x128xf32, #tpu.memory_space<hbm>> -> memref<128x128xf32, #tpu.memory_space<hbm>>
    tpu.wait_dma2 semaphore(%arg20 : memref<!tpu.dma_semaphore, #tpu.memory_space<semaphore_mem>>) src(%arg8 : memref<128x128xf32, #tpu.memory_space<vmem>>) dst(%dma_wait3A_65 : memref<128x128xf32, #tpu.memory_space<hbm>>)
    %add3A_66 = arith.constant 94208 : i32
    %add3A_67 = arith.addi %add3A_66, %mul3A_2 : i32
    %dma_wait3A_68 = arith.constant 0 : i32
    %dma_wait3A_69 = tpu.memref_slice %arg4[%add3A_67, %dma_wait3A_68] : memref<106496x128xf32, #tpu.memory_space<hbm>> -> memref<128x128xf32, #tpu.memory_space<hbm>>
    %dma_wait3A_70 = arith.constant 0 : i32
    %dma_wait3A_71 = tpu.memref_slice %arg4[%add3A_67, %dma_wait3A_70] : memref<106496x128xf32, #tpu.memory_space<hbm>> -> memref<128x128xf32, #tpu.memory_space<hbm>>
    tpu.wait_dma2 semaphore(%arg21 : memref<!tpu.dma_semaphore, #tpu.memory_space<semaphore_mem>>) src(%arg9 : memref<128x128xf32, #tpu.memory_space<vmem>>) dst(%dma_wait3A_71 : memref<128x128xf32, #tpu.memory_space<hbm>>)
    %add3A_72 = arith.constant 98304 : i32
    %add3A_73 = arith.addi %add3A_72, %mul3A_2 : i32
    %dma_wait3A_74 = arith.constant 0 : i32
    %dma_wait3A_75 = tpu.memref_slice %arg4[%add3A_73, %dma_wait3A_74] : memref<106496x128xf32, #tpu.memory_space<hbm>> -> memref<128x128xf32, #tpu.memory_space<hbm>>
    %dma_wait3A_76 = arith.constant 0 : i32
    %dma_wait3A_77 = tpu.memref_slice %arg4[%add3A_73, %dma_wait3A_76] : memref<106496x128xf32, #tpu.memory_space<hbm>> -> memref<128x128xf32, #tpu.memory_space<hbm>>
    tpu.wait_dma2 semaphore(%arg22 : memref<!tpu.dma_semaphore, #tpu.memory_space<semaphore_mem>>) src(%arg10 : memref<128x128xf32, #tpu.memory_space<vmem>>) dst(%dma_wait3A_77 : memref<128x128xf32, #tpu.memory_space<hbm>>)
    %add3A_78 = arith.constant 102400 : i32
    %add3A_79 = arith.addi %add3A_78, %mul3A_2 : i32
    %dma_wait3A_80 = arith.constant 0 : i32
    %dma_wait3A_81 = tpu.memref_slice %arg4[%add3A_79, %dma_wait3A_80] : memref<106496x128xf32, #tpu.memory_space<hbm>> -> memref<128x128xf32, #tpu.memory_space<hbm>>
    %dma_wait3A_82 = arith.constant 0 : i32
    %dma_wait3A_83 = tpu.memref_slice %arg4[%add3A_79, %dma_wait3A_82] : memref<106496x128xf32, #tpu.memory_space<hbm>> -> memref<128x128xf32, #tpu.memory_space<hbm>>
    tpu.wait_dma2 semaphore(%arg23 : memref<!tpu.dma_semaphore, #tpu.memory_space<semaphore_mem>>) src(%arg11 : memref<128x128xf32, #tpu.memory_space<vmem>>) dst(%dma_wait3A_83 : memref<128x128xf32, #tpu.memory_space<hbm>>)
    return
  }
}

</mosaic_0001>

<sc_bundles>
// kernel: kernel.3.cloned.1.call-start
scs
__scs_entry_jumppad:
0x0: {  	(pc) =	sbr.rel $0x88, $3  }
0x1: {  	(tag) =	ssettag $0x0;
	lr =	simm.s32 $0x1  }
0x2: {  	[smem:$0x3F9F] =	sst lr;
	_ =	strace $0xD0000000  }
0x3: {  	_ = 	snop  }
0x4: {  	_ = 	snop  }
0x5: {  	_ = 	snop  }
0x6: {  	_ = 	snop  }
0x7: {  	_ = 	snop  }
__scs_overlays_trampoline_lowered:
0x8: {  	[smem:$0x3FAE] =	sst s0  }
0x9: {  	[smem:$0x3FAF] =	sst s1  }
0xa: {  	[smem:$0x3FB0] =	sst s2  }
0xb: {  	[smem:$0x3FB1] =	sst s3  }
0xc: {  	[smem:$0x3FB2] =	sst s4  }
0xd: {  	[smem:$0x3FB3] =	sst s5  }
0xe: {  	[smem:$0x3FB4] =	sst s6  }
0xf: {  	[smem:$0x3FB5] =	sst s7  }
0x10: {  	[smem:$0x3FB6] =	sst s8  }
0x11: {  	[smem:$0x3FB7] =	sst s9;
	s0 =	simm.s32 @!p0 $0x0  }
0x12: {  	s1 =	sld [smem:$0x3F9D];
	s0 =	simm.s32 @p0 $0x1  }
0x13: {  	[smem:$0x3FB8] =	sst s0;
	s0 =	simm.s32 @!p1 $0x0  }
0x14: {  	s2 =	sld [smem:$0x3F9C];
	s0 =	simm.s32 @p1 $0x1  }
0x15: {  	[smem:$0x3FB9] =	sst s0;
	s0 =	simm.s32 @!p2 $0x0  }
0x16: {  	s3 =	sld [smem:$0x3FDB];
	s0 =	simm.s32 @p2 $0x1  }
0x17: {  	s4 =	simm.s32 $0x1BF5;
	[smem:$0x3FBB] =	sst s0  }
0x18: {  	s0 =	sld [smem:$0x3F9E];
	_ =	swait.ge [sflag:s4], $0x0  }
0x19: {  	s7 =	sld [smem:$0x3F9F]  }
0x1a: {  	s8 =	sadd.s32 $0xFFFFE003, lr  }
0x1b: {  	s9 =	sadd.s32 $0xFFFFFEF7, lr;
	s5 =	simm.s32 $0xFFFFFFFF;
	p2 =	slt.u32 s8, $0xFFFFF086  }
0x1c: {  	p1 =	slt.u32 s9, $0xF7A;
	s5 =	simm.s32 @!p2 $0x0  }
0x1d: {  	s5 =	simm.s32 @p1 $0x1;
	p0 =	seq.s32 s7, s2  }
0x1e: {  	s7 =	smul.u32 @!p0 $0xF7A, s2;
	p2 =	seq.s32 @!p0 s5, $0x0  }
0x1f: {  	s9 =	smul.u32 $0xF7A, s1;
	s8 =	simm.s32 @!p0 $0x1BF5;
	p2 =	por !p2, p0  }
0x20: {  	[sflag:s8] =	ssyncset.s32 @!p0 $0xFFFFF086;
	s6 =	sadd.s32 @!p0 s3, s7;
	s7 =	simm.s32 @!p0 $0x108  }
0x21: {  	s3 =	sadd.s32 s3, s9;
	s6 =	sadd.s32 @!p0 $0x88, s6;
	s7 =	simm.s32 @p2 $0x1082  }
0x22: {  	[simem:s7], [sflag:s8] =	dma.local @!p0 [hbm:s6], $0xF7A  }
0x23: {  	s9 =	sor.u32 $0xD0000000, s2;
	s6 =	simm.s32 $0x108;
	_ =	swait.ge @!p0 [sflag:s8], $0x0  }
0x24: {  	s3 =	sadd.s32 $0x88, s3;
	s6 =	simm.s32 @!p1 $0x1082;
	[sflag:s4] =	ssyncset.s32 $0xFFFFF086  }
0x25: {  	[simem:s6], [sflag:s4] =	dma.local [hbm:s3], $0xF7A  }
0x26: {  	[smem:$0x3F9F] =	sst s1;
	(tag) =	ssettag s2;
	_ =	strace s9  }
0x27: {  	s1 =	sld [smem:$0x3FAF]  }
0x28: {  	s2 =	sld [smem:$0x3FB0]  }
0x29: {  	s4 =	sld [smem:$0x3FB2]  }
0x2a: {  	p0 =	seq.s32 s5, $0x0;
	s5 =	sld [smem:$0x3FB3]  }
0x2b: {  	s6 =	sld [smem:$0x3FB4]  }
0x2c: {  	s7 =	sld [smem:$0x3FB5]  }
0x2d: {  	s3 =	simm.s32 $0x108;
	s8 =	sld [smem:$0x3FB6]  }
0x2e: {  	s3 =	simm.s32 @!p0 $0x1082;
	s9 =	sld [smem:$0x3FB7]  }
0x2f: {  	lr =	sadd.s32 s0, s3;
	s0 =	sld [smem:$0x3FAE]  }
0x30: {  	s3 =	sld [smem:$0x3FB1]  }
0x31: {  	[smem:$0x3FBA] =	sst s10  }
0x32: {  	s10 =	sld [smem:$0x3FB8];
	_ =	sdelay $0x3  }
0x33: {  	p0 =	seq.s32 s10, $0x1;
	s10 =	sld [smem:$0x3FBA];
	_ =	sdelay $0x3  }
0x34: {  	[smem:$0x3FBA] =	sst s10  }
0x35: {  	s10 =	sld [smem:$0x3FB9];
	_ =	sdelay $0x3  }
0x36: {  	p1 =	seq.s32 s10, $0x1;
	s10 =	sld [smem:$0x3FBA];
	_ =	sdelay $0x3  }
0x37: {  	[smem:$0x3FBA] =	sst s10  }
0x38: {  	s10 =	sld [smem:$0x3FBB]  }
0x39: {  	_ = 	snop;
	(pc) =	sbr.ind lr, $3  }
0x3a: {  	_ = 	snop  }
0x3b: {  	_ = 	snop  }
0x3c: {  	p2 =	seq.s32 s10, $0x1;
	s10 =	sld [smem:$0x3FBA]  }
0x3d: {  	_ =	shalt  }
0x3e: {  	_ =	shalt  }
0x3f: {  	_ =	shalt  }
0x40: {  	_ =	shalt  }
0x41: {  	_ =	shalt  }
0x42: {  	_ =	shalt  }
0x43: {  	_ =	shalt  }
0x44: {  	_ =	shalt  }
0x45: {  	_ =	shalt  }
0x46: {  	_ =	shalt  }
0x47: {  	_ =	shalt  }
0x48: {  	_ =	shalt  }
0x49: {  	_ =	shalt  }
0x4a: {  	_ =	shalt  }
0x4b: {  	_ =	shalt  }
0x4c: {  	_ =	shalt  }
0x4d: {  	_ =	shalt  }
0x4e: {  	_ =	shalt  }
0x4f: {  	_ =	shalt  }
0x50: {  	_ =	shalt  }
0x51: {  	_ =	shalt  }
0x52: {  	_ =	shalt  }
0x53: {  	_ =	shalt  }
0x54: {  	_ =	shalt  }
0x55: {  	_ =	shalt  }
0x56: {  	_ =	shalt  }
0x57: {  	_ =	shalt  }
0x58: {  	_ =	shalt  }
0x59: {  	_ =	shalt  }
0x5a: {  	_ =	shalt  }
0x5b: {  	_ =	shalt  }
0x5c: {  	_ =	shalt  }
0x5d: {  	_ =	shalt  }
0x5e: {  	_ =	shalt  }
0x5f: {  	_ =	shalt  }
0x60: {  	_ =	shalt  }
0x61: {  	_ =	shalt  }
0x62: {  	_ =	shalt  }
0x63: {  	_ =	shalt  }
0x64: {  	_ =	shalt  }
0x65: {  	_ =	shalt  }
0x66: {  	_ =	shalt  }
0x67: {  	_ =	shalt  }
0x68: {  	_ =	shalt  }
0x69: {  	_ =	shalt  }
0x6a: {  	_ =	shalt  }
0x6b: {  	_ =	shalt  }
0x6c: {  	_ =	shalt  }
0x6d: {  	_ =	shalt  }
0x6e: {  	_ =	shalt  }
0x6f: {  	_ =	shalt  }
0x70: {  	_ =	shalt  }
0x71: {  	_ =	shalt  }
0x72: {  	_ =	shalt  }
0x73: {  	_ =	shalt  }
0x74: {  	_ =	shalt  }
0x75: {  	_ =	shalt  }
0x76: {  	_ =	shalt  }
0x77: {  	_ =	shalt  }
0x78: {  	_ =	shalt  }
0x79: {  	_ =	shalt  }
0x7a: {  	_ =	shalt  }
0x7b: {  	_ =	shalt  }
0x7c: {  	_ =	shalt  }
0x7d: {  	_ =	shalt  }
0x7e: {  	_ =	shalt  }
0x7f: {  	_ =	shalt  }
0x80: {  	_ =	shalt  }
0x81: {  	_ =	shalt  }
0x82: {  	_ =	shalt  }
0x83: {  	_ =	shalt  }
0x84: {  	_ =	shalt  }
0x85: {  	_ =	shalt  }
0x86: {  	_ =	shalt  }
0x87: {  	_ =	shalt  }
.Lfunc_end0:
.L_simem_size_0:
called_computation_lowered:
.L_overlay_start_0:
0x88: {  	s2 =	sld [smem:$0x3FD9]  }
0x89: {  	s3 =	sld [smem:$0x3FFE];
	_ =	sdelay $0x1  }
0x8a: {  	s1 =	srdreg.scid  }
0x8b: {  	s0 =	sand.u32 $0x1, s1  }
0x8c: {  	s18 =	sshll.u32 s0, $0xA;
	s2 =	sadd.s32 s3, s2  }
0x8d: {  	s2 =	sadd.s32 s2, s18  }
0x8e: {  	[smem:$0x3FC6] =	sst s2  }
0x8f: {  	_ = 	snop  }
0x90: {  	s2 =	sld [smem:$0x3FC9]  }
0x91: {  	s19 =	sld [smem:$0x3FC8]  }
0x92: {  	s4 =	sld [smem:$0x3FD0];
	(tm) =	ssettm $0x1  }
0x93: {  	s5 =	sld [smem:$0x3FFB];
	_ =	sdelay $0x3  }
0x94: {  	_ =	strace s5  }
0x95: {  	s5 =	sld [smem:$0x3FFC];
	_ =	sdelay $0x3  }
0x96: {  	_ =	strace s5  }
0x97: {  	s5 =	sld [smem:$0x3FFD];
	_ =	sdelay $0x3  }
0x98: {  	_ =	strace s5  }
0x99: {  	_ =	strace $0x8FFFFFFF  }
0x9a: {  	s20 =	sld [smem:$0x3FDB];
	_ =	sdelay $0x1  }
0x9b: {  	s6 =	simm.s32 $_scs_section_size  }
0x9c: {  	s7 =	simm.s32 $_size__tile_overlayer_lowered;
	s8 =	simm.s32 $_tile_overlayer_lowered  }
0x9d: {  	s23 =	simm.s32 $0x1BFF;
	s22 =	sshll.u32 s8, $0x1;
	s5 =	sadd.s32 s6, s20  }
0x9e: {  	s9 =	simm.s32 $0x0;
	s21 =	sshll.u32 s7, $0x1;
	s7 =	sadd.s32 s22, s5  }
0x9f: {  	[timem:s9], [sflag:s23] =	dma.local [hbm:s7], s21  }
0xa0: {  	_ =	swait.ge [sflag:s23], s21  }
0xa1: {  	s6 =	ssub.s32 $0x0, s21;
	[sflag:s23] =	ssyncset.done $0x0  }
0xa2: {  	[sflag:s23] =	ssyncadd.s32 s6;
	_ =	sdelay $0x1  }
0xa3: {  	s24 =	simm.s32 $0x1B8B  }
0xa4: {  	_ =	swait.ge [sflag:s24], $0x1  }
0xa5: {  	[sflag:s24] =	ssyncset.done $0x0  }
0xa6: {  	s25 =	simm.s32 $0x1B8E;
	[sflag:s24] =	ssyncadd.s32 $0xFFFFFFFF  }
0xa7: {  	s26 =	simm.s32 $execute0_lowered;
	[smem:$0x3FD2] =	sst s25  }
0xa8: {  	s6 =	sshll.u32 s26, $0x1;
	_ =	strace $0x80000046;
	[dreg:$0x1] =	wrdreg $0xFFFFFFFF  }
0xa9: {  	s28 =	simm.s32 $_size_execute0_lowered;
	s5 =	sadd.s32 s5, s6;
	[dreg:$0x0] =	wrdreg $0x0  }
0xaa: {  	s6 =	sshll.u32 s28, $0x1;
	[dreg:$0x2] =	wrdreg s5  }
0xab: {  	[dreg:$0x3] =	wrdreg s6  }
0xac: {  	[dreg:$0x4] =	wrdreg $0xC0  }
0xad: {  	_ =	task [dreg:s9], $0x5FFFF  }
0xae: {  	[dreg:$0x1] =	wrdreg $0xFFFFFFFF  }
0xaf: {  	[dreg:$0x0] =	wrdreg $0x60  }
0xb0: {  	[dreg:$0x2] =	wrdreg s2  }
0xb1: {  	[dreg:$0x3] =	wrdreg s19  }
0xb2: {  	[dreg:$0x4] =	wrdreg s4  }
0xb3: {  	[dreg:$0x5] =	wrdreg $0x9  }
0xb4: {  	_ =	task.clear_ibuf [dreg:s9], $0x6FFFF;
	_ =	strace $0x90000046  }
0xb5: {  	s29 =	simm.s32 $0x9;
	_ =	strace $0x80000048  }
0xb6: {  	_ =	swait.ge [sflag:s29], $0x1  }
0xb7: {  	[sflag:s29] =	ssyncadd.s32 $0xFFFFFFFF  }
0xb8: {  	_ =	strace $0x90000048  }
0xb9: {  	_ =	sfence  }
0xba: {  	s30 =	sld [smem:$0x0];
	_ =	sdelay $0x2  }
0xbb: {  	s31 =	sshll.u32 s1, $0xD;
	s1 =	sshrl.u32 s1, $0x2  }
0xbc: {  	s3 =	sand.u32 $0x4000, s31;
	s1 =	sadd.s32 s1, s30  }
0xbd: {  	s0 =	sor.u32 s3, s0;
	s1 =	sshll.u32 s1, $0x11  }
0xbe: {  	s0 =	sor.u32 s1, s0  }
0xbf: {  	s0 =	sadd.s32 $0x8F2B, s0  }
0xc0: {  	[sflag:s0] =	ssyncadd.remote.s32 $0x1  }
0xc1: {  	_ =	sfence.sel $0xFFFF  }
0xc2: {  	[dreg:$0x0] =	wrdreg $0xFFFFFFFF;
	(pc) =	sbr.abs _section_cstart, $3  }
0xc3: {  	[dreg:$0x1] =	wrdreg $0xFFFFFFFF  }
0xc4: {  	_ =	task.clear_ibuf [dreg:s9], $0x2FFFF;
	_ =	strace $0x9FFFFFFF  }
0xc5: {  	(tm) =	ssettm $0x7FFFFFFF  }
tec
execute0_lowered:
.L_overlay_start_1:
0x0: {  	(tag) =	ssettag $0x1  }
0x1: {  	s0 =	rddreg [dreg:$0x0]  }
0x2: {  	s1 =	rddreg [dreg:$0x1]  }
0x3: {  	s3 =	rddreg [dreg:$0x2];
	s2 =	srdreg.scid  }
0x4: {  	s4 =	simm.s32 $0x0;
	s5 =	stileid.u32;
	s19 =	simm.s32 $0x80  }
0x5: {  	s20 =	simm.s32 $0x1000;
	s21 =	simm.s32 $0x5000;
	s23 =	simm.s32 $0x9000  }
0x6: {  	s28 =	simm.s32 $0x11000;
	s30 =	simm.s32 $0x15000;
	s31 =	simm.s32 $0x1  }
0x7: {  	s15 =	simm.s32 $0x8;
	s29 =	simm.s32 $0x4;
	s14 =	simm.s32 $0x6  }
0x8: {  	s2 =	sand.u32 $0x1, s2;
	s5 =	sshll.u32 s5, $0x8;
	[smem:$0x7FF] =	sst s4  }
0x9: {  	s9 =	sadd.s32 $0x10000, s3;
	s6 =	ssub.s32 $0x2, s2;
	s2 =	sshll.u32 s2, $0x7  }
0xa: {  	_ =	strace $0x80000047;
	s7 =	sshrl.u32 s6, $0x1;
	s5 =	sor.u32 s2, s5  }
0xb: {  	s25 =	ssub.s32 s6, s7;
	s0 =	sadd.s32 s0, s5;
	s8 =	sshll.u32 s5, $0x7  }
.Ltmp0:
0xc: {  	s7 =	simm.s32 $0x5;
	s6 =	simm.s32 $0x0;
	(pc) =	sbr.rel .LBB2_1-.Ltmp0, $4  }
0xd: {  	[dreg:$0x4] =	wrdreg s0;
	s0 =	sadd.s32 $0x3000, s0;
	s10 =	sor.u32 $0x100000, s8  }
0xe: {  	s11 =	sor.u32 $0x180000, s8;
	s12 =	sor.u32 $0x200000, s8;
	s13 =	sor.u32 $0x280000, s8  }
0xf: {  	s26 =	smax.u32 s25, $0x1;
	s25 =	simm.s32 $0xD000;
	[dreg:$0x5] =	wrdreg s0  }
0x10: {  	[dreg:$0x6] =	wrdreg s26;
	s0 =	simm.s32 $0x2;
	s26 =	simm.s32 $0x3  }
.LBB2_16:
0x11: {  	s2 =	simm.s32 $0x7  }
0x12: {  	_ =	swait.ge [sflag:s2], $0x4000  }
0x13: {  	[sflag:s2] =	ssyncset.done $0x0  }
0x14: {  	[sflag:s2] =	ssyncadd.s32 $0xFFFFC000  }
0x15: {  	_ =	swait.ge [sflag:s15], $0x4000  }
0x16: {  	[sflag:s15] =	ssyncset.done $0x0  }
0x17: {  	s17 =	simm.s32 $0x9;
	[sflag:s15] =	ssyncadd.s32 $0xFFFFC000  }
0x18: {  	_ =	swait.ge [sflag:s17], $0x4000  }
0x19: {  	[sflag:s17] =	ssyncset.done $0x0  }
0x1a: {  	s18 =	simm.s32 $0xA;
	[sflag:s17] =	ssyncadd.s32 $0xFFFFC000  }
0x1b: {  	_ =	swait.ge [sflag:s18], $0x4000  }
0x1c: {  	[sflag:s18] =	ssyncset.done $0x0  }
0x1d: {  	s22 =	simm.s32 $0xB;
	[sflag:s18] =	ssyncadd.s32 $0xFFFFC000  }
0x1e: {  	_ =	swait.ge [sflag:s22], $0x4000  }
0x1f: {  	[sflag:s22] =	ssyncset.done $0x0  }
0x20: {  	s16 =	simm.s32 $0xC;
	[sflag:s22] =	ssyncadd.s32 $0xFFFFC000  }
0x21: {  	_ =	swait.ge [sflag:s16], $0x4000  }
0x22: {  	s6 =	sadd.s32 $0x1, s6;
	s24 =	rddreg [dreg:$0x6]  }
0x23: {  	p0 =	sne.s32 s6, s24  }
.Ltmp1:
0x24: {  	_ = 	snop;
	(pc) =	sbr.rel @!p0 .LBB2_17-.Ltmp1, $3  }
0x25: {  	_ =	sdelay $0x1  }
0x26: {  	[sflag:s16] =	ssyncset.done $0x0  }
0x27: {  	[sflag:s16] =	ssyncadd.s32 $0xFFFFC000  }
.LBB2_1:
0x28: {  	s2 =	rddreg [dreg:$0x4];
	s16 =	simm.s32 $0x400;
	s17 =	simm.s32 $0x8000  }
0x29: {  	[tilespmem:s4], [sflag:$0xD] =	stream.strided.gather [hbm4b:s2+s16], $0xC00, s17, s16, $0x38;
	[tilespmem:$0x19000] =	vst v63  }
0x2a: {  	s22 =	rddreg [dreg:$0x5];
	s24 =	simm.s32 $0xC00;
	s16 =	simm.s32 $0xD  }
0x2b: {  	[tilespmem:s24], [sflag:$0xD] =	stream.linear.gather [hbm4b:s22+s4], $0x100, $0x38;
	[tilespmem:$0x19000] =	vst v63  }
0x2c: {  	_ =	swait.ge [sflag:s16], $0xD00  }
0x2d: {  	[sflag:s16] =	ssyncset.done $0x0  }
0x2e: {  	[sflag:s16] =	ssyncadd.s32 $0xFFFFF300  }
0x2f: {  	[tilespmem:s20], [sflag:$0x1] =	stream.indirect.gather [hbm4b:s1+s19], $0x80, s4, s19, $0xb8;
	[tilespmem:$0x19000] =	vst v63  }
0x30: {  	_ = 	snop  }
0x31: {  	[tilespmem:s21], [sflag:$0x2] =	stream.indirect.gather [hbm4b:s1+s19], $0x80, s19, s19, $0xb8;
	[tilespmem:$0x19000] =	vst v63  }
0x32: {  	s17 =	simm.s32 $0x100  }
0x33: {  	[tilespmem:s23], [sflag:$0x3] =	stream.indirect.gather [hbm4b:s1+s19], $0x80, s17, s19, $0xb8;
	[tilespmem:$0x19000] =	vst v63  }
0x34: {  	s18 =	simm.s32 $0x180  }
0x35: {  	[tilespmem:s25], [sflag:$0x4] =	stream.indirect.gather [hbm4b:s1+s19], $0x80, s18, s19, $0xb8;
	[tilespmem:$0x19000] =	vst v63  }
0x36: {  	s22 =	simm.s32 $0x200  }
0x37: {  	[tilespmem:s28], [sflag:$0x5] =	stream.indirect.gather [hbm4b:s1+s19], $0x80, s22, s19, $0xb8;
	[tilespmem:$0x19000] =	vst v63  }
0x38: {  	s24 =	simm.s32 $0x280;
	s18 =	simm.s32 $0x0  }
0x39: {  	[tilespmem:s30], [sflag:$0x6] =	stream.indirect.gather [hbm4b:s1+s19], $0x80, s24, s19, $0xb8;
	[tilespmem:$0x19000] =	vst v63  }
.LBB2_2:
0x3a: {  	_ =	swait.ge [sflag:s31], $0x4000  }
0x3b: {  	[sflag:s31] =	ssyncset.done $0x0  }
0x3c: {  	s2 =	simm.s32 $0x1100;
	[sflag:s31] =	ssyncadd.s32 $0xFFFFC000  }
0x3d: {  	v0 =	vld [tilespmem:s2+$0xFFFFFF10]  }
0x3e: {  	v1 =	vld [tilespmem:s2+$0xFFFFFF20]  }
0x3f: {  	v2 =	vld [tilespmem:s2+$0xFFFFFF30]  }
0x40: {  	v5 =	vld [tilespmem:s2+$0xFFFFFF60]  }
0x41: {  	v3 =	vld [tilespmem:s2+$0xFFFFFF40]  }
0x42: {  	v4 =	vld [tilespmem:s2+$0xFFFFFF50]  }
0x43: {  	v6 =	vld [tilespmem:s2+$0xFFFFFF70];
	v0 =	vmul.f32 $1.000000000e+01, v0  }
0x44: {  	v7 =	vld [tilespmem:s2+$0xF0];
	v1 =	vmul.f32 $1.000000000e+01, v1  }
0x45: {  	v8 =	vld [tilespmem:s2+$0x10];
	v5 =	vmul.f32 $1.000000000e+01, v5;
	[tilespmem:s2+$0xFFFFFF10] =	vst v0  }
0x46: {  	v9 =	vld [tilespmem:s2+$0x20];
	v2 =	vmul.f32 $1.000000000e+01, v2;
	[tilespmem:s2+$0xFFFFFF20] =	vst v1  }
0x47: {  	v3 =	vmul.f32 $1.000000000e+01, v3;
	[tilespmem:s2+$0xFFFFFF60] =	vst v5;
	v5 =	vld [tilespmem:s2+$0x0]  }
0x48: {  	v4 =	vmul.f32 $1.000000000e+01, v4;
	v0 =	vld [tilespmem:s2+$0xFFFFFF80];
	[tilespmem:s2+$0xFFFFFF30] =	vst v2  }
0x49: {  	v6 =	vmul.f32 $1.000000000e+01, v6;
	v1 =	vld [tilespmem:s2+$0xFFFFFF90];
	[tilespmem:s2+$0xFFFFFF40] =	vst v3  }
0x4a: {  	v8 =	vmul.f32 $1.000000000e+01, v8;
	v2 =	vld [tilespmem:s2+$0xFFFFFFA0];
	[tilespmem:s2+$0xFFFFFF50] =	vst v4  }
0x4b: {  	v10 =	vld [tilespmem:s2+$0x30];
	v4 =	vmul.f32 $1.000000000e+01, v7;
	[tilespmem:s2+$0xFFFFFF70] =	vst v6  }
0x4c: {  	v3 =	vld [tilespmem:s2+$0xFFFFFFB0];
	[tilespmem:s2+$0x10] =	vst v8;
	v5 =	vmul.f32 $1.000000000e+01, v5  }
0x4d: {  	v7 =	vld [tilespmem:s2+$0xFFFFFFC0];
	[tilespmem:s2+$0xF0] =	vst v4;
	v0 =	vmul.f32 $1.000000000e+01, v0  }
0x4e: {  	v4 =	vld [tilespmem:s2+$0xFFFFFFD0];
	v1 =	vmul.f32 $1.000000000e+01, v1;
	[tilespmem:s2+$0x0] =	vst v5  }
0x4f: {  	v11 =	vld [tilespmem:s2+$0x40];
	v2 =	vmul.f32 $1.000000000e+01, v2;
	[tilespmem:s2+$0xFFFFFF80] =	vst v0  }
0x50: {  	v12 =	vld [tilespmem:s2+$0x50];
	v0 =	vmul.f32 $1.000000000e+01, v9;
	[tilespmem:s2+$0xFFFFFF90] =	vst v1  }
0x51: {  	v6 =	vld [tilespmem:s2+$0x60];
	v1 =	vmul.f32 $1.000000000e+01, v3;
	[tilespmem:s2+$0xFFFFFFA0] =	vst v2  }
0x52: {  	v13 =	vld [tilespmem:s2+$0x70];
	v2 =	vmul.f32 $1.000000000e+01, v7;
	[tilespmem:s2+$0x20] =	vst v0  }
0x53: {  	v62 =	vld [tilespmem:s2+$0x80];
	v3 =	vmul.f32 $1.000000000e+01, v4;
	[tilespmem:s2+$0xFFFFFFB0] =	vst v1  }
0x54: {  	v8 =	vld [tilespmem:s2+$0xFFFFFFF0];
	v0 =	vmul.f32 $1.000000000e+01, v10;
	[tilespmem:s2+$0xFFFFFFC0] =	vst v2  }
0x55: {  	v5 =	vld [tilespmem:s2+$0xFFFFFFE0];
	v1 =	vmul.f32 $1.000000000e+01, v12;
	[tilespmem:s2+$0xFFFFFFD0] =	vst v3  }
0x56: {  	v2 =	vmul.f32 $1.000000000e+01, v6;
	[tilespmem:s2+$0x30] =	vst v0  }
0x57: {  	v63 =	vld [tilespmem:s2+$0x90];
	v0 =	vmul.f32 $1.000000000e+01, v11;
	[tilespmem:s2+$0x50] =	vst v1  }
0x58: {  	v7 =	vld [tilespmem:s2+$0xA0];
	v3 =	vmul.f32 $1.000000000e+01, v13;
	[tilespmem:s2+$0x60] =	vst v2  }
0x59: {  	v6 =	vmul.f32 $1.000000000e+01, v62;
	[tilespmem:s2+$0x40] =	vst v0;
	v0 =	vld [tilespmem:s2+$0xB0]  }
0x5a: {  	v1 =	vld [tilespmem:s2+$0xC0];
	[tilespmem:s2+$0x70] =	vst v3;
	v4 =	vmul.f32 $1.000000000e+01, v5;
	v5 =	vmul.f32 $1.000000000e+01, v8  }
0x5b: {  	v2 =	vld [tilespmem:s2+$0xD0];
	[tilespmem:s2+$0x80] =	vst v6  }
0x5c: {  	v3 =	vld [tilespmem:s2+$0xE0];
	[tilespmem:s2+$0xFFFFFFF0] =	vst v5;
	v5 =	vmul.f32 $1.000000000e+01, v63  }
0x5d: {  	s16 =	simm.s32 $0x0;
	s17 =	simm.s32 $0x1300;
	v6 =	vmul.f32 $1.000000000e+01, v7;
	[tilespmem:s2+$0xFFFFFFE0] =	vst v4;
	v4 =	vld [tilespmem:s2+$0xFFFFFF00]  }
.LBB2_3:
0x5e: {  	v7 =	vld [tilespmem:s17+$0xF0];
	s16 =	sadd.s32 $0x4, s16;
	[tilespmem:s2+$0x90] =	vst v5;
	v0 =	vmul.f32 $1.000000000e+01, v0  }
0x5f: {  	v5 =	vld [tilespmem:s17+$0xFFFFFF10];
	p0 =	slt.u32 s16, $0x7C;
	[tilespmem:s2+$0xA0] =	vst v6;
	v1 =	vmul.f32 $1.000000000e+01, v1  }
0x60: {  	v6 =	vld [tilespmem:s17+$0xFFFFFF20];
	[tilespmem:s2+$0xB0] =	vst v0;
	v0 =	vmul.f32 $1.000000000e+01, v2  }
0x61: {  	v2 =	vld [tilespmem:s17+$0xFFFFFF30];
	[tilespmem:s2+$0xC0] =	vst v1;
	v1 =	vmul.f32 $1.000000000e+01, v3  }
0x62: {  	v3 =	vld [tilespmem:s17+$0xFFFFFF40];
	v4 =	vmul.f32 $1.000000000e+01, v4;
	[tilespmem:s2+$0xD0] =	vst v0  }
0x63: {  	v0 =	vld [tilespmem:s17+$0xFFFFFF50];
	v7 =	vmul.f32 $1.000000000e+01, v7;
	[tilespmem:s2+$0xE0] =	vst v1  }
0x64: {  	v1 =	vmul.f32 $1.000000000e+01, v5;
	v5 =	vld [tilespmem:s17+$0xFFFFFF60];
	[tilespmem:s2+$0xFFFFFF00] =	vst v4;
	s2 =	smov.u32 s17  }
0x65: {  	v4 =	vmul.f32 $1.000000000e+01, v6;
	v6 =	vld [tilespmem:s17+$0xFFFFFF70];
	[tilespmem:s17+$0xF0] =	vst v7  }
0x66: {  	[tilespmem:s17+$0xFFFFFF10] =	vst v1;
	v1 =	vmul.f32 $1.000000000e+01, v2;
	v2 =	vld [tilespmem:s17+$0xFFFFFF80]  }
0x67: {  	[tilespmem:s17+$0xFFFFFF20] =	vst v4;
	v3 =	vmul.f32 $1.000000000e+01, v3;
	v4 =	vld [tilespmem:s17+$0xFFFFFF90]  }
0x68: {  	[tilespmem:s17+$0xFFFFFF30] =	vst v1;
	v0 =	vmul.f32 $1.000000000e+01, v0;
	v1 =	vld [tilespmem:s17+$0xFFFFFFA0]  }
0x69: {  	[tilespmem:s17+$0xFFFFFF40] =	vst v3;
	v3 =	vmul.f32 $1.000000000e+01, v5;
	v5 =	vld [tilespmem:s17+$0xFFFFFFB0]  }
0x6a: {  	[tilespmem:s17+$0xFFFFFF50] =	vst v0;
	v0 =	vmul.f32 $1.000000000e+01, v6;
	v6 =	vld [tilespmem:s17+$0xFFFFFFC0]  }
0x6b: {  	[tilespmem:s17+$0xFFFFFF60] =	vst v3;
	v2 =	vmul.f32 $1.000000000e+01, v2;
	v3 =	vld [tilespmem:s17+$0xFFFFFFD0]  }
0x6c: {  	[tilespmem:s17+$0xFFFFFF70] =	vst v0;
	v0 =	vmul.f32 $1.000000000e+01, v4;
	v4 =	vld [tilespmem:s17+$0xFFFFFFE0]  }
0x6d: {  	[tilespmem:s17+$0xFFFFFF80] =	vst v2;
	v1 =	vmul.f32 $1.000000000e+01, v1;
	v2 =	vld [tilespmem:s17+$0xFFFFFFF0]  }
0x6e: {  	[tilespmem:s17+$0xFFFFFF90] =	vst v0;
	v0 =	vmul.f32 $1.000000000e+01, v5;
	v5 =	vld [tilespmem:s17+$0x0]  }
0x6f: {  	[tilespmem:s17+$0xFFFFFFA0] =	vst v1;
	v1 =	vmul.f32 $1.000000000e+01, v6;
	v6 =	vld [tilespmem:s17+$0x10]  }
0x70: {  	[tilespmem:s17+$0xFFFFFFB0] =	vst v0;
	v0 =	vmul.f32 $1.000000000e+01, v3;
	v3 =	vld [tilespmem:s17+$0x20]  }
0x71: {  	[tilespmem:s17+$0xFFFFFFC0] =	vst v1;
	v1 =	vmul.f32 $1.000000000e+01, v4;
	v4 =	vld [tilespmem:s17+$0x30]  }
0x72: {  	[tilespmem:s17+$0xFFFFFFD0] =	vst v0;
	v0 =	vmul.f32 $1.000000000e+01, v2;
	v2 =	vld [tilespmem:s17+$0x40]  }
0x73: {  	[tilespmem:s17+$0xFFFFFFE0] =	vst v1;
	v1 =	vmul.f32 $1.000000000e+01, v5;
	v5 =	vld [tilespmem:s17+$0x50]  }
0x74: {  	[tilespmem:s17+$0xFFFFFFF0] =	vst v0;
	v0 =	vmul.f32 $1.000000000e+01, v6;
	v6 =	vld [tilespmem:s17+$0x60]  }
0x75: {  	[tilespmem:s17+$0x0] =	vst v1;
	v1 =	vmul.f32 $1.000000000e+01, v3;
	v3 =	vld [tilespmem:s17+$0x70]  }
0x76: {  	[tilespmem:s17+$0x10] =	vst v0;
	v0 =	vmul.f32 $1.000000000e+01, v4;
	v4 =	vld [tilespmem:s17+$0x80]  }
0x77: {  	[tilespmem:s17+$0x20] =	vst v1;
	v1 =	vmul.f32 $1.000000000e+01, v2;
	v7 =	vld [tilespmem:s17+$0x90]  }
0x78: {  	[tilespmem:s17+$0x30] =	vst v0;
	v2 =	vmul.f32 $1.000000000e+01, v5;
	v8 =	vld [tilespmem:s17+$0xA0]  }
.Ltmp2:
0x79: {  	[tilespmem:s17+$0x40] =	vst v1;
	v5 =	vmul.f32 $1.000000000e+01, v6;
	v0 =	vld [tilespmem:s17+$0xB0];
	(pc) =	sbr.rel @p0 .LBB2_3-.Ltmp2, $4  }
0x7a: {  	[tilespmem:s17+$0x50] =	vst v2;
	v3 =	vmul.f32 $1.000000000e+01, v3;
	v1 =	vld [tilespmem:s17+$0xC0]  }
0x7b: {  	[tilespmem:s17+$0x60] =	vst v5;
	v6 =	vmul.f32 $1.000000000e+01, v4;
	v2 =	vld [tilespmem:s17+$0xD0]  }
0x7c: {  	[tilespmem:s17+$0x70] =	vst v3;
	v5 =	vmul.f32 $1.000000000e+01, v7;
	v3 =	vld [tilespmem:s17+$0xE0]  }
0x7d: {  	s17 =	sadd.s32 $0x200, s17;
	v4 =	vld [tilespmem:s2+$0xFFFFFF00];
	[tilespmem:s2+$0x80] =	vst v6;
	v6 =	vmul.f32 $1.000000000e+01, v8  }
0x7e: {  	[tilespmem:s2+$0x90] =	vst v5;
	v0 =	vmul.f32 $1.000000000e+01, v0  }
0x7f: {  	[tilespmem:s2+$0xA0] =	vst v6;
	v1 =	vmul.f32 $1.000000000e+01, v1  }
0x80: {  	s16 =	smul.u32 $0x6000, s18;
	[tilespmem:s2+$0xB0] =	vst v0;
	v0 =	vmul.f32 $1.000000000e+01, v2  }
0x81: {  	[tilespmem:s2+$0xC0] =	vst v1;
	v1 =	vmul.f32 $1.000000000e+01, v3  }
0x82: {  	s16 =	sor.u32 s5, s16;
	v2 =	vmul.f32 $1.000000000e+01, v4;
	[tilespmem:s2+$0xD0] =	vst v0  }
0x83: {  	p0 =	seq.s32 s18, $0x4;
	s16 =	sshll.u32 s16, $0x4;
	[tilespmem:s2+$0xE0] =	vst v1  }
0x84: {  	s24 =	sadd.s32 s3, s16;
	[tilespmem:s2+$0xFFFFFF00] =	vst v2;
	s2 =	simm.s32 @!p0 $0x7  }
0x85: {  	[hbm4b:s24+s4] =	stream.linear.scatter [tilespmem:s20], [sflag:$0x7], $0x4000, $0x38;
	[tilespmem:$0x19000] =	vst v63  }
0x86: {  	s16 =	smul.u32 @!p0 $0xC00, s18;
	_ =	swait.ge @!p0 [sflag:s2], $0x4000  }
0x87: {  	[sflag:s2] =	ssyncset.done @!p0 $0x0  }
0x88: {  	[sflag:s2] =	ssyncadd.s32 @!p0 $0xFFFFC000;
	s2 =	sshra.s32 @!p0 s16, $0x2  }
0x89: {  	s17 =	simm.s32 @!p0 $0x1000;
	s16 =	simm.s32 @!p0 $0x80;
	s2 =	sadd.s32 @!p0 $0x300, s2  }
0x8a: {  	[tilespmem:s17], [sflag:$0x1] =	stream.indirect.gather @!p0 [hbm4b:s1+s16], $0x80, s2, s16, $0xb8;
	[tilespmem:$0x19000] =	vst v63  }
0x8b: {  	_ =	swait.ge [sflag:s0], $0x4000  }
0x8c: {  	[sflag:s0] =	ssyncset.done $0x0  }
0x8d: {  	s16 =	simm.s32 $0x5100;
	[sflag:s0] =	ssyncadd.s32 $0xFFFFC000  }
0x8e: {  	v0 =	vld [tilespmem:s16+$0xFFFFFF10]  }
0x8f: {  	v1 =	vld [tilespmem:s16+$0xFFFFFF20]  }
0x90: {  	v2 =	vld [tilespmem:s16+$0xFFFFFF30]  }
0x91: {  	v5 =	vld [tilespmem:s16+$0xFFFFFF60]  }
0x92: {  	v3 =	vld [tilespmem:s16+$0xFFFFFF40]  }
0x93: {  	v4 =	vld [tilespmem:s16+$0xFFFFFF50]  }
0x94: {  	v6 =	vld [tilespmem:s16+$0xFFFFFF70];
	v0 =	vmul.f32 $1.000000000e+01, v0  }
0x95: {  	v7 =	vld [tilespmem:s16+$0xF0];
	v1 =	vmul.f32 $1.000000000e+01, v1  }
0x96: {  	v8 =	vld [tilespmem:s16+$0x10];
	v5 =	vmul.f32 $1.000000000e+01, v5;
	[tilespmem:s16+$0xFFFFFF10] =	vst v0  }
0x97: {  	v9 =	vld [tilespmem:s16+$0x20];
	v2 =	vmul.f32 $1.000000000e+01, v2;
	[tilespmem:s16+$0xFFFFFF20] =	vst v1  }
0x98: {  	v3 =	vmul.f32 $1.000000000e+01, v3;
	[tilespmem:s16+$0xFFFFFF60] =	vst v5;
	v5 =	vld [tilespmem:s16+$0x0]  }
0x99: {  	v4 =	vmul.f32 $1.000000000e+01, v4;
	v0 =	vld [tilespmem:s16+$0xFFFFFF80];
	[tilespmem:s16+$0xFFFFFF30] =	vst v2  }
0x9a: {  	v6 =	vmul.f32 $1.000000000e+01, v6;
	v1 =	vld [tilespmem:s16+$0xFFFFFF90];
	[tilespmem:s16+$0xFFFFFF40] =	vst v3  }
0x9b: {  	v8 =	vmul.f32 $1.000000000e+01, v8;
	v2 =	vld [tilespmem:s16+$0xFFFFFFA0];
	[tilespmem:s16+$0xFFFFFF50] =	vst v4  }
0x9c: {  	v10 =	vld [tilespmem:s16+$0x30];
	v4 =	vmul.f32 $1.000000000e+01, v7;
	[tilespmem:s16+$0xFFFFFF70] =	vst v6  }
0x9d: {  	v3 =	vld [tilespmem:s16+$0xFFFFFFB0];
	[tilespmem:s16+$0x10] =	vst v8;
	v5 =	vmul.f32 $1.000000000e+01, v5  }
0x9e: {  	v7 =	vld [tilespmem:s16+$0xFFFFFFC0];
	[tilespmem:s16+$0xF0] =	vst v4;
	v0 =	vmul.f32 $1.000000000e+01, v0  }
0x9f: {  	v4 =	vld [tilespmem:s16+$0xFFFFFFD0];
	v1 =	vmul.f32 $1.000000000e+01, v1;
	[tilespmem:s16+$0x0] =	vst v5  }
0xa0: {  	v11 =	vld [tilespmem:s16+$0x40];
	v2 =	vmul.f32 $1.000000000e+01, v2;
	[tilespmem:s16+$0xFFFFFF80] =	vst v0  }
0xa1: {  	v12 =	vld [tilespmem:s16+$0x50];
	v0 =	vmul.f32 $1.000000000e+01, v9;
	[tilespmem:s16+$0xFFFFFF90] =	vst v1  }
0xa2: {  	v6 =	vld [tilespmem:s16+$0x60];
	v1 =	vmul.f32 $1.000000000e+01, v3;
	[tilespmem:s16+$0xFFFFFFA0] =	vst v2  }
0xa3: {  	v13 =	vld [tilespmem:s16+$0x70];
	v2 =	vmul.f32 $1.000000000e+01, v7;
	[tilespmem:s16+$0x20] =	vst v0  }
0xa4: {  	v62 =	vld [tilespmem:s16+$0x80];
	v3 =	vmul.f32 $1.000000000e+01, v4;
	[tilespmem:s16+$0xFFFFFFB0] =	vst v1  }
0xa5: {  	v8 =	vld [tilespmem:s16+$0xFFFFFFF0];
	v0 =	vmul.f32 $1.000000000e+01, v10;
	[tilespmem:s16+$0xFFFFFFC0] =	vst v2  }
0xa6: {  	v5 =	vld [tilespmem:s16+$0xFFFFFFE0];
	v1 =	vmul.f32 $1.000000000e+01, v12;
	[tilespmem:s16+$0xFFFFFFD0] =	vst v3  }
0xa7: {  	v2 =	vmul.f32 $1.000000000e+01, v6;
	[tilespmem:s16+$0x30] =	vst v0  }
0xa8: {  	v63 =	vld [tilespmem:s16+$0x90];
	v0 =	vmul.f32 $1.000000000e+01, v11;
	[tilespmem:s16+$0x50] =	vst v1  }
0xa9: {  	v7 =	vld [tilespmem:s16+$0xA0];
	v3 =	vmul.f32 $1.000000000e+01, v13;
	[tilespmem:s16+$0x60] =	vst v2  }
0xaa: {  	v6 =	vmul.f32 $1.000000000e+01, v62;
	[tilespmem:s16+$0x40] =	vst v0;
	v0 =	vld [tilespmem:s16+$0xB0]  }
0xab: {  	v1 =	vld [tilespmem:s16+$0xC0];
	[tilespmem:s16+$0x70] =	vst v3;
	v4 =	vmul.f32 $1.000000000e+01, v5;
	v5 =	vmul.f32 $1.000000000e+01, v8  }
0xac: {  	v2 =	vld [tilespmem:s16+$0xD0];
	[tilespmem:s16+$0x80] =	vst v6  }
0xad: {  	v3 =	vld [tilespmem:s16+$0xE0];
	[tilespmem:s16+$0xFFFFFFF0] =	vst v5;
	v5 =	vmul.f32 $1.000000000e+01, v63  }
0xae: {  	s2 =	simm.s32 $0x0;
	s17 =	simm.s32 $0x5300;
	v6 =	vmul.f32 $1.000000000e+01, v7;
	[tilespmem:s16+$0xFFFFFFE0] =	vst v4;
	v4 =	vld [tilespmem:s16+$0xFFFFFF00]  }
.LBB2_5:
0xaf: {  	v7 =	vld [tilespmem:s17+$0xF0];
	s2 =	sadd.s32 $0x4, s2;
	[tilespmem:s16+$0x90] =	vst v5;
	v0 =	vmul.f32 $1.000000000e+01, v0  }
0xb0: {  	v5 =	vld [tilespmem:s17+$0xFFFFFF10];
	p1 =	slt.u32 s2, $0x7C;
	[tilespmem:s16+$0xA0] =	vst v6;
	v1 =	vmul.f32 $1.000000000e+01, v1  }
0xb1: {  	v6 =	vld [tilespmem:s17+$0xFFFFFF20];
	[tilespmem:s16+$0xB0] =	vst v0;
	v0 =	vmul.f32 $1.000000000e+01, v2  }
0xb2: {  	v2 =	vld [tilespmem:s17+$0xFFFFFF30];
	[tilespmem:s16+$0xC0] =	vst v1;
	v1 =	vmul.f32 $1.000000000e+01, v3  }
0xb3: {  	v3 =	vld [tilespmem:s17+$0xFFFFFF40];
	v4 =	vmul.f32 $1.000000000e+01, v4;
	[tilespmem:s16+$0xD0] =	vst v0  }
0xb4: {  	v0 =	vld [tilespmem:s17+$0xFFFFFF50];
	v7 =	vmul.f32 $1.000000000e+01, v7;
	[tilespmem:s16+$0xE0] =	vst v1  }
0xb5: {  	v1 =	vmul.f32 $1.000000000e+01, v5;
	v5 =	vld [tilespmem:s17+$0xFFFFFF60];
	[tilespmem:s16+$0xFFFFFF00] =	vst v4;
	s16 =	smov.u32 s17  }
0xb6: {  	v4 =	vmul.f32 $1.000000000e+01, v6;
	v6 =	vld [tilespmem:s17+$0xFFFFFF70];
	[tilespmem:s17+$0xF0] =	vst v7  }
0xb7: {  	[tilespmem:s17+$0xFFFFFF10] =	vst v1;
	v1 =	vmul.f32 $1.000000000e+01, v2;
	v2 =	vld [tilespmem:s17+$0xFFFFFF80]  }
0xb8: {  	[tilespmem:s17+$0xFFFFFF20] =	vst v4;
	v3 =	vmul.f32 $1.000000000e+01, v3;
	v4 =	vld [tilespmem:s17+$0xFFFFFF90]  }
0xb9: {  	[tilespmem:s17+$0xFFFFFF30] =	vst v1;
	v0 =	vmul.f32 $1.000000000e+01, v0;
	v1 =	vld [tilespmem:s17+$0xFFFFFFA0]  }
0xba: {  	[tilespmem:s17+$0xFFFFFF40] =	vst v3;
	v3 =	vmul.f32 $1.000000000e+01, v5;
	v5 =	vld [tilespmem:s17+$0xFFFFFFB0]  }
0xbb: {  	[tilespmem:s17+$0xFFFFFF50] =	vst v0;
	v0 =	vmul.f32 $1.000000000e+01, v6;
	v6 =	vld [tilespmem:s17+$0xFFFFFFC0]  }
0xbc: {  	[tilespmem:s17+$0xFFFFFF60] =	vst v3;
	v2 =	vmul.f32 $1.000000000e+01, v2;
	v3 =	vld [tilespmem:s17+$0xFFFFFFD0]  }
0xbd: {  	[tilespmem:s17+$0xFFFFFF70] =	vst v0;
	v0 =	vmul.f32 $1.000000000e+01, v4;
	v4 =	vld [tilespmem:s17+$0xFFFFFFE0]  }
0xbe: {  	[tilespmem:s17+$0xFFFFFF80] =	vst v2;
	v1 =	vmul.f32 $1.000000000e+01, v1;
	v2 =	vld [tilespmem:s17+$0xFFFFFFF0]  }
0xbf: {  	[tilespmem:s17+$0xFFFFFF90] =	vst v0;
	v0 =	vmul.f32 $1.000000000e+01, v5;
	v5 =	vld [tilespmem:s17+$0x0]  }
0xc0: {  	[tilespmem:s17+$0xFFFFFFA0] =	vst v1;
	v1 =	vmul.f32 $1.000000000e+01, v6;
	v6 =	vld [tilespmem:s17+$0x10]  }
0xc1: {  	[tilespmem:s17+$0xFFFFFFB0] =	vst v0;
	v0 =	vmul.f32 $1.000000000e+01, v3;
	v3 =	vld [tilespmem:s17+$0x20]  }
0xc2: {  	[tilespmem:s17+$0xFFFFFFC0] =	vst v1;
	v1 =	vmul.f32 $1.000000000e+01, v4;
	v4 =	vld [tilespmem:s17+$0x30]  }
0xc3: {  	[tilespmem:s17+$0xFFFFFFD0] =	vst v0;
	v0 =	vmul.f32 $1.000000000e+01, v2;
	v2 =	vld [tilespmem:s17+$0x40]  }
0xc4: {  	[tilespmem:s17+$0xFFFFFFE0] =	vst v1;
	v1 =	vmul.f32 $1.000000000e+01, v5;
	v5 =	vld [tilespmem:s17+$0x50]  }
0xc5: {  	[tilespmem:s17+$0xFFFFFFF0] =	vst v0;
	v0 =	vmul.f32 $1.000000000e+01, v6;
	v6 =	vld [tilespmem:s17+$0x60]  }
0xc6: {  	[tilespmem:s17+$0x0] =	vst v1;
	v1 =	vmul.f32 $1.000000000e+01, v3;
	v3 =	vld [tilespmem:s17+$0x70]  }
0xc7: {  	[tilespmem:s17+$0x10] =	vst v0;
	v0 =	vmul.f32 $1.000000000e+01, v4;
	v4 =	vld [tilespmem:s17+$0x80]  }
0xc8: {  	[tilespmem:s17+$0x20] =	vst v1;
	v1 =	vmul.f32 $1.000000000e+01, v2;
	v7 =	vld [tilespmem:s17+$0x90]  }
0xc9: {  	[tilespmem:s17+$0x30] =	vst v0;
	v2 =	vmul.f32 $1.000000000e+01, v5;
	v8 =	vld [tilespmem:s17+$0xA0]  }
.Ltmp3:
0xca: {  	[tilespmem:s17+$0x40] =	vst v1;
	v5 =	vmul.f32 $1.000000000e+01, v6;
	v0 =	vld [tilespmem:s17+$0xB0];
	(pc) =	sbr.rel @p1 .LBB2_5-.Ltmp3, $4  }
0xcb: {  	[tilespmem:s17+$0x50] =	vst v2;
	v3 =	vmul.f32 $1.000000000e+01, v3;
	v1 =	vld [tilespmem:s17+$0xC0]  }
0xcc: {  	[tilespmem:s17+$0x60] =	vst v5;
	v6 =	vmul.f32 $1.000000000e+01, v4;
	v2 =	vld [tilespmem:s17+$0xD0]  }
0xcd: {  	[tilespmem:s17+$0x70] =	vst v3;
	v5 =	vmul.f32 $1.000000000e+01, v7;
	v3 =	vld [tilespmem:s17+$0xE0]  }
0xce: {  	s17 =	sadd.s32 $0x200, s17;
	v4 =	vld [tilespmem:s16+$0xFFFFFF00];
	[tilespmem:s16+$0x80] =	vst v6;
	v6 =	vmul.f32 $1.000000000e+01, v8  }
0xcf: {  	[tilespmem:s16+$0x90] =	vst v5;
	v0 =	vmul.f32 $1.000000000e+01, v0  }
0xd0: {  	[tilespmem:s16+$0xA0] =	vst v6;
	v1 =	vmul.f32 $1.000000000e+01, v1  }
0xd1: {  	s2 =	smul.u32 $0x300000, s18;
	[tilespmem:s16+$0xB0] =	vst v0;
	v61 =	vmul.f32 $1.000000000e+01, v2  }
.Ltmp4:
0xd2: {  	[tilespmem:s16+$0xC0] =	vst v1;
	v62 =	vmul.f32 $1.000000000e+01, v3;
	(pc) =	sbr.rel @p0 .LBB2_16-.Ltmp4, $4  }
0xd3: {  	s17 =	sor.u32 s8, s2;
	v63 =	vmul.f32 $1.000000000e+01, v4;
	[tilespmem:s16+$0xD0] =	vst v61  }
0xd4: {  	s17 =	sshrl.u32 s17, $0x3;
	[tilespmem:s16+$0xE0] =	vst v62  }
0xd5: {  	s24 =	sadd.s32 s17, s9;
	[tilespmem:s16+$0xFFFFFF00] =	vst v63  }
0xd6: {  	[hbm4b:s24+s4] =	stream.linear.scatter [tilespmem:s21], [sflag:$0x8], $0x4000, $0x38;
	[tilespmem:$0x19000] =	vst v63  }
0xd7: {  	s16 =	smul.u32 $0xC00, s18  }
0xd8: {  	_ =	swait.ge [sflag:s15], $0x4000  }
0xd9: {  	[sflag:s15] =	ssyncset.done $0x0;
	s16 =	sshra.s32 s16, $0x2  }
0xda: {  	[sflag:s15] =	ssyncadd.s32 $0xFFFFC000;
	s17 =	sadd.s32 $0x380, s16  }
0xdb: {  	[tilespmem:s21], [sflag:$0x2] =	stream.indirect.gather [hbm4b:s1+s19], $0x80, s17, s19, $0xb8;
	[tilespmem:$0x19000] =	vst v63  }
0xdc: {  	_ =	swait.ge [sflag:s26], $0x4000  }
0xdd: {  	[sflag:s26] =	ssyncset.done $0x0  }
0xde: {  	s17 =	simm.s32 $0x9100;
	[sflag:s26] =	ssyncadd.s32 $0xFFFFC000  }
0xdf: {  	v0 =	vld [tilespmem:s17+$0xFFFFFF10]  }
0xe0: {  	v1 =	vld [tilespmem:s17+$0xFFFFFF20]  }
0xe1: {  	v2 =	vld [tilespmem:s17+$0xFFFFFF30]  }
0xe2: {  	v5 =	vld [tilespmem:s17+$0xFFFFFF60]  }
0xe3: {  	v3 =	vld [tilespmem:s17+$0xFFFFFF40]  }
0xe4: {  	v4 =	vld [tilespmem:s17+$0xFFFFFF50]  }
0xe5: {  	v6 =	vld [tilespmem:s17+$0xFFFFFF70];
	v0 =	vmul.f32 $1.000000000e+01, v0  }
0xe6: {  	v7 =	vld [tilespmem:s17+$0xF0];
	v1 =	vmul.f32 $1.000000000e+01, v1  }
0xe7: {  	v8 =	vld [tilespmem:s17+$0x10];
	v5 =	vmul.f32 $1.000000000e+01, v5;
	[tilespmem:s17+$0xFFFFFF10] =	vst v0  }
0xe8: {  	v9 =	vld [tilespmem:s17+$0x20];
	v2 =	vmul.f32 $1.000000000e+01, v2;
	[tilespmem:s17+$0xFFFFFF20] =	vst v1  }
0xe9: {  	v3 =	vmul.f32 $1.000000000e+01, v3;
	[tilespmem:s17+$0xFFFFFF60] =	vst v5;
	v5 =	vld [tilespmem:s17+$0x0]  }
0xea: {  	v4 =	vmul.f32 $1.000000000e+01, v4;
	v0 =	vld [tilespmem:s17+$0xFFFFFF80];
	[tilespmem:s17+$0xFFFFFF30] =	vst v2  }
0xeb: {  	v6 =	vmul.f32 $1.000000000e+01, v6;
	v1 =	vld [tilespmem:s17+$0xFFFFFF90];
	[tilespmem:s17+$0xFFFFFF40] =	vst v3  }
0xec: {  	v8 =	vmul.f32 $1.000000000e+01, v8;
	v2 =	vld [tilespmem:s17+$0xFFFFFFA0];
	[tilespmem:s17+$0xFFFFFF50] =	vst v4  }
0xed: {  	v10 =	vld [tilespmem:s17+$0x30];
	v4 =	vmul.f32 $1.000000000e+01, v7;
	[tilespmem:s17+$0xFFFFFF70] =	vst v6  }
0xee: {  	v3 =	vld [tilespmem:s17+$0xFFFFFFB0];
	[tilespmem:s17+$0x10] =	vst v8;
	v5 =	vmul.f32 $1.000000000e+01, v5  }
0xef: {  	v7 =	vld [tilespmem:s17+$0xFFFFFFC0];
	[tilespmem:s17+$0xF0] =	vst v4;
	v0 =	vmul.f32 $1.000000000e+01, v0  }
0xf0: {  	v4 =	vld [tilespmem:s17+$0xFFFFFFD0];
	v1 =	vmul.f32 $1.000000000e+01, v1;
	[tilespmem:s17+$0x0] =	vst v5  }
0xf1: {  	v11 =	vld [tilespmem:s17+$0x40];
	v2 =	vmul.f32 $1.000000000e+01, v2;
	[tilespmem:s17+$0xFFFFFF80] =	vst v0  }
0xf2: {  	v12 =	vld [tilespmem:s17+$0x50];
	v0 =	vmul.f32 $1.000000000e+01, v9;
	[tilespmem:s17+$0xFFFFFF90] =	vst v1  }
0xf3: {  	v6 =	vld [tilespmem:s17+$0x60];
	v1 =	vmul.f32 $1.000000000e+01, v3;
	[tilespmem:s17+$0xFFFFFFA0] =	vst v2  }
0xf4: {  	v13 =	vld [tilespmem:s17+$0x70];
	v2 =	vmul.f32 $1.000000000e+01, v7;
	[tilespmem:s17+$0x20] =	vst v0  }
0xf5: {  	v62 =	vld [tilespmem:s17+$0x80];
	v3 =	vmul.f32 $1.000000000e+01, v4;
	[tilespmem:s17+$0xFFFFFFB0] =	vst v1  }
0xf6: {  	v8 =	vld [tilespmem:s17+$0xFFFFFFF0];
	v0 =	vmul.f32 $1.000000000e+01, v10;
	[tilespmem:s17+$0xFFFFFFC0] =	vst v2  }
0xf7: {  	v5 =	vld [tilespmem:s17+$0xFFFFFFE0];
	v1 =	vmul.f32 $1.000000000e+01, v12;
	[tilespmem:s17+$0xFFFFFFD0] =	vst v3  }
0xf8: {  	v2 =	vmul.f32 $1.000000000e+01, v6;
	[tilespmem:s17+$0x30] =	vst v0  }
0xf9: {  	v63 =	vld [tilespmem:s17+$0x90];
	v0 =	vmul.f32 $1.000000000e+01, v11;
	[tilespmem:s17+$0x50] =	vst v1  }
0xfa: {  	v7 =	vld [tilespmem:s17+$0xA0];
	v3 =	vmul.f32 $1.000000000e+01, v13;
	[tilespmem:s17+$0x60] =	vst v2  }
0xfb: {  	v6 =	vmul.f32 $1.000000000e+01, v62;
	[tilespmem:s17+$0x40] =	vst v0;
	v0 =	vld [tilespmem:s17+$0xB0]  }
0xfc: {  	v1 =	vld [tilespmem:s17+$0xC0];
	[tilespmem:s17+$0x70] =	vst v3;
	v4 =	vmul.f32 $1.000000000e+01, v5;
	v5 =	vmul.f32 $1.000000000e+01, v8  }
0xfd: {  	v2 =	vld [tilespmem:s17+$0xD0];
	[tilespmem:s17+$0x80] =	vst v6  }
0xfe: {  	v3 =	vld [tilespmem:s17+$0xE0];
	[tilespmem:s17+$0xFFFFFFF0] =	vst v5;
	v5 =	vmul.f32 $1.000000000e+01, v63  }
0xff: {  	s22 =	simm.s32 $0x0;
	s24 =	simm.s32 $0x9300;
	v6 =	vmul.f32 $1.000000000e+01, v7;
	[tilespmem:s17+$0xFFFFFFE0] =	vst v4;
	v4 =	vld [tilespmem:s17+$0xFFFFFF00]  }
.LBB2_8:
0x100: {  	v7 =	vld [tilespmem:s24+$0xF0];
	s22 =	sadd.s32 $0x4, s22;
	[tilespmem:s17+$0x90] =	vst v5;
	v0 =	vmul.f32 $1.000000000e+01, v0  }
0x101: {  	v5 =	vld [tilespmem:s24+$0xFFFFFF10];
	p0 =	slt.u32 s22, $0x7C;
	[tilespmem:s17+$0xA0] =	vst v6;
	v1 =	vmul.f32 $1.000000000e+01, v1  }
0x102: {  	v6 =	vld [tilespmem:s24+$0xFFFFFF20];
	[tilespmem:s17+$0xB0] =	vst v0;
	v0 =	vmul.f32 $1.000000000e+01, v2  }
0x103: {  	v2 =	vld [tilespmem:s24+$0xFFFFFF30];
	[tilespmem:s17+$0xC0] =	vst v1;
	v1 =	vmul.f32 $1.000000000e+01, v3  }
0x104: {  	v3 =	vld [tilespmem:s24+$0xFFFFFF40];
	v4 =	vmul.f32 $1.000000000e+01, v4;
	[tilespmem:s17+$0xD0] =	vst v0  }
0x105: {  	v0 =	vld [tilespmem:s24+$0xFFFFFF50];
	v7 =	vmul.f32 $1.000000000e+01, v7;
	[tilespmem:s17+$0xE0] =	vst v1  }
0x106: {  	v1 =	vmul.f32 $1.000000000e+01, v5;
	v5 =	vld [tilespmem:s24+$0xFFFFFF60];
	[tilespmem:s17+$0xFFFFFF00] =	vst v4;
	s17 =	smov.u32 s24  }
0x107: {  	v4 =	vmul.f32 $1.000000000e+01, v6;
	v6 =	vld [tilespmem:s24+$0xFFFFFF70];
	[tilespmem:s24+$0xF0] =	vst v7  }
0x108: {  	[tilespmem:s24+$0xFFFFFF10] =	vst v1;
	v1 =	vmul.f32 $1.000000000e+01, v2;
	v2 =	vld [tilespmem:s24+$0xFFFFFF80]  }
0x109: {  	[tilespmem:s24+$0xFFFFFF20] =	vst v4;
	v3 =	vmul.f32 $1.000000000e+01, v3;
	v4 =	vld [tilespmem:s24+$0xFFFFFF90]  }
0x10a: {  	[tilespmem:s24+$0xFFFFFF30] =	vst v1;
	v0 =	vmul.f32 $1.000000000e+01, v0;
	v1 =	vld [tilespmem:s24+$0xFFFFFFA0]  }
0x10b: {  	[tilespmem:s24+$0xFFFFFF40] =	vst v3;
	v3 =	vmul.f32 $1.000000000e+01, v5;
	v5 =	vld [tilespmem:s24+$0xFFFFFFB0]  }
0x10c: {  	[tilespmem:s24+$0xFFFFFF50] =	vst v0;
	v0 =	vmul.f32 $1.000000000e+01, v6;
	v6 =	vld [tilespmem:s24+$0xFFFFFFC0]  }
0x10d: {  	[tilespmem:s24+$0xFFFFFF60] =	vst v3;
	v2 =	vmul.f32 $1.000000000e+01, v2;
	v3 =	vld [tilespmem:s24+$0xFFFFFFD0]  }
0x10e: {  	[tilespmem:s24+$0xFFFFFF70] =	vst v0;
	v0 =	vmul.f32 $1.000000000e+01, v4;
	v4 =	vld [tilespmem:s24+$0xFFFFFFE0]  }
0x10f: {  	[tilespmem:s24+$0xFFFFFF80] =	vst v2;
	v1 =	vmul.f32 $1.000000000e+01, v1;
	v2 =	vld [tilespmem:s24+$0xFFFFFFF0]  }
0x110: {  	[tilespmem:s24+$0xFFFFFF90] =	vst v0;
	v0 =	vmul.f32 $1.000000000e+01, v5;
	v5 =	vld [tilespmem:s24+$0x0]  }
0x111: {  	[tilespmem:s24+$0xFFFFFFA0] =	vst v1;
	v1 =	vmul.f32 $1.000000000e+01, v6;
	v6 =	vld [tilespmem:s24+$0x10]  }
0x112: {  	[tilespmem:s24+$0xFFFFFFB0] =	vst v0;
	v0 =	vmul.f32 $1.000000000e+01, v3;
	v3 =	vld [tilespmem:s24+$0x20]  }
0x113: {  	[tilespmem:s24+$0xFFFFFFC0] =	vst v1;
	v1 =	vmul.f32 $1.000000000e+01, v4;
	v4 =	vld [tilespmem:s24+$0x30]  }
0x114: {  	[tilespmem:s24+$0xFFFFFFD0] =	vst v0;
	v0 =	vmul.f32 $1.000000000e+01, v2;
	v2 =	vld [tilespmem:s24+$0x40]  }
0x115: {  	[tilespmem:s24+$0xFFFFFFE0] =	vst v1;
	v1 =	vmul.f32 $1.000000000e+01, v5;
	v5 =	vld [tilespmem:s24+$0x50]  }
0x116: {  	[tilespmem:s24+$0xFFFFFFF0] =	vst v0;
	v0 =	vmul.f32 $1.000000000e+01, v6;
	v6 =	vld [tilespmem:s24+$0x60]  }
0x117: {  	[tilespmem:s24+$0x0] =	vst v1;
	v1 =	vmul.f32 $1.000000000e+01, v3;
	v3 =	vld [tilespmem:s24+$0x70]  }
0x118: {  	[tilespmem:s24+$0x10] =	vst v0;
	v0 =	vmul.f32 $1.000000000e+01, v4;
	v4 =	vld [tilespmem:s24+$0x80]  }
0x119: {  	[tilespmem:s24+$0x20] =	vst v1;
	v1 =	vmul.f32 $1.000000000e+01, v2;
	v7 =	vld [tilespmem:s24+$0x90]  }
0x11a: {  	[tilespmem:s24+$0x30] =	vst v0;
	v2 =	vmul.f32 $1.000000000e+01, v5;
	v8 =	vld [tilespmem:s24+$0xA0]  }
.Ltmp5:
0x11b: {  	[tilespmem:s24+$0x40] =	vst v1;
	v5 =	vmul.f32 $1.000000000e+01, v6;
	v0 =	vld [tilespmem:s24+$0xB0];
	(pc) =	sbr.rel @p0 .LBB2_8-.Ltmp5, $4  }
0x11c: {  	[tilespmem:s24+$0x50] =	vst v2;
	v3 =	vmul.f32 $1.000000000e+01, v3;
	v1 =	vld [tilespmem:s24+$0xC0]  }
0x11d: {  	[tilespmem:s24+$0x60] =	vst v5;
	v6 =	vmul.f32 $1.000000000e+01, v4;
	v2 =	vld [tilespmem:s24+$0xD0]  }
0x11e: {  	[tilespmem:s24+$0x70] =	vst v3;
	v5 =	vmul.f32 $1.000000000e+01, v7;
	v3 =	vld [tilespmem:s24+$0xE0]  }
0x11f: {  	s24 =	sadd.s32 $0x200, s24;
	v4 =	vld [tilespmem:s17+$0xFFFFFF00];
	[tilespmem:s17+$0x80] =	vst v6;
	v6 =	vmul.f32 $1.000000000e+01, v8  }
0x120: {  	[tilespmem:s17+$0x90] =	vst v5;
	v0 =	vmul.f32 $1.000000000e+01, v0  }
0x121: {  	[tilespmem:s17+$0xA0] =	vst v6;
	v1 =	vmul.f32 $1.000000000e+01, v1  }
0x122: {  	[tilespmem:s17+$0xB0] =	vst v0;
	v0 =	vmul.f32 $1.000000000e+01, v2  }
0x123: {  	[tilespmem:s17+$0xC0] =	vst v1;
	v1 =	vmul.f32 $1.000000000e+01, v3  }
0x124: {  	s22 =	sadd.s32 s10, s2;
	v2 =	vmul.f32 $1.000000000e+01, v4;
	[tilespmem:s17+$0xD0] =	vst v0  }
0x125: {  	p0 =	sgt.u32 s18, $0x2;
	s22 =	sshrl.u32 s22, $0x3;
	[tilespmem:s17+$0xE0] =	vst v1  }
0x126: {  	s24 =	sadd.s32 s3, s22;
	[tilespmem:s17+$0xFFFFFF00] =	vst v2;
	s17 =	simm.s32 @!p0 $0x9  }
0x127: {  	[hbm4b:s24+s4] =	stream.linear.scatter [tilespmem:s23], [sflag:$0x9], $0x4000, $0x38;
	[tilespmem:$0x19000] =	vst v63  }
0x128: {  	_ =	swait.ge @!p0 [sflag:s17], $0x4000  }
0x129: {  	s22 =	simm.s32 @!p0 $0x80;
	[sflag:s17] =	ssyncset.done @!p0 $0x0  }
0x12a: {  	s24 =	simm.s32 @!p0 $0x9000;
	[sflag:s17] =	ssyncadd.s32 @!p0 $0xFFFFC000;
	s17 =	sadd.s32 @!p0 $0x400, s16  }
0x12b: {  	[tilespmem:s24], [sflag:$0x3] =	stream.indirect.gather @!p0 [hbm4b:s1+s22], $0x80, s17, s22, $0xb8;
	[tilespmem:$0x19000] =	vst v63  }
0x12c: {  	_ =	swait.ge [sflag:s29], $0x4000  }
0x12d: {  	[sflag:s29] =	ssyncset.done $0x0  }
0x12e: {  	s17 =	simm.s32 $0xD100;
	[sflag:s29] =	ssyncadd.s32 $0xFFFFC000  }
0x12f: {  	v0 =	vld [tilespmem:s17+$0xFFFFFF10]  }
0x130: {  	v1 =	vld [tilespmem:s17+$0xFFFFFF20]  }
0x131: {  	v2 =	vld [tilespmem:s17+$0xFFFFFF30]  }
0x132: {  	v5 =	vld [tilespmem:s17+$0xFFFFFF60]  }
0x133: {  	v3 =	vld [tilespmem:s17+$0xFFFFFF40]  }
0x134: {  	v4 =	vld [tilespmem:s17+$0xFFFFFF50]  }
0x135: {  	v6 =	vld [tilespmem:s17+$0xFFFFFF70];
	v0 =	vmul.f32 $1.000000000e+01, v0  }
0x136: {  	v7 =	vld [tilespmem:s17+$0xF0];
	v1 =	vmul.f32 $1.000000000e+01, v1  }
0x137: {  	v8 =	vld [tilespmem:s17+$0x10];
	v5 =	vmul.f32 $1.000000000e+01, v5;
	[tilespmem:s17+$0xFFFFFF10] =	vst v0  }
0x138: {  	v9 =	vld [tilespmem:s17+$0x20];
	v2 =	vmul.f32 $1.000000000e+01, v2;
	[tilespmem:s17+$0xFFFFFF20] =	vst v1  }
0x139: {  	v3 =	vmul.f32 $1.000000000e+01, v3;
	[tilespmem:s17+$0xFFFFFF60] =	vst v5;
	v5 =	vld [tilespmem:s17+$0x0]  }
0x13a: {  	v4 =	vmul.f32 $1.000000000e+01, v4;
	v0 =	vld [tilespmem:s17+$0xFFFFFF80];
	[tilespmem:s17+$0xFFFFFF30] =	vst v2  }
0x13b: {  	v6 =	vmul.f32 $1.000000000e+01, v6;
	v1 =	vld [tilespmem:s17+$0xFFFFFF90];
	[tilespmem:s17+$0xFFFFFF40] =	vst v3  }
0x13c: {  	v8 =	vmul.f32 $1.000000000e+01, v8;
	v2 =	vld [tilespmem:s17+$0xFFFFFFA0];
	[tilespmem:s17+$0xFFFFFF50] =	vst v4  }
0x13d: {  	v10 =	vld [tilespmem:s17+$0x30];
	v4 =	vmul.f32 $1.000000000e+01, v7;
	[tilespmem:s17+$0xFFFFFF70] =	vst v6  }
0x13e: {  	v3 =	vld [tilespmem:s17+$0xFFFFFFB0];
	[tilespmem:s17+$0x10] =	vst v8;
	v5 =	vmul.f32 $1.000000000e+01, v5  }
0x13f: {  	v7 =	vld [tilespmem:s17+$0xFFFFFFC0];
	[tilespmem:s17+$0xF0] =	vst v4;
	v0 =	vmul.f32 $1.000000000e+01, v0  }
0x140: {  	v4 =	vld [tilespmem:s17+$0xFFFFFFD0];
	v1 =	vmul.f32 $1.000000000e+01, v1;
	[tilespmem:s17+$0x0] =	vst v5  }
0x141: {  	v11 =	vld [tilespmem:s17+$0x40];
	v2 =	vmul.f32 $1.000000000e+01, v2;
	[tilespmem:s17+$0xFFFFFF80] =	vst v0  }
0x142: {  	v12 =	vld [tilespmem:s17+$0x50];
	v0 =	vmul.f32 $1.000000000e+01, v9;
	[tilespmem:s17+$0xFFFFFF90] =	vst v1  }
0x143: {  	v6 =	vld [tilespmem:s17+$0x60];
	v1 =	vmul.f32 $1.000000000e+01, v3;
	[tilespmem:s17+$0xFFFFFFA0] =	vst v2  }
0x144: {  	v13 =	vld [tilespmem:s17+$0x70];
	v2 =	vmul.f32 $1.000000000e+01, v7;
	[tilespmem:s17+$0x20] =	vst v0  }
0x145: {  	v62 =	vld [tilespmem:s17+$0x80];
	v3 =	vmul.f32 $1.000000000e+01, v4;
	[tilespmem:s17+$0xFFFFFFB0] =	vst v1  }
0x146: {  	v8 =	vld [tilespmem:s17+$0xFFFFFFF0];
	v0 =	vmul.f32 $1.000000000e+01, v10;
	[tilespmem:s17+$0xFFFFFFC0] =	vst v2  }
0x147: {  	v5 =	vld [tilespmem:s17+$0xFFFFFFE0];
	v1 =	vmul.f32 $1.000000000e+01, v12;
	[tilespmem:s17+$0xFFFFFFD0] =	vst v3  }
0x148: {  	v2 =	vmul.f32 $1.000000000e+01, v6;
	[tilespmem:s17+$0x30] =	vst v0  }
0x149: {  	v63 =	vld [tilespmem:s17+$0x90];
	v0 =	vmul.f32 $1.000000000e+01, v11;
	[tilespmem:s17+$0x50] =	vst v1  }
0x14a: {  	v7 =	vld [tilespmem:s17+$0xA0];
	v3 =	vmul.f32 $1.000000000e+01, v13;
	[tilespmem:s17+$0x60] =	vst v2  }
0x14b: {  	v6 =	vmul.f32 $1.000000000e+01, v62;
	[tilespmem:s17+$0x40] =	vst v0;
	v0 =	vld [tilespmem:s17+$0xB0]  }
0x14c: {  	v1 =	vld [tilespmem:s17+$0xC0];
	[tilespmem:s17+$0x70] =	vst v3;
	v4 =	vmul.f32 $1.000000000e+01, v5;
	v5 =	vmul.f32 $1.000000000e+01, v8  }
0x14d: {  	v2 =	vld [tilespmem:s17+$0xD0];
	[tilespmem:s17+$0x80] =	vst v6  }
0x14e: {  	v3 =	vld [tilespmem:s17+$0xE0];
	[tilespmem:s17+$0xFFFFFFF0] =	vst v5;
	v5 =	vmul.f32 $1.000000000e+01, v63  }
0x14f: {  	s22 =	simm.s32 $0x0;
	s24 =	simm.s32 $0xD300;
	v6 =	vmul.f32 $1.000000000e+01, v7;
	[tilespmem:s17+$0xFFFFFFE0] =	vst v4;
	v4 =	vld [tilespmem:s17+$0xFFFFFF00]  }
.LBB2_10:
0x150: {  	v7 =	vld [tilespmem:s24+$0xF0];
	s22 =	sadd.s32 $0x4, s22;
	[tilespmem:s17+$0x90] =	vst v5;
	v0 =	vmul.f32 $1.000000000e+01, v0  }
0x151: {  	v5 =	vld [tilespmem:s24+$0xFFFFFF10];
	p1 =	slt.u32 s22, $0x7C;
	[tilespmem:s17+$0xA0] =	vst v6;
	v1 =	vmul.f32 $1.000000000e+01, v1  }
0x152: {  	v6 =	vld [tilespmem:s24+$0xFFFFFF20];
	[tilespmem:s17+$0xB0] =	vst v0;
	v0 =	vmul.f32 $1.000000000e+01, v2  }
0x153: {  	v2 =	vld [tilespmem:s24+$0xFFFFFF30];
	[tilespmem:s17+$0xC0] =	vst v1;
	v1 =	vmul.f32 $1.000000000e+01, v3  }
0x154: {  	v3 =	vld [tilespmem:s24+$0xFFFFFF40];
	v4 =	vmul.f32 $1.000000000e+01, v4;
	[tilespmem:s17+$0xD0] =	vst v0  }
0x155: {  	v0 =	vld [tilespmem:s24+$0xFFFFFF50];
	v7 =	vmul.f32 $1.000000000e+01, v7;
	[tilespmem:s17+$0xE0] =	vst v1  }
0x156: {  	v1 =	vmul.f32 $1.000000000e+01, v5;
	v5 =	vld [tilespmem:s24+$0xFFFFFF60];
	[tilespmem:s17+$0xFFFFFF00] =	vst v4;
	s17 =	smov.u32 s24  }
0x157: {  	v4 =	vmul.f32 $1.000000000e+01, v6;
	v6 =	vld [tilespmem:s24+$0xFFFFFF70];
	[tilespmem:s24+$0xF0] =	vst v7  }
0x158: {  	[tilespmem:s24+$0xFFFFFF10] =	vst v1;
	v1 =	vmul.f32 $1.000000000e+01, v2;
	v2 =	vld [tilespmem:s24+$0xFFFFFF80]  }
0x159: {  	[tilespmem:s24+$0xFFFFFF20] =	vst v4;
	v3 =	vmul.f32 $1.000000000e+01, v3;
	v4 =	vld [tilespmem:s24+$0xFFFFFF90]  }
0x15a: {  	[tilespmem:s24+$0xFFFFFF30] =	vst v1;
	v0 =	vmul.f32 $1.000000000e+01, v0;
	v1 =	vld [tilespmem:s24+$0xFFFFFFA0]  }
0x15b: {  	[tilespmem:s24+$0xFFFFFF40] =	vst v3;
	v3 =	vmul.f32 $1.000000000e+01, v5;
	v5 =	vld [tilespmem:s24+$0xFFFFFFB0]  }
0x15c: {  	[tilespmem:s24+$0xFFFFFF50] =	vst v0;
	v0 =	vmul.f32 $1.000000000e+01, v6;
	v6 =	vld [tilespmem:s24+$0xFFFFFFC0]  }
0x15d: {  	[tilespmem:s24+$0xFFFFFF60] =	vst v3;
	v2 =	vmul.f32 $1.000000000e+01, v2;
	v3 =	vld [tilespmem:s24+$0xFFFFFFD0]  }
0x15e: {  	[tilespmem:s24+$0xFFFFFF70] =	vst v0;
	v0 =	vmul.f32 $1.000000000e+01, v4;
	v4 =	vld [tilespmem:s24+$0xFFFFFFE0]  }
0x15f: {  	[tilespmem:s24+$0xFFFFFF80] =	vst v2;
	v1 =	vmul.f32 $1.000000000e+01, v1;
	v2 =	vld [tilespmem:s24+$0xFFFFFFF0]  }
0x160: {  	[tilespmem:s24+$0xFFFFFF90] =	vst v0;
	v0 =	vmul.f32 $1.000000000e+01, v5;
	v5 =	vld [tilespmem:s24+$0x0]  }
0x161: {  	[tilespmem:s24+$0xFFFFFFA0] =	vst v1;
	v1 =	vmul.f32 $1.000000000e+01, v6;
	v6 =	vld [tilespmem:s24+$0x10]  }
0x162: {  	[tilespmem:s24+$0xFFFFFFB0] =	vst v0;
	v0 =	vmul.f32 $1.000000000e+01, v3;
	v3 =	vld [tilespmem:s24+$0x20]  }
0x163: {  	[tilespmem:s24+$0xFFFFFFC0] =	vst v1;
	v1 =	vmul.f32 $1.000000000e+01, v4;
	v4 =	vld [tilespmem:s24+$0x30]  }
0x164: {  	[tilespmem:s24+$0xFFFFFFD0] =	vst v0;
	v0 =	vmul.f32 $1.000000000e+01, v2;
	v2 =	vld [tilespmem:s24+$0x40]  }
0x165: {  	[tilespmem:s24+$0xFFFFFFE0] =	vst v1;
	v1 =	vmul.f32 $1.000000000e+01, v5;
	v5 =	vld [tilespmem:s24+$0x50]  }
0x166: {  	[tilespmem:s24+$0xFFFFFFF0] =	vst v0;
	v0 =	vmul.f32 $1.000000000e+01, v6;
	v6 =	vld [tilespmem:s24+$0x60]  }
0x167: {  	[tilespmem:s24+$0x0] =	vst v1;
	v1 =	vmul.f32 $1.000000000e+01, v3;
	v3 =	vld [tilespmem:s24+$0x70]  }
0x168: {  	[tilespmem:s24+$0x10] =	vst v0;
	v0 =	vmul.f32 $1.000000000e+01, v4;
	v4 =	vld [tilespmem:s24+$0x80]  }
0x169: {  	[tilespmem:s24+$0x20] =	vst v1;
	v1 =	vmul.f32 $1.000000000e+01, v2;
	v7 =	vld [tilespmem:s24+$0x90]  }
0x16a: {  	[tilespmem:s24+$0x30] =	vst v0;
	v2 =	vmul.f32 $1.000000000e+01, v5;
	v8 =	vld [tilespmem:s24+$0xA0]  }
.Ltmp6:
0x16b: {  	[tilespmem:s24+$0x40] =	vst v1;
	v5 =	vmul.f32 $1.000000000e+01, v6;
	v0 =	vld [tilespmem:s24+$0xB0];
	(pc) =	sbr.rel @p1 .LBB2_10-.Ltmp6, $4  }
0x16c: {  	[tilespmem:s24+$0x50] =	vst v2;
	v3 =	vmul.f32 $1.000000000e+01, v3;
	v1 =	vld [tilespmem:s24+$0xC0]  }
0x16d: {  	[tilespmem:s24+$0x60] =	vst v5;
	v6 =	vmul.f32 $1.000000000e+01, v4;
	v2 =	vld [tilespmem:s24+$0xD0]  }
0x16e: {  	[tilespmem:s24+$0x70] =	vst v3;
	v5 =	vmul.f32 $1.000000000e+01, v7;
	v3 =	vld [tilespmem:s24+$0xE0]  }
0x16f: {  	s24 =	sadd.s32 $0x200, s24;
	v4 =	vld [tilespmem:s17+$0xFFFFFF00];
	[tilespmem:s17+$0x80] =	vst v6;
	v6 =	vmul.f32 $1.000000000e+01, v8  }
0x170: {  	[tilespmem:s17+$0x90] =	vst v5;
	v0 =	vmul.f32 $1.000000000e+01, v0  }
0x171: {  	[tilespmem:s17+$0xA0] =	vst v6;
	v1 =	vmul.f32 $1.000000000e+01, v1  }
0x172: {  	[tilespmem:s17+$0xB0] =	vst v0;
	v0 =	vmul.f32 $1.000000000e+01, v2  }
0x173: {  	[tilespmem:s17+$0xC0] =	vst v1;
	v1 =	vmul.f32 $1.000000000e+01, v3  }
0x174: {  	s22 =	sadd.s32 s11, s2;
	v2 =	vmul.f32 $1.000000000e+01, v4;
	[tilespmem:s17+$0xD0] =	vst v0  }
0x175: {  	s22 =	sshrl.u32 s22, $0x3;
	[tilespmem:s17+$0xE0] =	vst v1  }
0x176: {  	s24 =	sadd.s32 s3, s22;
	[tilespmem:s17+$0xFFFFFF00] =	vst v2;
	s17 =	simm.s32 @!p0 $0xA  }
0x177: {  	[hbm4b:s24+s4] =	stream.linear.scatter [tilespmem:s25], [sflag:$0xA], $0x4000, $0x38;
	[tilespmem:$0x19000] =	vst v63  }
0x178: {  	_ =	swait.ge @!p0 [sflag:s17], $0x4000  }
0x179: {  	s22 =	simm.s32 @!p0 $0x80;
	[sflag:s17] =	ssyncset.done @!p0 $0x0  }
0x17a: {  	s24 =	simm.s32 @!p0 $0xD000;
	[sflag:s17] =	ssyncadd.s32 @!p0 $0xFFFFC000;
	s17 =	sadd.s32 @!p0 $0x480, s16  }
0x17b: {  	[tilespmem:s24], [sflag:$0x4] =	stream.indirect.gather @!p0 [hbm4b:s1+s22], $0x80, s17, s22, $0xb8;
	[tilespmem:$0x19000] =	vst v63  }
0x17c: {  	_ =	swait.ge [sflag:s7], $0x4000  }
0x17d: {  	[sflag:s7] =	ssyncset.done $0x0  }
0x17e: {  	s17 =	simm.s32 $0x11100;
	[sflag:s7] =	ssyncadd.s32 $0xFFFFC000  }
0x17f: {  	v0 =	vld [tilespmem:s17+$0xFFFFFF10]  }
0x180: {  	v1 =	vld [tilespmem:s17+$0xFFFFFF20]  }
0x181: {  	v2 =	vld [tilespmem:s17+$0xFFFFFF30]  }
0x182: {  	v5 =	vld [tilespmem:s17+$0xFFFFFF60]  }
0x183: {  	v3 =	vld [tilespmem:s17+$0xFFFFFF40]  }
0x184: {  	v4 =	vld [tilespmem:s17+$0xFFFFFF50]  }
0x185: {  	v6 =	vld [tilespmem:s17+$0xFFFFFF70];
	v0 =	vmul.f32 $1.000000000e+01, v0  }
0x186: {  	v7 =	vld [tilespmem:s17+$0xF0];
	v1 =	vmul.f32 $1.000000000e+01, v1  }
0x187: {  	v8 =	vld [tilespmem:s17+$0x10];
	v5 =	vmul.f32 $1.000000000e+01, v5;
	[tilespmem:s17+$0xFFFFFF10] =	vst v0  }
0x188: {  	v9 =	vld [tilespmem:s17+$0x20];
	v2 =	vmul.f32 $1.000000000e+01, v2;
	[tilespmem:s17+$0xFFFFFF20] =	vst v1  }
0x189: {  	v3 =	vmul.f32 $1.000000000e+01, v3;
	[tilespmem:s17+$0xFFFFFF60] =	vst v5;
	v5 =	vld [tilespmem:s17+$0x0]  }
0x18a: {  	v4 =	vmul.f32 $1.000000000e+01, v4;
	v0 =	vld [tilespmem:s17+$0xFFFFFF80];
	[tilespmem:s17+$0xFFFFFF30] =	vst v2  }
0x18b: {  	v6 =	vmul.f32 $1.000000000e+01, v6;
	v1 =	vld [tilespmem:s17+$0xFFFFFF90];
	[tilespmem:s17+$0xFFFFFF40] =	vst v3  }
0x18c: {  	v8 =	vmul.f32 $1.000000000e+01, v8;
	v2 =	vld [tilespmem:s17+$0xFFFFFFA0];
	[tilespmem:s17+$0xFFFFFF50] =	vst v4  }
0x18d: {  	v10 =	vld [tilespmem:s17+$0x30];
	v4 =	vmul.f32 $1.000000000e+01, v7;
	[tilespmem:s17+$0xFFFFFF70] =	vst v6  }
0x18e: {  	v3 =	vld [tilespmem:s17+$0xFFFFFFB0];
	[tilespmem:s17+$0x10] =	vst v8;
	v5 =	vmul.f32 $1.000000000e+01, v5  }
0x18f: {  	v7 =	vld [tilespmem:s17+$0xFFFFFFC0];
	[tilespmem:s17+$0xF0] =	vst v4;
	v0 =	vmul.f32 $1.000000000e+01, v0  }
0x190: {  	v4 =	vld [tilespmem:s17+$0xFFFFFFD0];
	v1 =	vmul.f32 $1.000000000e+01, v1;
	[tilespmem:s17+$0x0] =	vst v5  }
0x191: {  	v11 =	vld [tilespmem:s17+$0x40];
	v2 =	vmul.f32 $1.000000000e+01, v2;
	[tilespmem:s17+$0xFFFFFF80] =	vst v0  }
0x192: {  	v12 =	vld [tilespmem:s17+$0x50];
	v0 =	vmul.f32 $1.000000000e+01, v9;
	[tilespmem:s17+$0xFFFFFF90] =	vst v1  }
0x193: {  	v6 =	vld [tilespmem:s17+$0x60];
	v1 =	vmul.f32 $1.000000000e+01, v3;
	[tilespmem:s17+$0xFFFFFFA0] =	vst v2  }
0x194: {  	v13 =	vld [tilespmem:s17+$0x70];
	v2 =	vmul.f32 $1.000000000e+01, v7;
	[tilespmem:s17+$0x20] =	vst v0  }
0x195: {  	v62 =	vld [tilespmem:s17+$0x80];
	v3 =	vmul.f32 $1.000000000e+01, v4;
	[tilespmem:s17+$0xFFFFFFB0] =	vst v1  }
0x196: {  	v8 =	vld [tilespmem:s17+$0xFFFFFFF0];
	v0 =	vmul.f32 $1.000000000e+01, v10;
	[tilespmem:s17+$0xFFFFFFC0] =	vst v2  }
0x197: {  	v5 =	vld [tilespmem:s17+$0xFFFFFFE0];
	v1 =	vmul.f32 $1.000000000e+01, v12;
	[tilespmem:s17+$0xFFFFFFD0] =	vst v3  }
0x198: {  	v2 =	vmul.f32 $1.000000000e+01, v6;
	[tilespmem:s17+$0x30] =	vst v0  }
0x199: {  	v63 =	vld [tilespmem:s17+$0x90];
	v0 =	vmul.f32 $1.000000000e+01, v11;
	[tilespmem:s17+$0x50] =	vst v1  }
0x19a: {  	v7 =	vld [tilespmem:s17+$0xA0];
	v3 =	vmul.f32 $1.000000000e+01, v13;
	[tilespmem:s17+$0x60] =	vst v2  }
0x19b: {  	v6 =	vmul.f32 $1.000000000e+01, v62;
	[tilespmem:s17+$0x40] =	vst v0;
	v0 =	vld [tilespmem:s17+$0xB0]  }
0x19c: {  	v1 =	vld [tilespmem:s17+$0xC0];
	[tilespmem:s17+$0x70] =	vst v3;
	v4 =	vmul.f32 $1.000000000e+01, v5;
	v5 =	vmul.f32 $1.000000000e+01, v8  }
0x19d: {  	v2 =	vld [tilespmem:s17+$0xD0];
	[tilespmem:s17+$0x80] =	vst v6  }
0x19e: {  	v3 =	vld [tilespmem:s17+$0xE0];
	[tilespmem:s17+$0xFFFFFFF0] =	vst v5;
	v5 =	vmul.f32 $1.000000000e+01, v63  }
0x19f: {  	s22 =	simm.s32 $0x0;
	s24 =	simm.s32 $0x11300;
	v6 =	vmul.f32 $1.000000000e+01, v7;
	[tilespmem:s17+$0xFFFFFFE0] =	vst v4;
	v4 =	vld [tilespmem:s17+$0xFFFFFF00]  }
.LBB2_12:
0x1a0: {  	v7 =	vld [tilespmem:s24+$0xF0];
	s22 =	sadd.s32 $0x4, s22;
	[tilespmem:s17+$0x90] =	vst v5;
	v0 =	vmul.f32 $1.000000000e+01, v0  }
0x1a1: {  	v5 =	vld [tilespmem:s24+$0xFFFFFF10];
	p1 =	slt.u32 s22, $0x7C;
	[tilespmem:s17+$0xA0] =	vst v6;
	v1 =	vmul.f32 $1.000000000e+01, v1  }
0x1a2: {  	v6 =	vld [tilespmem:s24+$0xFFFFFF20];
	[tilespmem:s17+$0xB0] =	vst v0;
	v0 =	vmul.f32 $1.000000000e+01, v2  }
0x1a3: {  	v2 =	vld [tilespmem:s24+$0xFFFFFF30];
	[tilespmem:s17+$0xC0] =	vst v1;
	v1 =	vmul.f32 $1.000000000e+01, v3  }
0x1a4: {  	v3 =	vld [tilespmem:s24+$0xFFFFFF40];
	v4 =	vmul.f32 $1.000000000e+01, v4;
	[tilespmem:s17+$0xD0] =	vst v0  }
0x1a5: {  	v0 =	vld [tilespmem:s24+$0xFFFFFF50];
	v7 =	vmul.f32 $1.000000000e+01, v7;
	[tilespmem:s17+$0xE0] =	vst v1  }
0x1a6: {  	v1 =	vmul.f32 $1.000000000e+01, v5;
	v5 =	vld [tilespmem:s24+$0xFFFFFF60];
	[tilespmem:s17+$0xFFFFFF00] =	vst v4;
	s17 =	smov.u32 s24  }
0x1a7: {  	v4 =	vmul.f32 $1.000000000e+01, v6;
	v6 =	vld [tilespmem:s24+$0xFFFFFF70];
	[tilespmem:s24+$0xF0] =	vst v7  }
0x1a8: {  	[tilespmem:s24+$0xFFFFFF10] =	vst v1;
	v1 =	vmul.f32 $1.000000000e+01, v2;
	v2 =	vld [tilespmem:s24+$0xFFFFFF80]  }
0x1a9: {  	[tilespmem:s24+$0xFFFFFF20] =	vst v4;
	v3 =	vmul.f32 $1.000000000e+01, v3;
	v4 =	vld [tilespmem:s24+$0xFFFFFF90]  }
0x1aa: {  	[tilespmem:s24+$0xFFFFFF30] =	vst v1;
	v0 =	vmul.f32 $1.000000000e+01, v0;
	v1 =	vld [tilespmem:s24+$0xFFFFFFA0]  }
0x1ab: {  	[tilespmem:s24+$0xFFFFFF40] =	vst v3;
	v3 =	vmul.f32 $1.000000000e+01, v5;
	v5 =	vld [tilespmem:s24+$0xFFFFFFB0]  }
0x1ac: {  	[tilespmem:s24+$0xFFFFFF50] =	vst v0;
	v0 =	vmul.f32 $1.000000000e+01, v6;
	v6 =	vld [tilespmem:s24+$0xFFFFFFC0]  }
0x1ad: {  	[tilespmem:s24+$0xFFFFFF60] =	vst v3;
	v2 =	vmul.f32 $1.000000000e+01, v2;
	v3 =	vld [tilespmem:s24+$0xFFFFFFD0]  }
0x1ae: {  	[tilespmem:s24+$0xFFFFFF70] =	vst v0;
	v0 =	vmul.f32 $1.000000000e+01, v4;
	v4 =	vld [tilespmem:s24+$0xFFFFFFE0]  }
0x1af: {  	[tilespmem:s24+$0xFFFFFF80] =	vst v2;
	v1 =	vmul.f32 $1.000000000e+01, v1;
	v2 =	vld [tilespmem:s24+$0xFFFFFFF0]  }
0x1b0: {  	[tilespmem:s24+$0xFFFFFF90] =	vst v0;
	v0 =	vmul.f32 $1.000000000e+01, v5;
	v5 =	vld [tilespmem:s24+$0x0]  }
0x1b1: {  	[tilespmem:s24+$0xFFFFFFA0] =	vst v1;
	v1 =	vmul.f32 $1.000000000e+01, v6;
	v6 =	vld [tilespmem:s24+$0x10]  }
0x1b2: {  	[tilespmem:s24+$0xFFFFFFB0] =	vst v0;
	v0 =	vmul.f32 $1.000000000e+01, v3;
	v3 =	vld [tilespmem:s24+$0x20]  }
0x1b3: {  	[tilespmem:s24+$0xFFFFFFC0] =	vst v1;
	v1 =	vmul.f32 $1.000000000e+01, v4;
	v4 =	vld [tilespmem:s24+$0x30]  }
0x1b4: {  	[tilespmem:s24+$0xFFFFFFD0] =	vst v0;
	v0 =	vmul.f32 $1.000000000e+01, v2;
	v2 =	vld [tilespmem:s24+$0x40]  }
0x1b5: {  	[tilespmem:s24+$0xFFFFFFE0] =	vst v1;
	v1 =	vmul.f32 $1.000000000e+01, v5;
	v5 =	vld [tilespmem:s24+$0x50]  }
0x1b6: {  	[tilespmem:s24+$0xFFFFFFF0] =	vst v0;
	v0 =	vmul.f32 $1.000000000e+01, v6;
	v6 =	vld [tilespmem:s24+$0x60]  }
0x1b7: {  	[tilespmem:s24+$0x0] =	vst v1;
	v1 =	vmul.f32 $1.000000000e+01, v3;
	v3 =	vld [tilespmem:s24+$0x70]  }
0x1b8: {  	[tilespmem:s24+$0x10] =	vst v0;
	v0 =	vmul.f32 $1.000000000e+01, v4;
	v4 =	vld [tilespmem:s24+$0x80]  }
0x1b9: {  	[tilespmem:s24+$0x20] =	vst v1;
	v1 =	vmul.f32 $1.000000000e+01, v2;
	v7 =	vld [tilespmem:s24+$0x90]  }
0x1ba: {  	[tilespmem:s24+$0x30] =	vst v0;
	v2 =	vmul.f32 $1.000000000e+01, v5;
	v8 =	vld [tilespmem:s24+$0xA0]  }
.Ltmp7:
0x1bb: {  	[tilespmem:s24+$0x40] =	vst v1;
	v5 =	vmul.f32 $1.000000000e+01, v6;
	v0 =	vld [tilespmem:s24+$0xB0];
	(pc) =	sbr.rel @p1 .LBB2_12-.Ltmp7, $4  }
0x1bc: {  	[tilespmem:s24+$0x50] =	vst v2;
	v3 =	vmul.f32 $1.000000000e+01, v3;
	v1 =	vld [tilespmem:s24+$0xC0]  }
0x1bd: {  	[tilespmem:s24+$0x60] =	vst v5;
	v6 =	vmul.f32 $1.000000000e+01, v4;
	v2 =	vld [tilespmem:s24+$0xD0]  }
0x1be: {  	[tilespmem:s24+$0x70] =	vst v3;
	v5 =	vmul.f32 $1.000000000e+01, v7;
	v3 =	vld [tilespmem:s24+$0xE0]  }
0x1bf: {  	s24 =	sadd.s32 $0x200, s24;
	v4 =	vld [tilespmem:s17+$0xFFFFFF00];
	[tilespmem:s17+$0x80] =	vst v6;
	v6 =	vmul.f32 $1.000000000e+01, v8  }
0x1c0: {  	[tilespmem:s17+$0x90] =	vst v5;
	v0 =	vmul.f32 $1.000000000e+01, v0  }
0x1c1: {  	[tilespmem:s17+$0xA0] =	vst v6;
	v1 =	vmul.f32 $1.000000000e+01, v1  }
0x1c2: {  	[tilespmem:s17+$0xB0] =	vst v0;
	v0 =	vmul.f32 $1.000000000e+01, v2  }
0x1c3: {  	[tilespmem:s17+$0xC0] =	vst v1;
	v1 =	vmul.f32 $1.000000000e+01, v3  }
0x1c4: {  	s22 =	sadd.s32 s12, s2;
	v2 =	vmul.f32 $1.000000000e+01, v4;
	[tilespmem:s17+$0xD0] =	vst v0  }
0x1c5: {  	s22 =	sshrl.u32 s22, $0x3;
	[tilespmem:s17+$0xE0] =	vst v1  }
0x1c6: {  	s24 =	sadd.s32 s3, s22;
	[tilespmem:s17+$0xFFFFFF00] =	vst v2;
	s17 =	simm.s32 @!p0 $0xB  }
0x1c7: {  	[hbm4b:s24+s4] =	stream.linear.scatter [tilespmem:s28], [sflag:$0xB], $0x4000, $0x38;
	[tilespmem:$0x19000] =	vst v63  }
0x1c8: {  	_ =	swait.ge @!p0 [sflag:s17], $0x4000  }
0x1c9: {  	s22 =	simm.s32 @!p0 $0x80;
	[sflag:s17] =	ssyncset.done @!p0 $0x0  }
0x1ca: {  	s24 =	simm.s32 @!p0 $0x11000;
	[sflag:s17] =	ssyncadd.s32 @!p0 $0xFFFFC000;
	s17 =	sadd.s32 @!p0 $0x500, s16  }
0x1cb: {  	[tilespmem:s24], [sflag:$0x5] =	stream.indirect.gather @!p0 [hbm4b:s1+s22], $0x80, s17, s22, $0xb8;
	[tilespmem:$0x19000] =	vst v63  }
0x1cc: {  	_ =	swait.ge [sflag:s14], $0x4000  }
0x1cd: {  	[sflag:s14] =	ssyncset.done $0x0  }
0x1ce: {  	s17 =	simm.s32 $0x15100;
	[sflag:s14] =	ssyncadd.s32 $0xFFFFC000  }
0x1cf: {  	v0 =	vld [tilespmem:s17+$0xFFFFFF10]  }
0x1d0: {  	v1 =	vld [tilespmem:s17+$0xFFFFFF20]  }
0x1d1: {  	v2 =	vld [tilespmem:s17+$0xFFFFFF30]  }
0x1d2: {  	v5 =	vld [tilespmem:s17+$0xFFFFFF60]  }
0x1d3: {  	v3 =	vld [tilespmem:s17+$0xFFFFFF40]  }
0x1d4: {  	v4 =	vld [tilespmem:s17+$0xFFFFFF50]  }
0x1d5: {  	v6 =	vld [tilespmem:s17+$0xFFFFFF70];
	v0 =	vmul.f32 $1.000000000e+01, v0  }
0x1d6: {  	v7 =	vld [tilespmem:s17+$0xF0];
	v1 =	vmul.f32 $1.000000000e+01, v1  }
0x1d7: {  	v8 =	vld [tilespmem:s17+$0x10];
	v5 =	vmul.f32 $1.000000000e+01, v5;
	[tilespmem:s17+$0xFFFFFF10] =	vst v0  }
0x1d8: {  	v9 =	vld [tilespmem:s17+$0x20];
	v2 =	vmul.f32 $1.000000000e+01, v2;
	[tilespmem:s17+$0xFFFFFF20] =	vst v1  }
0x1d9: {  	v3 =	vmul.f32 $1.000000000e+01, v3;
	[tilespmem:s17+$0xFFFFFF60] =	vst v5;
	v5 =	vld [tilespmem:s17+$0x0]  }
0x1da: {  	v4 =	vmul.f32 $1.000000000e+01, v4;
	v0 =	vld [tilespmem:s17+$0xFFFFFF80];
	[tilespmem:s17+$0xFFFFFF30] =	vst v2  }
0x1db: {  	v6 =	vmul.f32 $1.000000000e+01, v6;
	v1 =	vld [tilespmem:s17+$0xFFFFFF90];
	[tilespmem:s17+$0xFFFFFF40] =	vst v3  }
0x1dc: {  	v8 =	vmul.f32 $1.000000000e+01, v8;
	v2 =	vld [tilespmem:s17+$0xFFFFFFA0];
	[tilespmem:s17+$0xFFFFFF50] =	vst v4  }
0x1dd: {  	v10 =	vld [tilespmem:s17+$0x30];
	v4 =	vmul.f32 $1.000000000e+01, v7;
	[tilespmem:s17+$0xFFFFFF70] =	vst v6  }
0x1de: {  	v3 =	vld [tilespmem:s17+$0xFFFFFFB0];
	[tilespmem:s17+$0x10] =	vst v8;
	v5 =	vmul.f32 $1.000000000e+01, v5  }
0x1df: {  	v7 =	vld [tilespmem:s17+$0xFFFFFFC0];
	[tilespmem:s17+$0xF0] =	vst v4;
	v0 =	vmul.f32 $1.000000000e+01, v0  }
0x1e0: {  	v4 =	vld [tilespmem:s17+$0xFFFFFFD0];
	v1 =	vmul.f32 $1.000000000e+01, v1;
	[tilespmem:s17+$0x0] =	vst v5  }
0x1e1: {  	v11 =	vld [tilespmem:s17+$0x40];
	v2 =	vmul.f32 $1.000000000e+01, v2;
	[tilespmem:s17+$0xFFFFFF80] =	vst v0  }
0x1e2: {  	v12 =	vld [tilespmem:s17+$0x50];
	v0 =	vmul.f32 $1.000000000e+01, v9;
	[tilespmem:s17+$0xFFFFFF90] =	vst v1  }
0x1e3: {  	v6 =	vld [tilespmem:s17+$0x60];
	v1 =	vmul.f32 $1.000000000e+01, v3;
	[tilespmem:s17+$0xFFFFFFA0] =	vst v2  }
0x1e4: {  	v13 =	vld [tilespmem:s17+$0x70];
	v2 =	vmul.f32 $1.000000000e+01, v7;
	[tilespmem:s17+$0x20] =	vst v0  }
0x1e5: {  	v62 =	vld [tilespmem:s17+$0x80];
	v3 =	vmul.f32 $1.000000000e+01, v4;
	[tilespmem:s17+$0xFFFFFFB0] =	vst v1  }
0x1e6: {  	v8 =	vld [tilespmem:s17+$0xFFFFFFF0];
	v0 =	vmul.f32 $1.000000000e+01, v10;
	[tilespmem:s17+$0xFFFFFFC0] =	vst v2  }
0x1e7: {  	v5 =	vld [tilespmem:s17+$0xFFFFFFE0];
	v1 =	vmul.f32 $1.000000000e+01, v12;
	[tilespmem:s17+$0xFFFFFFD0] =	vst v3  }
0x1e8: {  	v2 =	vmul.f32 $1.000000000e+01, v6;
	[tilespmem:s17+$0x30] =	vst v0  }
0x1e9: {  	v63 =	vld [tilespmem:s17+$0x90];
	v0 =	vmul.f32 $1.000000000e+01, v11;
	[tilespmem:s17+$0x50] =	vst v1  }
0x1ea: {  	v7 =	vld [tilespmem:s17+$0xA0];
	v3 =	vmul.f32 $1.000000000e+01, v13;
	[tilespmem:s17+$0x60] =	vst v2  }
0x1eb: {  	v6 =	vmul.f32 $1.000000000e+01, v62;
	[tilespmem:s17+$0x40] =	vst v0;
	v0 =	vld [tilespmem:s17+$0xB0]  }
0x1ec: {  	v1 =	vld [tilespmem:s17+$0xC0];
	[tilespmem:s17+$0x70] =	vst v3;
	v4 =	vmul.f32 $1.000000000e+01, v5;
	v5 =	vmul.f32 $1.000000000e+01, v8  }
0x1ed: {  	v2 =	vld [tilespmem:s17+$0xD0];
	[tilespmem:s17+$0x80] =	vst v6  }
0x1ee: {  	v3 =	vld [tilespmem:s17+$0xE0];
	[tilespmem:s17+$0xFFFFFFF0] =	vst v5;
	v5 =	vmul.f32 $1.000000000e+01, v63  }
0x1ef: {  	s22 =	simm.s32 $0x0;
	s24 =	simm.s32 $0x15300;
	v6 =	vmul.f32 $1.000000000e+01, v7;
	[tilespmem:s17+$0xFFFFFFE0] =	vst v4;
	v4 =	vld [tilespmem:s17+$0xFFFFFF00]  }
.LBB2_14:
0x1f0: {  	v7 =	vld [tilespmem:s24+$0xF0];
	s22 =	sadd.s32 $0x4, s22;
	[tilespmem:s17+$0x90] =	vst v5;
	v0 =	vmul.f32 $1.000000000e+01, v0  }
0x1f1: {  	v5 =	vld [tilespmem:s24+$0xFFFFFF10];
	p1 =	slt.u32 s22, $0x7C;
	[tilespmem:s17+$0xA0] =	vst v6;
	v1 =	vmul.f32 $1.000000000e+01, v1  }
0x1f2: {  	v6 =	vld [tilespmem:s24+$0xFFFFFF20];
	[tilespmem:s17+$0xB0] =	vst v0;
	v0 =	vmul.f32 $1.000000000e+01, v2  }
0x1f3: {  	v2 =	vld [tilespmem:s24+$0xFFFFFF30];
	[tilespmem:s17+$0xC0] =	vst v1;
	v1 =	vmul.f32 $1.000000000e+01, v3  }
0x1f4: {  	v3 =	vld [tilespmem:s24+$0xFFFFFF40];
	v4 =	vmul.f32 $1.000000000e+01, v4;
	[tilespmem:s17+$0xD0] =	vst v0  }
0x1f5: {  	v0 =	vld [tilespmem:s24+$0xFFFFFF50];
	v7 =	vmul.f32 $1.000000000e+01, v7;
	[tilespmem:s17+$0xE0] =	vst v1  }
0x1f6: {  	v1 =	vmul.f32 $1.000000000e+01, v5;
	v5 =	vld [tilespmem:s24+$0xFFFFFF60];
	[tilespmem:s17+$0xFFFFFF00] =	vst v4;
	s17 =	smov.u32 s24  }
0x1f7: {  	v4 =	vmul.f32 $1.000000000e+01, v6;
	v6 =	vld [tilespmem:s24+$0xFFFFFF70];
	[tilespmem:s24+$0xF0] =	vst v7  }
0x1f8: {  	[tilespmem:s24+$0xFFFFFF10] =	vst v1;
	v1 =	vmul.f32 $1.000000000e+01, v2;
	v2 =	vld [tilespmem:s24+$0xFFFFFF80]  }
0x1f9: {  	[tilespmem:s24+$0xFFFFFF20] =	vst v4;
	v3 =	vmul.f32 $1.000000000e+01, v3;
	v4 =	vld [tilespmem:s24+$0xFFFFFF90]  }
0x1fa: {  	[tilespmem:s24+$0xFFFFFF30] =	vst v1;
	v0 =	vmul.f32 $1.000000000e+01, v0;
	v1 =	vld [tilespmem:s24+$0xFFFFFFA0]  }
0x1fb: {  	[tilespmem:s24+$0xFFFFFF40] =	vst v3;
	v3 =	vmul.f32 $1.000000000e+01, v5;
	v5 =	vld [tilespmem:s24+$0xFFFFFFB0]  }
0x1fc: {  	[tilespmem:s24+$0xFFFFFF50] =	vst v0;
	v0 =	vmul.f32 $1.000000000e+01, v6;
	v6 =	vld [tilespmem:s24+$0xFFFFFFC0]  }
0x1fd: {  	[tilespmem:s24+$0xFFFFFF60] =	vst v3;
	v2 =	vmul.f32 $1.000000000e+01, v2;
	v3 =	vld [tilespmem:s24+$0xFFFFFFD0]  }
0x1fe: {  	[tilespmem:s24+$0xFFFFFF70] =	vst v0;
	v0 =	vmul.f32 $1.000000000e+01, v4;
	v4 =	vld [tilespmem:s24+$0xFFFFFFE0]  }
0x1ff: {  	[tilespmem:s24+$0xFFFFFF80] =	vst v2;
	v1 =	vmul.f32 $1.000000000e+01, v1;
	v2 =	vld [tilespmem:s24+$0xFFFFFFF0]  }
0x200: {  	[tilespmem:s24+$0xFFFFFF90] =	vst v0;
	v0 =	vmul.f32 $1.000000000e+01, v5;
	v5 =	vld [tilespmem:s24+$0x0]  }
0x201: {  	[tilespmem:s24+$0xFFFFFFA0] =	vst v1;
	v1 =	vmul.f32 $1.000000000e+01, v6;
	v6 =	vld [tilespmem:s24+$0x10]  }
0x202: {  	[tilespmem:s24+$0xFFFFFFB0] =	vst v0;
	v0 =	vmul.f32 $1.000000000e+01, v3;
	v3 =	vld [tilespmem:s24+$0x20]  }
0x203: {  	[tilespmem:s24+$0xFFFFFFC0] =	vst v1;
	v1 =	vmul.f32 $1.000000000e+01, v4;
	v4 =	vld [tilespmem:s24+$0x30]  }
0x204: {  	[tilespmem:s24+$0xFFFFFFD0] =	vst v0;
	v0 =	vmul.f32 $1.000000000e+01, v2;
	v2 =	vld [tilespmem:s24+$0x40]  }
0x205: {  	[tilespmem:s24+$0xFFFFFFE0] =	vst v1;
	v1 =	vmul.f32 $1.000000000e+01, v5;
	v5 =	vld [tilespmem:s24+$0x50]  }
0x206: {  	[tilespmem:s24+$0xFFFFFFF0] =	vst v0;
	v0 =	vmul.f32 $1.000000000e+01, v6;
	v6 =	vld [tilespmem:s24+$0x60]  }
0x207: {  	[tilespmem:s24+$0x0] =	vst v1;
	v1 =	vmul.f32 $1.000000000e+01, v3;
	v3 =	vld [tilespmem:s24+$0x70]  }
0x208: {  	[tilespmem:s24+$0x10] =	vst v0;
	v0 =	vmul.f32 $1.000000000e+01, v4;
	v4 =	vld [tilespmem:s24+$0x80]  }
0x209: {  	[tilespmem:s24+$0x20] =	vst v1;
	v1 =	vmul.f32 $1.000000000e+01, v2;
	v7 =	vld [tilespmem:s24+$0x90]  }
0x20a: {  	[tilespmem:s24+$0x30] =	vst v0;
	v2 =	vmul.f32 $1.000000000e+01, v5;
	v8 =	vld [tilespmem:s24+$0xA0]  }
.Ltmp8:
0x20b: {  	[tilespmem:s24+$0x40] =	vst v1;
	v5 =	vmul.f32 $1.000000000e+01, v6;
	v0 =	vld [tilespmem:s24+$0xB0];
	(pc) =	sbr.rel @p1 .LBB2_14-.Ltmp8, $4  }
0x20c: {  	[tilespmem:s24+$0x50] =	vst v2;
	v3 =	vmul.f32 $1.000000000e+01, v3;
	v1 =	vld [tilespmem:s24+$0xC0]  }
0x20d: {  	[tilespmem:s24+$0x60] =	vst v5;
	v6 =	vmul.f32 $1.000000000e+01, v4;
	v2 =	vld [tilespmem:s24+$0xD0]  }
0x20e: {  	[tilespmem:s24+$0x70] =	vst v3;
	v5 =	vmul.f32 $1.000000000e+01, v7;
	v3 =	vld [tilespmem:s24+$0xE0]  }
0x20f: {  	s24 =	sadd.s32 $0x200, s24;
	v4 =	vld [tilespmem:s17+$0xFFFFFF00];
	[tilespmem:s17+$0x80] =	vst v6;
	v6 =	vmul.f32 $1.000000000e+01, v8  }
0x210: {  	[tilespmem:s17+$0x90] =	vst v5;
	v0 =	vmul.f32 $1.000000000e+01, v0  }
0x211: {  	[tilespmem:s17+$0xA0] =	vst v6;
	v1 =	vmul.f32 $1.000000000e+01, v1  }
0x212: {  	[tilespmem:s17+$0xB0] =	vst v0;
	v61 =	vmul.f32 $1.000000000e+01, v2  }
0x213: {  	[tilespmem:s17+$0xC0] =	vst v1;
	v62 =	vmul.f32 $1.000000000e+01, v3  }
0x214: {  	s2 =	sadd.s32 s13, s2;
	v63 =	vmul.f32 $1.000000000e+01, v4;
	[tilespmem:s17+$0xD0] =	vst v61  }
0x215: {  	s2 =	sshrl.u32 s2, $0x3;
	[tilespmem:s17+$0xE0] =	vst v62  }
0x216: {  	s2 =	sadd.s32 s3, s2;
	[tilespmem:s17+$0xFFFFFF00] =	vst v63  }
0x217: {  	[hbm4b:s2+s4] =	stream.linear.scatter [tilespmem:s30], [sflag:$0xC], $0x4000, $0x38;
	[tilespmem:$0x19000] =	vst v63  }
0x218: {  	s2 =	simm.s32 @!p0 $0xC  }
0x219: {  	_ =	swait.ge @!p0 [sflag:s2], $0x4000  }
0x21a: {  	s18 =	sadd.s32 $0x1, s18;
	s17 =	simm.s32 @!p0 $0x15000;
	[sflag:s2] =	ssyncset.done @!p0 $0x0  }
0x21b: {  	[sflag:s2] =	ssyncadd.s32 @!p0 $0xFFFFC000;
	s2 =	sadd.s32 @!p0 $0x580, s16;
	s16 =	simm.s32 @!p0 $0x80  }
0x21c: {  	[tilespmem:s17], [sflag:$0x6] =	stream.indirect.gather @!p0 [hbm4b:s1+s16], $0x80, s2, s16, $0xb8;
	[tilespmem:$0x19000] =	vst v63  }
0x21d: {  	p0 =	sne.s32 s18, $0x5  }
.Ltmp9:
0x21e: {  	_ = 	snop;
	(pc) =	sbr.rel @p0 .LBB2_2-.Ltmp9, $4  }
.Ltmp10:
0x21f: {  	_ = 	snop;
	(pc) =	sbr.rel @!p0 .LBB2_16-.Ltmp10, $4  }
0x220: {  	_ = 	snop  }
0x221: {  	_ = 	snop  }
0x222: {  	_ = 	snop  }
0x223: {  	_ = 	snop  }
.LBB2_17:
0x224: {  	_ =	sfence.sel $0x180000  }
0x225: {  	[bflag:$0x0] =	sbarrier.arrive $0xFFFF  }
0x226: {  	_ =	strace $0x90000047  }
0x227: {  	s0 =	stileid.u32;
	[bflag:$0x2] =	sbarrier.arrive $0xFFFF  }
0x228: {  	p0 =	sne.s32 s0, $0x0;
	s0 =	rddreg [dreg:$0x3]  }
0x229: {  	s0 =	sadd.s32 @!p0 $0x100000, s0  }
0x22a: {  	[sflag:s0] =	ssyncadd.tile.s32 @!p0 $0x1;
	_ =	shalt  }
.Lfunc_end2:
_tile_overlayer_lowered:
.L_overlay_start_2:
0x22b: {  	(tag) =	ssettag $0x2  }
0x22c: {  	s0 =	rddreg [dreg:$0x0];
	s2 =	stileid.u32  }
0x22d: {  	s1 =	rddreg [dreg:$0x1];
	p0 =	sne.s32 s2, $0x0  }
0x22e: {  	s3 =	rddreg [dreg:$0x2];
	[bflag:$0x3] =	sbarrier.arrive $0xFFFF;
	s2 =	simm.s32 @!p0 $0x1C0D  }
0x22f: {  	[timem:s3], [sflag:s2] =	dma.local @!p0 [hbm:s0], s1  }
0x230: {  	s0 =	simm.s32 @!p0 $0xD  }
0x231: {  	_ =	swait.ge @!p0 [sflag:s0], s1  }
0x232: {  	s1 =	ssub.s32 @!p0 $0x0, s1;
	[sflag:s0] =	ssyncset.done @!p0 $0x0  }
0x233: {  	[sflag:s0] =	ssyncadd.s32 @!p0 s1  }
0x234: {  	[bflag:$0x3] =	sbarrier.arrive $0xFFFF  }
0x235: {  	_ =	shalt  }

</sc_bundles>
